<compile_context>
chip_gen: v7x
topology: tpu7x:2x2x1
jax: 0.10.2.dev20260603
libtpu: 0.0.44.dev20260713+nightly
codegen_flags: <defaults>
</compile_context>

<pallas_src>
import functools

import jax
import jax.numpy as jnp
from jax import lax
from jax.experimental import pallas as pl
from jax.experimental.pallas import tpu as pltpu
from jax.experimental.pallas import tpu_sc as plsc

B = 16384
D = 32
NC = 2
NS = 16
L = 16
NW = NC * NS
BPW = B // NW
NG = BPW // L

_mesh = plsc.VectorSubcoreMesh(
    core_axis_name="c", subcore_axis_name="s", num_cores=NC, num_subcores=NS
)


@functools.partial(
    pl.kernel,
    out_type=(
        jax.ShapeDtypeStruct((B,), jnp.float32),
        jax.ShapeDtypeStruct((B,), jnp.float32),
    ),
    mesh=_mesh,
    compiler_params=pltpu.CompilerParams(needs_layout_passes=False),
    scratch_types=(
        pltpu.VMEM((BPW,), jnp.int32),
        pltpu.VMEM((BPW,), jnp.int32),
        pltpu.VMEM((BPW,), jnp.int32),
        pltpu.VMEM((L, D), jnp.float32),
        pltpu.VMEM((L, D), jnp.float32),
        pltpu.VMEM((L, D), jnp.float32),
        pltpu.VMEM((BPW,), jnp.float32),
        pltpu.VMEM((BPW,), jnp.float32),
        pltpu.VMEM((3 * L, D), jnp.float32),
        pltpu.SemaphoreType.DMA,
    ),
)
def _bpr_scores(uix, pix, nix, utab, mtab, pos_out, neg_out,
                idx_u, idx_p, idx_n, rows_u, rows_p, rows_n,
                sc_pos, sc_neg, drain, sem):
    wid = lax.axis_index("s") * NC + lax.axis_index("c")
    base = wid * BPW

    pltpu.sync_copy(uix.at[pl.ds(base, BPW)], idx_u)
    pltpu.sync_copy(pix.at[pl.ds(base, BPW)], idx_p)
    pltpu.sync_copy(nix.at[pl.ds(base, BPW)], idx_n)

    iot = lax.iota(jnp.int32, L)
    onehot = [iot == rr for rr in range(L)]

    def group_body(g, carry):
        su_v = idx_u[pl.ds(g * L, L)]
        sp_v = idx_p[pl.ds(g * L, L)]
        sn_v = idx_n[pl.ds(g * L, L)]
        for rr in range(L):
            pltpu.async_copy(utab.at[su_v[rr]], rows_u.at[rr], sem)
            pltpu.async_copy(mtab.at[sp_v[rr]], rows_p.at[rr], sem)
            pltpu.async_copy(mtab.at[sn_v[rr]], rows_n.at[rr], sem)
        pltpu.make_async_copy(utab.at[pl.ds(0, 3 * L)], drain, sem).wait()

        accp = jnp.zeros((L,), jnp.float32)
        accn = jnp.zeros((L,), jnp.float32)
        for rr in range(L):
            u0 = rows_u[rr, pl.ds(0, L)]
            u1 = rows_u[rr, pl.ds(L, L)]
            p0 = rows_p[rr, pl.ds(0, L)]
            p1 = rows_p[rr, pl.ds(L, L)]
            n0 = rows_n[rr, pl.ds(0, L)]
            n1 = rows_n[rr, pl.ds(L, L)]
            sp = jnp.sum(u0 * p0 + u1 * p1)
            sn = jnp.sum(u0 * n0 + u1 * n1)
            accp = jnp.where(onehot[rr], sp, accp)
            accn = jnp.where(onehot[rr], sn, accn)
        sc_pos[pl.ds(g * L, L)] = accp
        sc_neg[pl.ds(g * L, L)] = accn
        return carry

    lax.fori_loop(0, NG, group_body, 0)

    pltpu.sync_copy(sc_pos, pos_out.at[pl.ds(base, BPW)])
    pltpu.sync_copy(sc_neg, neg_out.at[pl.ds(base, BPW)])


def kernel(user_idxs, pos_idxs, neg_idxs, user_table, movie_table):
    return _bpr_scores(user_idxs, pos_idxs, neg_idxs, user_table, movie_table)

# --- scband reference (transcript-rebuilt; emitter-appended) ---
"""Pipeline reference for scband-bprmodel-60730837566099 (READ-ONLY COPY).

The authoritative reference and input builder live on the scoring server;
editing this copy changes nothing except your own understanding.
"""

import jax, jax.numpy as jnp
import numpy as np

N_USERS = 1000000
N_MOVIES = 1000000
EMBED_DIM = 32
BATCH = 16384

def setup_inputs(seed: int = 0) -> dict:
    key = jax.random.key(seed)
    k1, k2, k3, k4, k5 = jax.random.split(key, 5)
    user_idxs = jax.random.randint(k1, (BATCH,), 0, N_USERS, dtype=jnp.int64 if jax.config.jax_enable_x64 else jnp.int32)
    pos_idxs = jax.random.randint(k2, (BATCH,), 0, N_MOVIES, dtype=jnp.int64 if jax.config.jax_enable_x64 else jnp.int32)
    neg_idxs = jax.random.randint(k3, (BATCH,), 0, N_MOVIES, dtype=jnp.int64 if jax.config.jax_enable_x64 else jnp.int32)
    user_table = jax.random.normal(k4, (N_USERS, EMBED_DIM), dtype=jnp.float32) * 0.01
    movie_table = jax.random.normal(k5, (N_MOVIES, EMBED_DIM), dtype=jnp.float32) * 0.01
    return {"user_idxs": user_idxs, "pos_idxs": pos_idxs, "neg_idxs": neg_idxs,
            "user_table": user_table, "movie_table": movie_table}

def reference(user_idxs, pos_idxs, neg_idxs, user_table, movie_table):
    u = jnp.take(user_table, user_idxs, axis=0)
    p = jnp.take(movie_table, pos_idxs, axis=0)
    n = jnp.take(movie_table, neg_idxs, axis=0)
    pos_scores = jnp.sum(u * p, axis=1)
    neg_scores = jnp.sum(u * n, axis=1)
    return (pos_scores, neg_scores)

if __name__ == "__main__":
    import jax
    _d = setup_inputs()
    print(jax.jit(kernel)(*tuple(_d.values())))

</pallas_src>

<mosaic_0001>
#map = affine_map<(d0, d1) -> (0)>
#map1 = affine_map<(d0, d1) -> (0, 0)>
module attributes {stable_mosaic.version = 14 : i64} {
  func.func @_bpr_scores(%arg0: i32, %arg1: i32, %arg2: memref<16384xi32, #tpu.memory_space<hbm>>, %arg3: memref<16384xi32, #tpu.memory_space<hbm>>, %arg4: memref<16384xi32, #tpu.memory_space<hbm>>, %arg5: memref<1000000x32xf32, #tpu.memory_space<hbm>>, %arg6: memref<1000000x32xf32, #tpu.memory_space<hbm>>, %arg7: memref<16384xf32, #tpu.memory_space<hbm>>, %arg8: memref<16384xf32, #tpu.memory_space<hbm>>, %arg9: memref<512xi32, #tpu.memory_space<vmem>>, %arg10: memref<512xi32, #tpu.memory_space<vmem>>, %arg11: memref<512xi32, #tpu.memory_space<vmem>>, %arg12: memref<16x32xf32, #tpu.memory_space<vmem>>, %arg13: memref<16x32xf32, #tpu.memory_space<vmem>>, %arg14: memref<16x32xf32, #tpu.memory_space<vmem>>, %arg15: memref<512xf32, #tpu.memory_space<vmem>>, %arg16: memref<512xf32, #tpu.memory_space<vmem>>, %arg17: memref<48x32xf32, #tpu.memory_space<vmem>>, %arg18: memref<!tpu.dma_semaphore, #tpu.memory_space<semaphore_mem>>) attributes {dimension_semantics = [#tpu.dimension_semantics<core_parallel>, #tpu.dimension_semantics<subcore_parallel>], iteration_bounds = array<i64: 2, 16>, scalar_prefetch = 0 : i64, scratch_operands = 10 : i64, tpu.core_type = #tpu.core_type<sc_vector_subcore>, window_params = [{transform_indices = #map}, {transform_indices = #map}, {transform_indices = #map}, {transform_indices = #map1}, {transform_indices = #map1}, {transform_indices = #map}, {transform_indices = #map}]} {
    %mul3A = arith.constant 2 : i32
    %mul3A_0 = arith.muli %arg1, %mul3A : i32
    %add3A = arith.addi %mul3A_0, %arg0 : i32
    %mul3A_1 = arith.constant 512 : i32
    %mul3A_2 = arith.muli %add3A, %mul3A_1 : i32
    "tpu.region"() ({
      %run_scoped3A = tpu.sem_alloc : memref<!tpu.dma_semaphore, #tpu.memory_space<semaphore_mem>>
      %dma_start3A = tpu.memref_slice %arg2[%mul3A_2] : memref<16384xi32, #tpu.memory_space<hbm>> -> memref<512xi32, #tpu.memory_space<hbm>>
      %dma_start3A_55 = tpu.memref_slice %arg2[%mul3A_2] : memref<16384xi32, #tpu.memory_space<hbm>> -> memref<512xi32, #tpu.memory_space<hbm>>
      tpu.enqueue_dma source(%dma_start3A_55 : memref<512xi32, #tpu.memory_space<hbm>>) target(%arg9 : memref<512xi32, #tpu.memory_space<vmem>>) target_semaphore(%run_scoped3A : memref<!tpu.dma_semaphore, #tpu.memory_space<semaphore_mem>>)
      %dma_wait3A = tpu.memref_slice %arg2[%mul3A_2] : memref<16384xi32, #tpu.memory_space<hbm>> -> memref<512xi32, #tpu.memory_space<hbm>>
      %dma_wait3A_56 = tpu.memref_slice %arg2[%mul3A_2] : memref<16384xi32, #tpu.memory_space<hbm>> -> memref<512xi32, #tpu.memory_space<hbm>>
      tpu.wait_dma2 semaphore(%run_scoped3A : memref<!tpu.dma_semaphore, #tpu.memory_space<semaphore_mem>>) src(%dma_wait3A_56 : memref<512xi32, #tpu.memory_space<hbm>>) dst(%arg9 : memref<512xi32, #tpu.memory_space<vmem>>)
      tpu.yield
    }) : () -> ()
    "tpu.region"() ({
      %run_scoped3A = tpu.sem_alloc : memref<!tpu.dma_semaphore, #tpu.memory_space<semaphore_mem>>
      %dma_start3A = tpu.memref_slice %arg3[%mul3A_2] : memref<16384xi32, #tpu.memory_space<hbm>> -> memref<512xi32, #tpu.memory_space<hbm>>
      %dma_start3A_55 = tpu.memref_slice %arg3[%mul3A_2] : memref<16384xi32, #tpu.memory_space<hbm>> -> memref<512xi32, #tpu.memory_space<hbm>>
      tpu.enqueue_dma source(%dma_start3A_55 : memref<512xi32, #tpu.memory_space<hbm>>) target(%arg10 : memref<512xi32, #tpu.memory_space<vmem>>) target_semaphore(%run_scoped3A : memref<!tpu.dma_semaphore, #tpu.memory_space<semaphore_mem>>)
      %dma_wait3A = tpu.memref_slice %arg3[%mul3A_2] : memref<16384xi32, #tpu.memory_space<hbm>> -> memref<512xi32, #tpu.memory_space<hbm>>
      %dma_wait3A_56 = tpu.memref_slice %arg3[%mul3A_2] : memref<16384xi32, #tpu.memory_space<hbm>> -> memref<512xi32, #tpu.memory_space<hbm>>
      tpu.wait_dma2 semaphore(%run_scoped3A : memref<!tpu.dma_semaphore, #tpu.memory_space<semaphore_mem>>) src(%dma_wait3A_56 : memref<512xi32, #tpu.memory_space<hbm>>) dst(%arg10 : memref<512xi32, #tpu.memory_space<vmem>>)
      tpu.yield
    }) : () -> ()
    "tpu.region"() ({
      %run_scoped3A = tpu.sem_alloc : memref<!tpu.dma_semaphore, #tpu.memory_space<semaphore_mem>>
      %dma_start3A = tpu.memref_slice %arg4[%mul3A_2] : memref<16384xi32, #tpu.memory_space<hbm>> -> memref<512xi32, #tpu.memory_space<hbm>>
      %dma_start3A_55 = tpu.memref_slice %arg4[%mul3A_2] : memref<16384xi32, #tpu.memory_space<hbm>> -> memref<512xi32, #tpu.memory_space<hbm>>
      tpu.enqueue_dma source(%dma_start3A_55 : memref<512xi32, #tpu.memory_space<hbm>>) target(%arg11 : memref<512xi32, #tpu.memory_space<vmem>>) target_semaphore(%run_scoped3A : memref<!tpu.dma_semaphore, #tpu.memory_space<semaphore_mem>>)
      %dma_wait3A = tpu.memref_slice %arg4[%mul3A_2] : memref<16384xi32, #tpu.memory_space<hbm>> -> memref<512xi32, #tpu.memory_space<hbm>>
      %dma_wait3A_56 = tpu.memref_slice %arg4[%mul3A_2] : memref<16384xi32, #tpu.memory_space<hbm>> -> memref<512xi32, #tpu.memory_space<hbm>>
      tpu.wait_dma2 semaphore(%run_scoped3A : memref<!tpu.dma_semaphore, #tpu.memory_space<semaphore_mem>>) src(%dma_wait3A_56 : memref<512xi32, #tpu.memory_space<hbm>>) dst(%arg11 : memref<512xi32, #tpu.memory_space<vmem>>)
      tpu.yield
    }) : () -> ()
    %iota3A = tpu.iota {dimensions = array<i32: 0>} : vector<16xi32>
    %eq3A = arith.constant 0 : i32
    %eq3A_3 = vector.broadcast %eq3A : i32 to vector<16xi32>
    %eq3A_4 = arith.cmpi eq, %iota3A, %eq3A_3 : vector<16xi32>
    %eq3A_5 = arith.constant 1 : i32
    %eq3A_6 = vector.broadcast %eq3A_5 : i32 to vector<16xi32>
    %eq3A_7 = arith.cmpi eq, %iota3A, %eq3A_6 : vector<16xi32>
    %eq3A_8 = arith.constant 2 : i32
    %eq3A_9 = vector.broadcast %eq3A_8 : i32 to vector<16xi32>
    %eq3A_10 = arith.cmpi eq, %iota3A, %eq3A_9 : vector<16xi32>
    %eq3A_11 = arith.constant 3 : i32
    %eq3A_12 = vector.broadcast %eq3A_11 : i32 to vector<16xi32>
    %eq3A_13 = arith.cmpi eq, %iota3A, %eq3A_12 : vector<16xi32>
    %eq3A_14 = arith.constant 4 : i32
    %eq3A_15 = vector.broadcast %eq3A_14 : i32 to vector<16xi32>
    %eq3A_16 = arith.cmpi eq, %iota3A, %eq3A_15 : vector<16xi32>
    %eq3A_17 = arith.constant 5 : i32
    %eq3A_18 = vector.broadcast %eq3A_17 : i32 to vector<16xi32>
    %eq3A_19 = arith.cmpi eq, %iota3A, %eq3A_18 : vector<16xi32>
    %eq3A_20 = arith.constant 6 : i32
    %eq3A_21 = vector.broadcast %eq3A_20 : i32 to vector<16xi32>
    %eq3A_22 = arith.cmpi eq, %iota3A, %eq3A_21 : vector<16xi32>
    %eq3A_23 = arith.constant 7 : i32
    %eq3A_24 = vector.broadcast %eq3A_23 : i32 to vector<16xi32>
    %eq3A_25 = arith.cmpi eq, %iota3A, %eq3A_24 : vector<16xi32>
    %eq3A_26 = arith.constant 8 : i32
    %eq3A_27 = vector.broadcast %eq3A_26 : i32 to vector<16xi32>
    %eq3A_28 = arith.cmpi eq, %iota3A, %eq3A_27 : vector<16xi32>
    %eq3A_29 = arith.constant 9 : i32
    %eq3A_30 = vector.broadcast %eq3A_29 : i32 to vector<16xi32>
    %eq3A_31 = arith.cmpi eq, %iota3A, %eq3A_30 : vector<16xi32>
    %eq3A_32 = arith.constant 10 : i32
    %eq3A_33 = vector.broadcast %eq3A_32 : i32 to vector<16xi32>
    %eq3A_34 = arith.cmpi eq, %iota3A, %eq3A_33 : vector<16xi32>
    %eq3A_35 = arith.constant 11 : i32
    %eq3A_36 = vector.broadcast %eq3A_35 : i32 to vector<16xi32>
    %eq3A_37 = arith.cmpi eq, %iota3A, %eq3A_36 : vector<16xi32>
    %eq3A_38 = arith.constant 12 : i32
    %eq3A_39 = vector.broadcast %eq3A_38 : i32 to vector<16xi32>
    %eq3A_40 = arith.cmpi eq, %iota3A, %eq3A_39 : vector<16xi32>
    %eq3A_41 = arith.constant 13 : i32
    %eq3A_42 = vector.broadcast %eq3A_41 : i32 to vector<16xi32>
    %eq3A_43 = arith.cmpi eq, %iota3A, %eq3A_42 : vector<16xi32>
    %eq3A_44 = arith.constant 14 : i32
    %eq3A_45 = vector.broadcast %eq3A_44 : i32 to vector<16xi32>
    %eq3A_46 = arith.cmpi eq, %iota3A, %eq3A_45 : vector<16xi32>
    %eq3A_47 = arith.constant 15 : i32
    %eq3A_48 = vector.broadcast %eq3A_47 : i32 to vector<16xi32>
    %eq3A_49 = arith.cmpi eq, %iota3A, %eq3A_48 : vector<16xi32>
    %scan3A = arith.constant 0 : i32
    %scan3A_50 = arith.constant 0 : i32
    %scan3A_51 = arith.constant 32 : i32
    %scan3A_52 = arith.addi %scan3A_50, %scan3A_51 : i32
    %scan3A_53 = arith.constant 1 : i32
    scf.for %scan3A_55 = %scan3A_50 to %scan3A_52 step %scan3A_53  : i32 {
      %mul3A_56 = arith.constant 16 : i32
      %mul3A_57 = arith.muli %scan3A_55, %mul3A_56 : i32
      %get3A = arith.index_cast %mul3A_57 : i32 to index
      %get3A_58 = tpu.vector_load %arg9[%get3A] {strides = array<i32>} : memref<512xi32, #tpu.memory_space<vmem>>, vector<16xi32>,
      %mul3A_59 = arith.constant 16 : i32
      %mul3A_60 = arith.muli %scan3A_55, %mul3A_59 : i32
      %get3A_61 = arith.index_cast %mul3A_60 : i32 to index
      %get3A_62 = tpu.vector_load %arg10[%get3A_61] {strides = array<i32>} : memref<512xi32, #tpu.memory_space<vmem>>, vector<16xi32>,
      %mul3A_63 = arith.constant 16 : i32
      %mul3A_64 = arith.muli %scan3A_55, %mul3A_63 : i32
      %get3A_65 = arith.index_cast %mul3A_64 : i32 to index
      %get3A_66 = tpu.vector_load %arg11[%get3A_65] {strides = array<i32>} : memref<512xi32, #tpu.memory_space<vmem>>, vector<16xi32>,
      %slice3A = vector.extract_strided_slice %get3A_58 {offsets = [0], sizes = [1], strides = [1]} : vector<16xi32> to vector<1xi32>
      %squeeze3A = vector.extract %slice3A[0] : i32 from vector<1xi32>
      %dma_start3A = arith.constant 0 : i32
      %dma_start3A_67 = arith.constant 0 : i32
      %dma_start3A_68 = tpu.memref_slice %arg12[%dma_start3A, %dma_start3A_67] : memref<16x32xf32, #tpu.memory_space<vmem>> -> memref<1x32xf32, #tpu.memory_space<vmem>>
      %dma_start3A_69 = tpu.memref_squeeze %dma_start3A_68 : memref<1x32xf32, #tpu.memory_space<vmem>> -> memref<32xf32, #tpu.memory_space<vmem>>
      %dma_start3A_70 = arith.constant 0 : i32
      %dma_start3A_71 = tpu.memref_slice %arg5[%squeeze3A, %dma_start3A_70] : memref<1000000x32xf32, #tpu.memory_space<hbm>> -> memref<1x32xf32, #tpu.memory_space<hbm>>
      %dma_start3A_72 = tpu.memref_squeeze %dma_start3A_71 : memref<1x32xf32, #tpu.memory_space<hbm>> -> memref<32xf32, #tpu.memory_space<hbm>>
      %dma_start3A_73 = arith.constant 0 : i32
      %dma_start3A_74 = tpu.memref_slice %arg12[%dma_start3A, %dma_start3A_73] : memref<16x32xf32, #tpu.memory_space<vmem>> -> memref<1x32xf32, #tpu.memory_space<vmem>>
      %dma_start3A_75 = tpu.memref_squeeze %dma_start3A_74 : memref<1x32xf32, #tpu.memory_space<vmem>> -> memref<32xf32, #tpu.memory_space<vmem>>
      %dma_start3A_76 = arith.constant 0 : i32
      %dma_start3A_77 = tpu.memref_slice %arg5[%squeeze3A, %dma_start3A_76] : memref<1000000x32xf32, #tpu.memory_space<hbm>> -> memref<1x32xf32, #tpu.memory_space<hbm>>
      %dma_start3A_78 = tpu.memref_squeeze %dma_start3A_77 : memref<1x32xf32, #tpu.memory_space<hbm>> -> memref<32xf32, #tpu.memory_space<hbm>>
      tpu.enqueue_dma source(%dma_start3A_78 : memref<32xf32, #tpu.memory_space<hbm>>) target(%dma_start3A_75 : memref<32xf32, #tpu.memory_space<vmem>>) target_semaphore(%arg18 : memref<!tpu.dma_semaphore, #tpu.memory_space<semaphore_mem>>)
      %slice3A_79 = vector.extract_strided_slice %get3A_62 {offsets = [0], sizes = [1], strides = [1]} : vector<16xi32> to vector<1xi32>
      %squeeze3A_80 = vector.extract %slice3A_79[0] : i32 from vector<1xi32>
      %dma_start3A_81 = arith.constant 0 : i32
      %dma_start3A_82 = arith.constant 0 : i32
      %dma_start3A_83 = tpu.memref_slice %arg13[%dma_start3A_81, %dma_start3A_82] : memref<16x32xf32, #tpu.memory_space<vmem>> -> memref<1x32xf32, #tpu.memory_space<vmem>>
      %dma_start3A_84 = tpu.memref_squeeze %dma_start3A_83 : memref<1x32xf32, #tpu.memory_space<vmem>> -> memref<32xf32, #tpu.memory_space<vmem>>
      %dma_start3A_85 = arith.constant 0 : i32
      %dma_start3A_86 = tpu.memref_slice %arg6[%squeeze3A_80, %dma_start3A_85] : memref<1000000x32xf32, #tpu.memory_space<hbm>> -> memref<1x32xf32, #tpu.memory_space<hbm>>
      %dma_start3A_87 = tpu.memref_squeeze %dma_start3A_86 : memref<1x32xf32, #tpu.memory_space<hbm>> -> memref<32xf32, #tpu.memory_space<hbm>>
      %dma_start3A_88 = arith.constant 0 : i32
      %dma_start3A_89 = tpu.memref_slice %arg13[%dma_start3A_81, %dma_start3A_88] : memref<16x32xf32, #tpu.memory_space<vmem>> -> memref<1x32xf32, #tpu.memory_space<vmem>>
      %dma_start3A_90 = tpu.memref_squeeze %dma_start3A_89 : memref<1x32xf32, #tpu.memory_space<vmem>> -> memref<32xf32, #tpu.memory_space<vmem>>
      %dma_start3A_91 = arith.constant 0 : i32
      %dma_start3A_92 = tpu.memref_slice %arg6[%squeeze3A_80, %dma_start3A_91] : memref<1000000x32xf32, #tpu.memory_space<hbm>> -> memref<1x32xf32, #tpu.memory_space<hbm>>
      %dma_start3A_93 = tpu.memref_squeeze %dma_start3A_92 : memref<1x32xf32, #tpu.memory_space<hbm>> -> memref<32xf32, #tpu.memory_space<hbm>>
      tpu.enqueue_dma source(%dma_start3A_93 : memref<32xf32, #tpu.memory_space<hbm>>) target(%dma_start3A_90 : memref<32xf32, #tpu.memory_space<vmem>>) target_semaphore(%arg18 : memref<!tpu.dma_semaphore, #tpu.memory_space<semaphore_mem>>)
      %slice3A_94 = vector.extract_strided_slice %get3A_66 {offsets = [0], sizes = [1], strides = [1]} : vector<16xi32> to vector<1xi32>
      %squeeze3A_95 = vector.extract %slice3A_94[0] : i32 from vector<1xi32>
      %dma_start3A_96 = arith.constant 0 : i32
      %dma_start3A_97 = arith.constant 0 : i32
      %dma_start3A_98 = tpu.memref_slice %arg14[%dma_start3A_96, %dma_start3A_97] : memref<16x32xf32, #tpu.memory_space<vmem>> -> memref<1x32xf32, #tpu.memory_space<vmem>>
      %dma_start3A_99 = tpu.memref_squeeze %dma_start3A_98 : memref<1x32xf32, #tpu.memory_space<vmem>> -> memref<32xf32, #tpu.memory_space<vmem>>
      %dma_start3A_100 = arith.constant 0 : i32
      %dma_start3A_101 = tpu.memref_slice %arg6[%squeeze3A_95, %dma_start3A_100] : memref<1000000x32xf32, #tpu.memory_space<hbm>> -> memref<1x32xf32, #tpu.memory_space<hbm>>
      %dma_start3A_102 = tpu.memref_squeeze %dma_start3A_101 : memref<1x32xf32, #tpu.memory_space<hbm>> -> memref<32xf32, #tpu.memory_space<hbm>>
      %dma_start3A_103 = arith.constant 0 : i32
      %dma_start3A_104 = tpu.memref_slice %arg14[%dma_start3A_96, %dma_start3A_103] : memref<16x32xf32, #tpu.memory_space<vmem>> -> memref<1x32xf32, #tpu.memory_space<vmem>>
      %dma_start3A_105 = tpu.memref_squeeze %dma_start3A_104 : memref<1x32xf32, #tpu.memory_space<vmem>> -> memref<32xf32, #tpu.memory_space<vmem>>
      %dma_start3A_106 = arith.constant 0 : i32
      %dma_start3A_107 = tpu.memref_slice %arg6[%squeeze3A_95, %dma_start3A_106] : memref<1000000x32xf32, #tpu.memory_space<hbm>> -> memref<1x32xf32, #tpu.memory_space<hbm>>
      %dma_start3A_108 = tpu.memref_squeeze %dma_start3A_107 : memref<1x32xf32, #tpu.memory_space<hbm>> -> memref<32xf32, #tpu.memory_space<hbm>>
      tpu.enqueue_dma source(%dma_start3A_108 : memref<32xf32, #tpu.memory_space<hbm>>) target(%dma_start3A_105 : memref<32xf32, #tpu.memory_space<vmem>>) target_semaphore(%arg18 : memref<!tpu.dma_semaphore, #tpu.memory_space<semaphore_mem>>)
      %slice3A_109 = vector.extract_strided_slice %get3A_58 {offsets = [1], sizes = [1], strides = [1]} : vector<16xi32> to vector<1xi32>
      %squeeze3A_110 = vector.extract %slice3A_109[0] : i32 from vector<1xi32>
      %dma_start3A_111 = arith.constant 1 : i32
      %dma_start3A_112 = arith.constant 0 : i32
      %dma_start3A_113 = tpu.memref_slice %arg12[%dma_start3A_111, %dma_start3A_112] : memref<16x32xf32, #tpu.memory_space<vmem>> -> memref<1x32xf32, #tpu.memory_space<vmem>>
      %dma_start3A_114 = tpu.memref_squeeze %dma_start3A_113 : memref<1x32xf32, #tpu.memory_space<vmem>> -> memref<32xf32, #tpu.memory_space<vmem>>
      %dma_start3A_115 = arith.constant 0 : i32
      %dma_start3A_116 = tpu.memref_slice %arg5[%squeeze3A_110, %dma_start3A_115] : memref<1000000x32xf32, #tpu.memory_space<hbm>> -> memref<1x32xf32, #tpu.memory_space<hbm>>
      %dma_start3A_117 = tpu.memref_squeeze %dma_start3A_116 : memref<1x32xf32, #tpu.memory_space<hbm>> -> memref<32xf32, #tpu.memory_space<hbm>>
      %dma_start3A_118 = arith.constant 0 : i32
      %dma_start3A_119 = tpu.memref_slice %arg12[%dma_start3A_111, %dma_start3A_118] : memref<16x32xf32, #tpu.memory_space<vmem>> -> memref<1x32xf32, #tpu.memory_space<vmem>>
      %dma_start3A_120 = tpu.memref_squeeze %dma_start3A_119 : memref<1x32xf32, #tpu.memory_space<vmem>> -> memref<32xf32, #tpu.memory_space<vmem>>
      %dma_start3A_121 = arith.constant 0 : i32
      %dma_start3A_122 = tpu.memref_slice %arg5[%squeeze3A_110, %dma_start3A_121] : memref<1000000x32xf32, #tpu.memory_space<hbm>> -> memref<1x32xf32, #tpu.memory_space<hbm>>
      %dma_start3A_123 = tpu.memref_squeeze %dma_start3A_122 : memref<1x32xf32, #tpu.memory_space<hbm>> -> memref<32xf32, #tpu.memory_space<hbm>>
      tpu.enqueue_dma source(%dma_start3A_123 : memref<32xf32, #tpu.memory_space<hbm>>) target(%dma_start3A_120 : memref<32xf32, #tpu.memory_space<vmem>>) target_semaphore(%arg18 : memref<!tpu.dma_semaphore, #tpu.memory_space<semaphore_mem>>)
      %slice3A_124 = vector.extract_strided_slice %get3A_62 {offsets = [1], sizes = [1], strides = [1]} : vector<16xi32> to vector<1xi32>
      %squeeze3A_125 = vector.extract %slice3A_124[0] : i32 from vector<1xi32>
      %dma_start3A_126 = arith.constant 1 : i32
      %dma_start3A_127 = arith.constant 0 : i32
      %dma_start3A_128 = tpu.memref_slice %arg13[%dma_start3A_126, %dma_start3A_127] : memref<16x32xf32, #tpu.memory_space<vmem>> -> memref<1x32xf32, #tpu.memory_space<vmem>>
      %dma_start3A_129 = tpu.memref_squeeze %dma_start3A_128 : memref<1x32xf32, #tpu.memory_space<vmem>> -> memref<32xf32, #tpu.memory_space<vmem>>
      %dma_start3A_130 = arith.constant 0 : i32
      %dma_start3A_131 = tpu.memref_slice %arg6[%squeeze3A_125, %dma_start3A_130] : memref<1000000x32xf32, #tpu.memory_space<hbm>> -> memref<1x32xf32, #tpu.memory_space<hbm>>
      %dma_start3A_132 = tpu.memref_squeeze %dma_start3A_131 : memref<1x32xf32, #tpu.memory_space<hbm>> -> memref<32xf32, #tpu.memory_space<hbm>>
      %dma_start3A_133 = arith.constant 0 : i32
      %dma_start3A_134 = tpu.memref_slice %arg13[%dma_start3A_126, %dma_start3A_133] : memref<16x32xf32, #tpu.memory_space<vmem>> -> memref<1x32xf32, #tpu.memory_space<vmem>>
      %dma_start3A_135 = tpu.memref_squeeze %dma_start3A_134 : memref<1x32xf32, #tpu.memory_space<vmem>> -> memref<32xf32, #tpu.memory_space<vmem>>
      %dma_start3A_136 = arith.constant 0 : i32
      %dma_start3A_137 = tpu.memref_slice %arg6[%squeeze3A_125, %dma_start3A_136] : memref<1000000x32xf32, #tpu.memory_space<hbm>> -> memref<1x32xf32, #tpu.memory_space<hbm>>
      %dma_start3A_138 = tpu.memref_squeeze %dma_start3A_137 : memref<1x32xf32, #tpu.memory_space<hbm>> -> memref<32xf32, #tpu.memory_space<hbm>>
      tpu.enqueue_dma source(%dma_start3A_138 : memref<32xf32, #tpu.memory_space<hbm>>) target(%dma_start3A_135 : memref<32xf32, #tpu.memory_space<vmem>>) target_semaphore(%arg18 : memref<!tpu.dma_semaphore, #tpu.memory_space<semaphore_mem>>)
      %slice3A_139 = vector.extract_strided_slice %get3A_66 {offsets = [1], sizes = [1], strides = [1]} : vector<16xi32> to vector<1xi32>
      %squeeze3A_140 = vector.extract %slice3A_139[0] : i32 from vector<1xi32>
      %dma_start3A_141 = arith.constant 1 : i32
      %dma_start3A_142 = arith.constant 0 : i32
      %dma_start3A_143 = tpu.memref_slice %arg14[%dma_start3A_141, %dma_start3A_142] : memref<16x32xf32, #tpu.memory_space<vmem>> -> memref<1x32xf32, #tpu.memory_space<vmem>>
      %dma_start3A_144 = tpu.memref_squeeze %dma_start3A_143 : memref<1x32xf32, #tpu.memory_space<vmem>> -> memref<32xf32, #tpu.memory_space<vmem>>
      %dma_start3A_145 = arith.constant 0 : i32
      %dma_start3A_146 = tpu.memref_slice %arg6[%squeeze3A_140, %dma_start3A_145] : memref<1000000x32xf32, #tpu.memory_space<hbm>> -> memref<1x32xf32, #tpu.memory_space<hbm>>
      %dma_start3A_147 = tpu.memref_squeeze %dma_start3A_146 : memref<1x32xf32, #tpu.memory_space<hbm>> -> memref<32xf32, #tpu.memory_space<hbm>>
      %dma_start3A_148 = arith.constant 0 : i32
      %dma_start3A_149 = tpu.memref_slice %arg14[%dma_start3A_141, %dma_start3A_148] : memref<16x32xf32, #tpu.memory_space<vmem>> -> memref<1x32xf32, #tpu.memory_space<vmem>>
      %dma_start3A_150 = tpu.memref_squeeze %dma_start3A_149 : memref<1x32xf32, #tpu.memory_space<vmem>> -> memref<32xf32, #tpu.memory_space<vmem>>
      %dma_start3A_151 = arith.constant 0 : i32
      %dma_start3A_152 = tpu.memref_slice %arg6[%squeeze3A_140, %dma_start3A_151] : memref<1000000x32xf32, #tpu.memory_space<hbm>> -> memref<1x32xf32, #tpu.memory_space<hbm>>
      %dma_start3A_153 = tpu.memref_squeeze %dma_start3A_152 : memref<1x32xf32, #tpu.memory_space<hbm>> -> memref<32xf32, #tpu.memory_space<hbm>>
      tpu.enqueue_dma source(%dma_start3A_153 : memref<32xf32, #tpu.memory_space<hbm>>) target(%dma_start3A_150 : memref<32xf32, #tpu.memory_space<vmem>>) target_semaphore(%arg18 : memref<!tpu.dma_semaphore, #tpu.memory_space<semaphore_mem>>)
      %slice3A_154 = vector.extract_strided_slice %get3A_58 {offsets = [2], sizes = [1], strides = [1]} : vector<16xi32> to vector<1xi32>
      %squeeze3A_155 = vector.extract %slice3A_154[0] : i32 from vector<1xi32>
      %dma_start3A_156 = arith.constant 2 : i32
      %dma_start3A_157 = arith.constant 0 : i32
      %dma_start3A_158 = tpu.memref_slice %arg12[%dma_start3A_156, %dma_start3A_157] : memref<16x32xf32, #tpu.memory_space<vmem>> -> memref<1x32xf32, #tpu.memory_space<vmem>>
      %dma_start3A_159 = tpu.memref_squeeze %dma_start3A_158 : memref<1x32xf32, #tpu.memory_space<vmem>> -> memref<32xf32, #tpu.memory_space<vmem>>
      %dma_start3A_160 = arith.constant 0 : i32
      %dma_start3A_161 = tpu.memref_slice %arg5[%squeeze3A_155, %dma_start3A_160] : memref<1000000x32xf32, #tpu.memory_space<hbm>> -> memref<1x32xf32, #tpu.memory_space<hbm>>
      %dma_start3A_162 = tpu.memref_squeeze %dma_start3A_161 : memref<1x32xf32, #tpu.memory_space<hbm>> -> memref<32xf32, #tpu.memory_space<hbm>>
      %dma_start3A_163 = arith.constant 0 : i32
      %dma_start3A_164 = tpu.memref_slice %arg12[%dma_start3A_156, %dma_start3A_163] : memref<16x32xf32, #tpu.memory_space<vmem>> -> memref<1x32xf32, #tpu.memory_space<vmem>>
      %dma_start3A_165 = tpu.memref_squeeze %dma_start3A_164 : memref<1x32xf32, #tpu.memory_space<vmem>> -> memref<32xf32, #tpu.memory_space<vmem>>
      %dma_start3A_166 = arith.constant 0 : i32
      %dma_start3A_167 = tpu.memref_slice %arg5[%squeeze3A_155, %dma_start3A_166] : memref<1000000x32xf32, #tpu.memory_space<hbm>> -> memref<1x32xf32, #tpu.memory_space<hbm>>
      %dma_start3A_168 = tpu.memref_squeeze %dma_start3A_167 : memref<1x32xf32, #tpu.memory_space<hbm>> -> memref<32xf32, #tpu.memory_space<hbm>>
      tpu.enqueue_dma source(%dma_start3A_168 : memref<32xf32, #tpu.memory_space<hbm>>) target(%dma_start3A_165 : memref<32xf32, #tpu.memory_space<vmem>>) target_semaphore(%arg18 : memref<!tpu.dma_semaphore, #tpu.memory_space<semaphore_mem>>)
      %slice3A_169 = vector.extract_strided_slice %get3A_62 {offsets = [2], sizes = [1], strides = [1]} : vector<16xi32> to vector<1xi32>
      %squeeze3A_170 = vector.extract %slice3A_169[0] : i32 from vector<1xi32>
      %dma_start3A_171 = arith.constant 2 : i32
      %dma_start3A_172 = arith.constant 0 : i32
      %dma_start3A_173 = tpu.memref_slice %arg13[%dma_start3A_171, %dma_start3A_172] : memref<16x32xf32, #tpu.memory_space<vmem>> -> memref<1x32xf32, #tpu.memory_space<vmem>>
      %dma_start3A_174 = tpu.memref_squeeze %dma_start3A_173 : memref<1x32xf32, #tpu.memory_space<vmem>> -> memref<32xf32, #tpu.memory_space<vmem>>
      %dma_start3A_175 = arith.constant 0 : i32
      %dma_start3A_176 = tpu.memref_slice %arg6[%squeeze3A_170, %dma_start3A_175] : memref<1000000x32xf32, #tpu.memory_space<hbm>> -> memref<1x32xf32, #tpu.memory_space<hbm>>
      %dma_start3A_177 = tpu.memref_squeeze %dma_start3A_176 : memref<1x32xf32, #tpu.memory_space<hbm>> -> memref<32xf32, #tpu.memory_space<hbm>>
      %dma_start3A_178 = arith.constant 0 : i32
      %dma_start3A_179 = tpu.memref_slice %arg13[%dma_start3A_171, %dma_start3A_178] : memref<16x32xf32, #tpu.memory_space<vmem>> -> memref<1x32xf32, #tpu.memory_space<vmem>>
      %dma_start3A_180 = tpu.memref_squeeze %dma_start3A_179 : memref<1x32xf32, #tpu.memory_space<vmem>> -> memref<32xf32, #tpu.memory_space<vmem>>
      %dma_start3A_181 = arith.constant 0 : i32
      %dma_start3A_182 = tpu.memref_slice %arg6[%squeeze3A_170, %dma_start3A_181] : memref<1000000x32xf32, #tpu.memory_space<hbm>> -> memref<1x32xf32, #tpu.memory_space<hbm>>
      %dma_start3A_183 = tpu.memref_squeeze %dma_start3A_182 : memref<1x32xf32, #tpu.memory_space<hbm>> -> memref<32xf32, #tpu.memory_space<hbm>>
      tpu.enqueue_dma source(%dma_start3A_183 : memref<32xf32, #tpu.memory_space<hbm>>) target(%dma_start3A_180 : memref<32xf32, #tpu.memory_space<vmem>>) target_semaphore(%arg18 : memref<!tpu.dma_semaphore, #tpu.memory_space<semaphore_mem>>)
      %slice3A_184 = vector.extract_strided_slice %get3A_66 {offsets = [2], sizes = [1], strides = [1]} : vector<16xi32> to vector<1xi32>
      %squeeze3A_185 = vector.extract %slice3A_184[0] : i32 from vector<1xi32>
      %dma_start3A_186 = arith.constant 2 : i32
      %dma_start3A_187 = arith.constant 0 : i32
      %dma_start3A_188 = tpu.memref_slice %arg14[%dma_start3A_186, %dma_start3A_187] : memref<16x32xf32, #tpu.memory_space<vmem>> -> memref<1x32xf32, #tpu.memory_space<vmem>>
      %dma_start3A_189 = tpu.memref_squeeze %dma_start3A_188 : memref<1x32xf32, #tpu.memory_space<vmem>> -> memref<32xf32, #tpu.memory_space<vmem>>
      %dma_start3A_190 = arith.constant 0 : i32
      %dma_start3A_191 = tpu.memref_slice %arg6[%squeeze3A_185, %dma_start3A_190] : memref<1000000x32xf32, #tpu.memory_space<hbm>> -> memref<1x32xf32, #tpu.memory_space<hbm>>
      %dma_start3A_192 = tpu.memref_squeeze %dma_start3A_191 : memref<1x32xf32, #tpu.memory_space<hbm>> -> memref<32xf32, #tpu.memory_space<hbm>>
      %dma_start3A_193 = arith.constant 0 : i32
      %dma_start3A_194 = tpu.memref_slice %arg14[%dma_start3A_186, %dma_start3A_193] : memref<16x32xf32, #tpu.memory_space<vmem>> -> memref<1x32xf32, #tpu.memory_space<vmem>>
      %dma_start3A_195 = tpu.memref_squeeze %dma_start3A_194 : memref<1x32xf32, #tpu.memory_space<vmem>> -> memref<32xf32, #tpu.memory_space<vmem>>
      %dma_start3A_196 = arith.constant 0 : i32
      %dma_start3A_197 = tpu.memref_slice %arg6[%squeeze3A_185, %dma_start3A_196] : memref<1000000x32xf32, #tpu.memory_space<hbm>> -> memref<1x32xf32, #tpu.memory_space<hbm>>
      %dma_start3A_198 = tpu.memref_squeeze %dma_start3A_197 : memref<1x32xf32, #tpu.memory_space<hbm>> -> memref<32xf32, #tpu.memory_space<hbm>>
      tpu.enqueue_dma source(%dma_start3A_198 : memref<32xf32, #tpu.memory_space<hbm>>) target(%dma_start3A_195 : memref<32xf32, #tpu.memory_space<vmem>>) target_semaphore(%arg18 : memref<!tpu.dma_semaphore, #tpu.memory_space<semaphore_mem>>)
      %slice3A_199 = vector.extract_strided_slice %get3A_58 {offsets = [3], sizes = [1], strides = [1]} : vector<16xi32> to vector<1xi32>
      %squeeze3A_200 = vector.extract %slice3A_199[0] : i32 from vector<1xi32>
      %dma_start3A_201 = arith.constant 3 : i32
      %dma_start3A_202 = arith.constant 0 : i32
      %dma_start3A_203 = tpu.memref_slice %arg12[%dma_start3A_201, %dma_start3A_202] : memref<16x32xf32, #tpu.memory_space<vmem>> -> memref<1x32xf32, #tpu.memory_space<vmem>>
      %dma_start3A_204 = tpu.memref_squeeze %dma_start3A_203 : memref<1x32xf32, #tpu.memory_space<vmem>> -> memref<32xf32, #tpu.memory_space<vmem>>
      %dma_start3A_205 = arith.constant 0 : i32
      %dma_start3A_206 = tpu.memref_slice %arg5[%squeeze3A_200, %dma_start3A_205] : memref<1000000x32xf32, #tpu.memory_space<hbm>> -> memref<1x32xf32, #tpu.memory_space<hbm>>
      %dma_start3A_207 = tpu.memref_squeeze %dma_start3A_206 : memref<1x32xf32, #tpu.memory_space<hbm>> -> memref<32xf32, #tpu.memory_space<hbm>>
      %dma_start3A_208 = arith.constant 0 : i32
      %dma_start3A_209 = tpu.memref_slice %arg12[%dma_start3A_201, %dma_start3A_208] : memref<16x32xf32, #tpu.memory_space<vmem>> -> memref<1x32xf32, #tpu.memory_space<vmem>>
      %dma_start3A_210 = tpu.memref_squeeze %dma_start3A_209 : memref<1x32xf32, #tpu.memory_space<vmem>> -> memref<32xf32, #tpu.memory_space<vmem>>
      %dma_start3A_211 = arith.constant 0 : i32
      %dma_start3A_212 = tpu.memref_slice %arg5[%squeeze3A_200, %dma_start3A_211] : memref<1000000x32xf32, #tpu.memory_space<hbm>> -> memref<1x32xf32, #tpu.memory_space<hbm>>
      %dma_start3A_213 = tpu.memref_squeeze %dma_start3A_212 : memref<1x32xf32, #tpu.memory_space<hbm>> -> memref<32xf32, #tpu.memory_space<hbm>>
      tpu.enqueue_dma source(%dma_start3A_213 : memref<32xf32, #tpu.memory_space<hbm>>) target(%dma_start3A_210 : memref<32xf32, #tpu.memory_space<vmem>>) target_semaphore(%arg18 : memref<!tpu.dma_semaphore, #tpu.memory_space<semaphore_mem>>)
      %slice3A_214 = vector.extract_strided_slice %get3A_62 {offsets = [3], sizes = [1], strides = [1]} : vector<16xi32> to vector<1xi32>
      %squeeze3A_215 = vector.extract %slice3A_214[0] : i32 from vector<1xi32>
      %dma_start3A_216 = arith.constant 3 : i32
      %dma_start3A_217 = arith.constant 0 : i32
      %dma_start3A_218 = tpu.memref_slice %arg13[%dma_start3A_216, %dma_start3A_217] : memref<16x32xf32, #tpu.memory_space<vmem>> -> memref<1x32xf32, #tpu.memory_space<vmem>>
      %dma_start3A_219 = tpu.memref_squeeze %dma_start3A_218 : memref<1x32xf32, #tpu.memory_space<vmem>> -> memref<32xf32, #tpu.memory_space<vmem>>
      %dma_start3A_220 = arith.constant 0 : i32
      %dma_start3A_221 = tpu.memref_slice %arg6[%squeeze3A_215, %dma_start3A_220] : memref<1000000x32xf32, #tpu.memory_space<hbm>> -> memref<1x32xf32, #tpu.memory_space<hbm>>
      %dma_start3A_222 = tpu.memref_squeeze %dma_start3A_221 : memref<1x32xf32, #tpu.memory_space<hbm>> -> memref<32xf32, #tpu.memory_space<hbm>>
      %dma_start3A_223 = arith.constant 0 : i32
      %dma_start3A_224 = tpu.memref_slice %arg13[%dma_start3A_216, %dma_start3A_223] : memref<16x32xf32, #tpu.memory_space<vmem>> -> memref<1x32xf32, #tpu.memory_space<vmem>>
      %dma_start3A_225 = tpu.memref_squeeze %dma_start3A_224 : memref<1x32xf32, #tpu.memory_space<vmem>> -> memref<32xf32, #tpu.memory_space<vmem>>
      %dma_start3A_226 = arith.constant 0 : i32
      %dma_start3A_227 = tpu.memref_slice %arg6[%squeeze3A_215, %dma_start3A_226] : memref<1000000x32xf32, #tpu.memory_space<hbm>> -> memref<1x32xf32, #tpu.memory_space<hbm>>
      %dma_start3A_228 = tpu.memref_squeeze %dma_start3A_227 : memref<1x32xf32, #tpu.memory_space<hbm>> -> memref<32xf32, #tpu.memory_space<hbm>>
      tpu.enqueue_dma source(%dma_start3A_228 : memref<32xf32, #tpu.memory_space<hbm>>) target(%dma_start3A_225 : memref<32xf32, #tpu.memory_space<vmem>>) target_semaphore(%arg18 : memref<!tpu.dma_semaphore, #tpu.memory_space<semaphore_mem>>)
      %slice3A_229 = vector.extract_strided_slice %get3A_66 {offsets = [3], sizes = [1], strides = [1]} : vector<16xi32> to vector<1xi32>
      %squeeze3A_230 = vector.extract %slice3A_229[0] : i32 from vector<1xi32>
      %dma_start3A_231 = arith.constant 3 : i32
      %dma_start3A_232 = arith.constant 0 : i32
      %dma_start3A_233 = tpu.memref_slice %arg14[%dma_start3A_231, %dma_start3A_232] : memref<16x32xf32, #tpu.memory_space<vmem>> -> memref<1x32xf32, #tpu.memory_space<vmem>>
      %dma_start3A_234 = tpu.memref_squeeze %dma_start3A_233 : memref<1x32xf32, #tpu.memory_space<vmem>> -> memref<32xf32, #tpu.memory_space<vmem>>
      %dma_start3A_235 = arith.constant 0 : i32
      %dma_start3A_236 = tpu.memref_slice %arg6[%squeeze3A_230, %dma_start3A_235] : memref<1000000x32xf32, #tpu.memory_space<hbm>> -> memref<1x32xf32, #tpu.memory_space<hbm>>
      %dma_start3A_237 = tpu.memref_squeeze %dma_start3A_236 : memref<1x32xf32, #tpu.memory_space<hbm>> -> memref<32xf32, #tpu.memory_space<hbm>>
      %dma_start3A_238 = arith.constant 0 : i32
      %dma_start3A_239 = tpu.memref_slice %arg14[%dma_start3A_231, %dma_start3A_238] : memref<16x32xf32, #tpu.memory_space<vmem>> -> memref<1x32xf32, #tpu.memory_space<vmem>>
      %dma_start3A_240 = tpu.memref_squeeze %dma_start3A_239 : memref<1x32xf32, #tpu.memory_space<vmem>> -> memref<32xf32, #tpu.memory_space<vmem>>
      %dma_start3A_241 = arith.constant 0 : i32
      %dma_start3A_242 = tpu.memref_slice %arg6[%squeeze3A_230, %dma_start3A_241] : memref<1000000x32xf32, #tpu.memory_space<hbm>> -> memref<1x32xf32, #tpu.memory_space<hbm>>
      %dma_start3A_243 = tpu.memref_squeeze %dma_start3A_242 : memref<1x32xf32, #tpu.memory_space<hbm>> -> memref<32xf32, #tpu.memory_space<hbm>>
      tpu.enqueue_dma source(%dma_start3A_243 : memref<32xf32, #tpu.memory_space<hbm>>) target(%dma_start3A_240 : memref<32xf32, #tpu.memory_space<vmem>>) target_semaphore(%arg18 : memref<!tpu.dma_semaphore, #tpu.memory_space<semaphore_mem>>)
      %slice3A_244 = vector.extract_strided_slice %get3A_58 {offsets = [4], sizes = [1], strides = [1]} : vector<16xi32> to vector<1xi32>
      %squeeze3A_245 = vector.extract %slice3A_244[0] : i32 from vector<1xi32>
      %dma_start3A_246 = arith.constant 4 : i32
      %dma_start3A_247 = arith.constant 0 : i32
      %dma_start3A_248 = tpu.memref_slice %arg12[%dma_start3A_246, %dma_start3A_247] : memref<16x32xf32, #tpu.memory_space<vmem>> -> memref<1x32xf32, #tpu.memory_space<vmem>>
      %dma_start3A_249 = tpu.memref_squeeze %dma_start3A_248 : memref<1x32xf32, #tpu.memory_space<vmem>> -> memref<32xf32, #tpu.memory_space<vmem>>
      %dma_start3A_250 = arith.constant 0 : i32
      %dma_start3A_251 = tpu.memref_slice %arg5[%squeeze3A_245, %dma_start3A_250] : memref<1000000x32xf32, #tpu.memory_space<hbm>> -> memref<1x32xf32, #tpu.memory_space<hbm>>
      %dma_start3A_252 = tpu.memref_squeeze %dma_start3A_251 : memref<1x32xf32, #tpu.memory_space<hbm>> -> memref<32xf32, #tpu.memory_space<hbm>>
      %dma_start3A_253 = arith.constant 0 : i32
      %dma_start3A_254 = tpu.memref_slice %arg12[%dma_start3A_246, %dma_start3A_253] : memref<16x32xf32, #tpu.memory_space<vmem>> -> memref<1x32xf32, #tpu.memory_space<vmem>>
      %dma_start3A_255 = tpu.memref_squeeze %dma_start3A_254 : memref<1x32xf32, #tpu.memory_space<vmem>> -> memref<32xf32, #tpu.memory_space<vmem>>
      %dma_start3A_256 = arith.constant 0 : i32
      %dma_start3A_257 = tpu.memref_slice %arg5[%squeeze3A_245, %dma_start3A_256] : memref<1000000x32xf32, #tpu.memory_space<hbm>> -> memref<1x32xf32, #tpu.memory_space<hbm>>
      %dma_start3A_258 = tpu.memref_squeeze %dma_start3A_257 : memref<1x32xf32, #tpu.memory_space<hbm>> -> memref<32xf32, #tpu.memory_space<hbm>>
      tpu.enqueue_dma source(%dma_start3A_258 : memref<32xf32, #tpu.memory_space<hbm>>) target(%dma_start3A_255 : memref<32xf32, #tpu.memory_space<vmem>>) target_semaphore(%arg18 : memref<!tpu.dma_semaphore, #tpu.memory_space<semaphore_mem>>)
      %slice3A_259 = vector.extract_strided_slice %get3A_62 {offsets = [4], sizes = [1], strides = [1]} : vector<16xi32> to vector<1xi32>
      %squeeze3A_260 = vector.extract %slice3A_259[0] : i32 from vector<1xi32>
      %dma_start3A_261 = arith.constant 4 : i32
      %dma_start3A_262 = arith.constant 0 : i32
      %dma_start3A_263 = tpu.memref_slice %arg13[%dma_start3A_261, %dma_start3A_262] : memref<16x32xf32, #tpu.memory_space<vmem>> -> memref<1x32xf32, #tpu.memory_space<vmem>>
      %dma_start3A_264 = tpu.memref_squeeze %dma_start3A_263 : memref<1x32xf32, #tpu.memory_space<vmem>> -> memref<32xf32, #tpu.memory_space<vmem>>
      %dma_start3A_265 = arith.constant 0 : i32
      %dma_start3A_266 = tpu.memref_slice %arg6[%squeeze3A_260, %dma_start3A_265] : memref<1000000x32xf32, #tpu.memory_space<hbm>> -> memref<1x32xf32, #tpu.memory_space<hbm>>
      %dma_start3A_267 = tpu.memref_squeeze %dma_start3A_266 : memref<1x32xf32, #tpu.memory_space<hbm>> -> memref<32xf32, #tpu.memory_space<hbm>>
      %dma_start3A_268 = arith.constant 0 : i32
      %dma_start3A_269 = tpu.memref_slice %arg13[%dma_start3A_261, %dma_start3A_268] : memref<16x32xf32, #tpu.memory_space<vmem>> -> memref<1x32xf32, #tpu.memory_space<vmem>>
      %dma_start3A_270 = tpu.memref_squeeze %dma_start3A_269 : memref<1x32xf32, #tpu.memory_space<vmem>> -> memref<32xf32, #tpu.memory_space<vmem>>
      %dma_start3A_271 = arith.constant 0 : i32
      %dma_start3A_272 = tpu.memref_slice %arg6[%squeeze3A_260, %dma_start3A_271] : memref<1000000x32xf32, #tpu.memory_space<hbm>> -> memref<1x32xf32, #tpu.memory_space<hbm>>
      %dma_start3A_273 = tpu.memref_squeeze %dma_start3A_272 : memref<1x32xf32, #tpu.memory_space<hbm>> -> memref<32xf32, #tpu.memory_space<hbm>>
      tpu.enqueue_dma source(%dma_start3A_273 : memref<32xf32, #tpu.memory_space<hbm>>) target(%dma_start3A_270 : memref<32xf32, #tpu.memory_space<vmem>>) target_semaphore(%arg18 : memref<!tpu.dma_semaphore, #tpu.memory_space<semaphore_mem>>)
      %slice3A_274 = vector.extract_strided_slice %get3A_66 {offsets = [4], sizes = [1], strides = [1]} : vector<16xi32> to vector<1xi32>
      %squeeze3A_275 = vector.extract %slice3A_274[0] : i32 from vector<1xi32>
      %dma_start3A_276 = arith.constant 4 : i32
      %dma_start3A_277 = arith.constant 0 : i32
      %dma_start3A_278 = tpu.memref_slice %arg14[%dma_start3A_276, %dma_start3A_277] : memref<16x32xf32, #tpu.memory_space<vmem>> -> memref<1x32xf32, #tpu.memory_space<vmem>>
      %dma_start3A_279 = tpu.memref_squeeze %dma_start3A_278 : memref<1x32xf32, #tpu.memory_space<vmem>> -> memref<32xf32, #tpu.memory_space<vmem>>
      %dma_start3A_280 = arith.constant 0 : i32
      %dma_start3A_281 = tpu.memref_slice %arg6[%squeeze3A_275, %dma_start3A_280] : memref<1000000x32xf32, #tpu.memory_space<hbm>> -> memref<1x32xf32, #tpu.memory_space<hbm>>
      %dma_start3A_282 = tpu.memref_squeeze %dma_start3A_281 : memref<1x32xf32, #tpu.memory_space<hbm>> -> memref<32xf32, #tpu.memory_space<hbm>>
      %dma_start3A_283 = arith.constant 0 : i32
      %dma_start3A_284 = tpu.memref_slice %arg14[%dma_start3A_276, %dma_start3A_283] : memref<16x32xf32, #tpu.memory_space<vmem>> -> memref<1x32xf32, #tpu.memory_space<vmem>>
      %dma_start3A_285 = tpu.memref_squeeze %dma_start3A_284 : memref<1x32xf32, #tpu.memory_space<vmem>> -> memref<32xf32, #tpu.memory_space<vmem>>
      %dma_start3A_286 = arith.constant 0 : i32
      %dma_start3A_287 = tpu.memref_slice %arg6[%squeeze3A_275, %dma_start3A_286] : memref<1000000x32xf32, #tpu.memory_space<hbm>> -> memref<1x32xf32, #tpu.memory_space<hbm>>
      %dma_start3A_288 = tpu.memref_squeeze %dma_start3A_287 : memref<1x32xf32, #tpu.memory_space<hbm>> -> memref<32xf32, #tpu.memory_space<hbm>>
      tpu.enqueue_dma source(%dma_start3A_288 : memref<32xf32, #tpu.memory_space<hbm>>) target(%dma_start3A_285 : memref<32xf32, #tpu.memory_space<vmem>>) target_semaphore(%arg18 : memref<!tpu.dma_semaphore, #tpu.memory_space<semaphore_mem>>)
      %slice3A_289 = vector.extract_strided_slice %get3A_58 {offsets = [5], sizes = [1], strides = [1]} : vector<16xi32> to vector<1xi32>
      %squeeze3A_290 = vector.extract %slice3A_289[0] : i32 from vector<1xi32>
      %dma_start3A_291 = arith.constant 5 : i32
      %dma_start3A_292 = arith.constant 0 : i32
      %dma_start3A_293 = tpu.memref_slice %arg12[%dma_start3A_291, %dma_start3A_292] : memref<16x32xf32, #tpu.memory_space<vmem>> -> memref<1x32xf32, #tpu.memory_space<vmem>>
      %dma_start3A_294 = tpu.memref_squeeze %dma_start3A_293 : memref<1x32xf32, #tpu.memory_space<vmem>> -> memref<32xf32, #tpu.memory_space<vmem>>
      %dma_start3A_295 = arith.constant 0 : i32
      %dma_start3A_296 = tpu.memref_slice %arg5[%squeeze3A_290, %dma_start3A_295] : memref<1000000x32xf32, #tpu.memory_space<hbm>> -> memref<1x32xf32, #tpu.memory_space<hbm>>
      %dma_start3A_297 = tpu.memref_squeeze %dma_start3A_296 : memref<1x32xf32, #tpu.memory_space<hbm>> -> memref<32xf32, #tpu.memory_space<hbm>>
      %dma_start3A_298 = arith.constant 0 : i32
      %dma_start3A_299 = tpu.memref_slice %arg12[%dma_start3A_291, %dma_start3A_298] : memref<16x32xf32, #tpu.memory_space<vmem>> -> memref<1x32xf32, #tpu.memory_space<vmem>>
      %dma_start3A_300 = tpu.memref_squeeze %dma_start3A_299 : memref<1x32xf32, #tpu.memory_space<vmem>> -> memref<32xf32, #tpu.memory_space<vmem>>
      %dma_start3A_301 = arith.constant 0 : i32
      %dma_start3A_302 = tpu.memref_slice %arg5[%squeeze3A_290, %dma_start3A_301] : memref<1000000x32xf32, #tpu.memory_space<hbm>> -> memref<1x32xf32, #tpu.memory_space<hbm>>
      %dma_start3A_303 = tpu.memref_squeeze %dma_start3A_302 : memref<1x32xf32, #tpu.memory_space<hbm>> -> memref<32xf32, #tpu.memory_space<hbm>>
      tpu.enqueue_dma source(%dma_start3A_303 : memref<32xf32, #tpu.memory_space<hbm>>) target(%dma_start3A_300 : memref<32xf32, #tpu.memory_space<vmem>>) target_semaphore(%arg18 : memref<!tpu.dma_semaphore, #tpu.memory_space<semaphore_mem>>)
      %slice3A_304 = vector.extract_strided_slice %get3A_62 {offsets = [5], sizes = [1], strides = [1]} : vector<16xi32> to vector<1xi32>
      %squeeze3A_305 = vector.extract %slice3A_304[0] : i32 from vector<1xi32>
      %dma_start3A_306 = arith.constant 5 : i32
      %dma_start3A_307 = arith.constant 0 : i32
      %dma_start3A_308 = tpu.memref_slice %arg13[%dma_start3A_306, %dma_start3A_307] : memref<16x32xf32, #tpu.memory_space<vmem>> -> memref<1x32xf32, #tpu.memory_space<vmem>>
      %dma_start3A_309 = tpu.memref_squeeze %dma_start3A_308 : memref<1x32xf32, #tpu.memory_space<vmem>> -> memref<32xf32, #tpu.memory_space<vmem>>
      %dma_start3A_310 = arith.constant 0 : i32
      %dma_start3A_311 = tpu.memref_slice %arg6[%squeeze3A_305, %dma_start3A_310] : memref<1000000x32xf32, #tpu.memory_space<hbm>> -> memref<1x32xf32, #tpu.memory_space<hbm>>
      %dma_start3A_312 = tpu.memref_squeeze %dma_start3A_311 : memref<1x32xf32, #tpu.memory_space<hbm>> -> memref<32xf32, #tpu.memory_space<hbm>>
      %dma_start3A_313 = arith.constant 0 : i32
      %dma_start3A_314 = tpu.memref_slice %arg13[%dma_start3A_306, %dma_start3A_313] : memref<16x32xf32, #tpu.memory_space<vmem>> -> memref<1x32xf32, #tpu.memory_space<vmem>>
      %dma_start3A_315 = tpu.memref_squeeze %dma_start3A_314 : memref<1x32xf32, #tpu.memory_space<vmem>> -> memref<32xf32, #tpu.memory_space<vmem>>
      %dma_start3A_316 = arith.constant 0 : i32
      %dma_start3A_317 = tpu.memref_slice %arg6[%squeeze3A_305, %dma_start3A_316] : memref<1000000x32xf32, #tpu.memory_space<hbm>> -> memref<1x32xf32, #tpu.memory_space<hbm>>
      %dma_start3A_318 = tpu.memref_squeeze %dma_start3A_317 : memref<1x32xf32, #tpu.memory_space<hbm>> -> memref<32xf32, #tpu.memory_space<hbm>>
      tpu.enqueue_dma source(%dma_start3A_318 : memref<32xf32, #tpu.memory_space<hbm>>) target(%dma_start3A_315 : memref<32xf32, #tpu.memory_space<vmem>>) target_semaphore(%arg18 : memref<!tpu.dma_semaphore, #tpu.memory_space<semaphore_mem>>)
      %slice3A_319 = vector.extract_strided_slice %get3A_66 {offsets = [5], sizes = [1], strides = [1]} : vector<16xi32> to vector<1xi32>
      %squeeze3A_320 = vector.extract %slice3A_319[0] : i32 from vector<1xi32>
      %dma_start3A_321 = arith.constant 5 : i32
      %dma_start3A_322 = arith.constant 0 : i32
      %dma_start3A_323 = tpu.memref_slice %arg14[%dma_start3A_321, %dma_start3A_322] : memref<16x32xf32, #tpu.memory_space<vmem>> -> memref<1x32xf32, #tpu.memory_space<vmem>>
      %dma_start3A_324 = tpu.memref_squeeze %dma_start3A_323 : memref<1x32xf32, #tpu.memory_space<vmem>> -> memref<32xf32, #tpu.memory_space<vmem>>
      %dma_start3A_325 = arith.constant 0 : i32
      %dma_start3A_326 = tpu.memref_slice %arg6[%squeeze3A_320, %dma_start3A_325] : memref<1000000x32xf32, #tpu.memory_space<hbm>> -> memref<1x32xf32, #tpu.memory_space<hbm>>
      %dma_start3A_327 = tpu.memref_squeeze %dma_start3A_326 : memref<1x32xf32, #tpu.memory_space<hbm>> -> memref<32xf32, #tpu.memory_space<hbm>>
      %dma_start3A_328 = arith.constant 0 : i32
      %dma_start3A_329 = tpu.memref_slice %arg14[%dma_start3A_321, %dma_start3A_328] : memref<16x32xf32, #tpu.memory_space<vmem>> -> memref<1x32xf32, #tpu.memory_space<vmem>>
      %dma_start3A_330 = tpu.memref_squeeze %dma_start3A_329 : memref<1x32xf32, #tpu.memory_space<vmem>> -> memref<32xf32, #tpu.memory_space<vmem>>
      %dma_start3A_331 = arith.constant 0 : i32
      %dma_start3A_332 = tpu.memref_slice %arg6[%squeeze3A_320, %dma_start3A_331] : memref<1000000x32xf32, #tpu.memory_space<hbm>> -> memref<1x32xf32, #tpu.memory_space<hbm>>
      %dma_start3A_333 = tpu.memref_squeeze %dma_start3A_332 : memref<1x32xf32, #tpu.memory_space<hbm>> -> memref<32xf32, #tpu.memory_space<hbm>>
      tpu.enqueue_dma source(%dma_start3A_333 : memref<32xf32, #tpu.memory_space<hbm>>) target(%dma_start3A_330 : memref<32xf32, #tpu.memory_space<vmem>>) target_semaphore(%arg18 : memref<!tpu.dma_semaphore, #tpu.memory_space<semaphore_mem>>)
      %slice3A_334 = vector.extract_strided_slice %get3A_58 {offsets = [6], sizes = [1], strides = [1]} : vector<16xi32> to vector<1xi32>
      %squeeze3A_335 = vector.extract %slice3A_334[0] : i32 from vector<1xi32>
      %dma_start3A_336 = arith.constant 6 : i32
      %dma_start3A_337 = arith.constant 0 : i32
      %dma_start3A_338 = tpu.memref_slice %arg12[%dma_start3A_336, %dma_start3A_337] : memref<16x32xf32, #tpu.memory_space<vmem>> -> memref<1x32xf32, #tpu.memory_space<vmem>>
      %dma_start3A_339 = tpu.memref_squeeze %dma_start3A_338 : memref<1x32xf32, #tpu.memory_space<vmem>> -> memref<32xf32, #tpu.memory_space<vmem>>
      %dma_start3A_340 = arith.constant 0 : i32
      %dma_start3A_341 = tpu.memref_slice %arg5[%squeeze3A_335, %dma_start3A_340] : memref<1000000x32xf32, #tpu.memory_space<hbm>> -> memref<1x32xf32, #tpu.memory_space<hbm>>
      %dma_start3A_342 = tpu.memref_squeeze %dma_start3A_341 : memref<1x32xf32, #tpu.memory_space<hbm>> -> memref<32xf32, #tpu.memory_space<hbm>>
      %dma_start3A_343 = arith.constant 0 : i32
      %dma_start3A_344 = tpu.memref_slice %arg12[%dma_start3A_336, %dma_start3A_343] : memref<16x32xf32, #tpu.memory_space<vmem>> -> memref<1x32xf32, #tpu.memory_space<vmem>>
      %dma_start3A_345 = tpu.memref_squeeze %dma_start3A_344 : memref<1x32xf32, #tpu.memory_space<vmem>> -> memref<32xf32, #tpu.memory_space<vmem>>
      %dma_start3A_346 = arith.constant 0 : i32
      %dma_start3A_347 = tpu.memref_slice %arg5[%squeeze3A_335, %dma_start3A_346] : memref<1000000x32xf32, #tpu.memory_space<hbm>> -> memref<1x32xf32, #tpu.memory_space<hbm>>
      %dma_start3A_348 = tpu.memref_squeeze %dma_start3A_347 : memref<1x32xf32, #tpu.memory_space<hbm>> -> memref<32xf32, #tpu.memory_space<hbm>>
      tpu.enqueue_dma source(%dma_start3A_348 : memref<32xf32, #tpu.memory_space<hbm>>) target(%dma_start3A_345 : memref<32xf32, #tpu.memory_space<vmem>>) target_semaphore(%arg18 : memref<!tpu.dma_semaphore, #tpu.memory_space<semaphore_mem>>)
      %slice3A_349 = vector.extract_strided_slice %get3A_62 {offsets = [6], sizes = [1], strides = [1]} : vector<16xi32> to vector<1xi32>
      %squeeze3A_350 = vector.extract %slice3A_349[0] : i32 from vector<1xi32>
      %dma_start3A_351 = arith.constant 6 : i32
      %dma_start3A_352 = arith.constant 0 : i32
      %dma_start3A_353 = tpu.memref_slice %arg13[%dma_start3A_351, %dma_start3A_352] : memref<16x32xf32, #tpu.memory_space<vmem>> -> memref<1x32xf32, #tpu.memory_space<vmem>>
      %dma_start3A_354 = tpu.memref_squeeze %dma_start3A_353 : memref<1x32xf32, #tpu.memory_space<vmem>> -> memref<32xf32, #tpu.memory_space<vmem>>
      %dma_start3A_355 = arith.constant 0 : i32
      %dma_start3A_356 = tpu.memref_slice %arg6[%squeeze3A_350, %dma_start3A_355] : memref<1000000x32xf32, #tpu.memory_space<hbm>> -> memref<1x32xf32, #tpu.memory_space<hbm>>
      %dma_start3A_357 = tpu.memref_squeeze %dma_start3A_356 : memref<1x32xf32, #tpu.memory_space<hbm>> -> memref<32xf32, #tpu.memory_space<hbm>>
      %dma_start3A_358 = arith.constant 0 : i32
      %dma_start3A_359 = tpu.memref_slice %arg13[%dma_start3A_351, %dma_start3A_358] : memref<16x32xf32, #tpu.memory_space<vmem>> -> memref<1x32xf32, #tpu.memory_space<vmem>>
      %dma_start3A_360 = tpu.memref_squeeze %dma_start3A_359 : memref<1x32xf32, #tpu.memory_space<vmem>> -> memref<32xf32, #tpu.memory_space<vmem>>
      %dma_start3A_361 = arith.constant 0 : i32
      %dma_start3A_362 = tpu.memref_slice %arg6[%squeeze3A_350, %dma_start3A_361] : memref<1000000x32xf32, #tpu.memory_space<hbm>> -> memref<1x32xf32, #tpu.memory_space<hbm>>
      %dma_start3A_363 = tpu.memref_squeeze %dma_start3A_362 : memref<1x32xf32, #tpu.memory_space<hbm>> -> memref<32xf32, #tpu.memory_space<hbm>>
      tpu.enqueue_dma source(%dma_start3A_363 : memref<32xf32, #tpu.memory_space<hbm>>) target(%dma_start3A_360 : memref<32xf32, #tpu.memory_space<vmem>>) target_semaphore(%arg18 : memref<!tpu.dma_semaphore, #tpu.memory_space<semaphore_mem>>)
      %slice3A_364 = vector.extract_strided_slice %get3A_66 {offsets = [6], sizes = [1], strides = [1]} : vector<16xi32> to vector<1xi32>
      %squeeze3A_365 = vector.extract %slice3A_364[0] : i32 from vector<1xi32>
      %dma_start3A_366 = arith.constant 6 : i32
      %dma_start3A_367 = arith.constant 0 : i32
      %dma_start3A_368 = tpu.memref_slice %arg14[%dma_start3A_366, %dma_start3A_367] : memref<16x32xf32, #tpu.memory_space<vmem>> -> memref<1x32xf32, #tpu.memory_space<vmem>>
      %dma_start3A_369 = tpu.memref_squeeze %dma_start3A_368 : memref<1x32xf32, #tpu.memory_space<vmem>> -> memref<32xf32, #tpu.memory_space<vmem>>
      %dma_start3A_370 = arith.constant 0 : i32
      %dma_start3A_371 = tpu.memref_slice %arg6[%squeeze3A_365, %dma_start3A_370] : memref<1000000x32xf32, #tpu.memory_space<hbm>> -> memref<1x32xf32, #tpu.memory_space<hbm>>
      %dma_start3A_372 = tpu.memref_squeeze %dma_start3A_371 : memref<1x32xf32, #tpu.memory_space<hbm>> -> memref<32xf32, #tpu.memory_space<hbm>>
      %dma_start3A_373 = arith.constant 0 : i32
      %dma_start3A_374 = tpu.memref_slice %arg14[%dma_start3A_366, %dma_start3A_373] : memref<16x32xf32, #tpu.memory_space<vmem>> -> memref<1x32xf32, #tpu.memory_space<vmem>>
      %dma_start3A_375 = tpu.memref_squeeze %dma_start3A_374 : memref<1x32xf32, #tpu.memory_space<vmem>> -> memref<32xf32, #tpu.memory_space<vmem>>
      %dma_start3A_376 = arith.constant 0 : i32
      %dma_start3A_377 = tpu.memref_slice %arg6[%squeeze3A_365, %dma_start3A_376] : memref<1000000x32xf32, #tpu.memory_space<hbm>> -> memref<1x32xf32, #tpu.memory_space<hbm>>
      %dma_start3A_378 = tpu.memref_squeeze %dma_start3A_377 : memref<1x32xf32, #tpu.memory_space<hbm>> -> memref<32xf32, #tpu.memory_space<hbm>>
      tpu.enqueue_dma source(%dma_start3A_378 : memref<32xf32, #tpu.memory_space<hbm>>) target(%dma_start3A_375 : memref<32xf32, #tpu.memory_space<vmem>>) target_semaphore(%arg18 : memref<!tpu.dma_semaphore, #tpu.memory_space<semaphore_mem>>)
      %slice3A_379 = vector.extract_strided_slice %get3A_58 {offsets = [7], sizes = [1], strides = [1]} : vector<16xi32> to vector<1xi32>
      %squeeze3A_380 = vector.extract %slice3A_379[0] : i32 from vector<1xi32>
      %dma_start3A_381 = arith.constant 7 : i32
      %dma_start3A_382 = arith.constant 0 : i32
      %dma_start3A_383 = tpu.memref_slice %arg12[%dma_start3A_381, %dma_start3A_382] : memref<16x32xf32, #tpu.memory_space<vmem>> -> memref<1x32xf32, #tpu.memory_space<vmem>>
      %dma_start3A_384 = tpu.memref_squeeze %dma_start3A_383 : memref<1x32xf32, #tpu.memory_space<vmem>> -> memref<32xf32, #tpu.memory_space<vmem>>
      %dma_start3A_385 = arith.constant 0 : i32
      %dma_start3A_386 = tpu.memref_slice %arg5[%squeeze3A_380, %dma_start3A_385] : memref<1000000x32xf32, #tpu.memory_space<hbm>> -> memref<1x32xf32, #tpu.memory_space<hbm>>
      %dma_start3A_387 = tpu.memref_squeeze %dma_start3A_386 : memref<1x32xf32, #tpu.memory_space<hbm>> -> memref<32xf32, #tpu.memory_space<hbm>>
      %dma_start3A_388 = arith.constant 0 : i32
      %dma_start3A_389 = tpu.memref_slice %arg12[%dma_start3A_381, %dma_start3A_388] : memref<16x32xf32, #tpu.memory_space<vmem>> -> memref<1x32xf32, #tpu.memory_space<vmem>>
      %dma_start3A_390 = tpu.memref_squeeze %dma_start3A_389 : memref<1x32xf32, #tpu.memory_space<vmem>> -> memref<32xf32, #tpu.memory_space<vmem>>
      %dma_start3A_391 = arith.constant 0 : i32
      %dma_start3A_392 = tpu.memref_slice %arg5[%squeeze3A_380, %dma_start3A_391] : memref<1000000x32xf32, #tpu.memory_space<hbm>> -> memref<1x32xf32, #tpu.memory_space<hbm>>
      %dma_start3A_393 = tpu.memref_squeeze %dma_start3A_392 : memref<1x32xf32, #tpu.memory_space<hbm>> -> memref<32xf32, #tpu.memory_space<hbm>>
      tpu.enqueue_dma source(%dma_start3A_393 : memref<32xf32, #tpu.memory_space<hbm>>) target(%dma_start3A_390 : memref<32xf32, #tpu.memory_space<vmem>>) target_semaphore(%arg18 : memref<!tpu.dma_semaphore, #tpu.memory_space<semaphore_mem>>)
      %slice3A_394 = vector.extract_strided_slice %get3A_62 {offsets = [7], sizes = [1], strides = [1]} : vector<16xi32> to vector<1xi32>
      %squeeze3A_395 = vector.extract %slice3A_394[0] : i32 from vector<1xi32>
      %dma_start3A_396 = arith.constant 7 : i32
      %dma_start3A_397 = arith.constant 0 : i32
      %dma_start3A_398 = tpu.memref_slice %arg13[%dma_start3A_396, %dma_start3A_397] : memref<16x32xf32, #tpu.memory_space<vmem>> -> memref<1x32xf32, #tpu.memory_space<vmem>>
      %dma_start3A_399 = tpu.memref_squeeze %dma_start3A_398 : memref<1x32xf32, #tpu.memory_space<vmem>> -> memref<32xf32, #tpu.memory_space<vmem>>
      %dma_start3A_400 = arith.constant 0 : i32
      %dma_start3A_401 = tpu.memref_slice %arg6[%squeeze3A_395, %dma_start3A_400] : memref<1000000x32xf32, #tpu.memory_space<hbm>> -> memref<1x32xf32, #tpu.memory_space<hbm>>
      %dma_start3A_402 = tpu.memref_squeeze %dma_start3A_401 : memref<1x32xf32, #tpu.memory_space<hbm>> -> memref<32xf32, #tpu.memory_space<hbm>>
      %dma_start3A_403 = arith.constant 0 : i32
      %dma_start3A_404 = tpu.memref_slice %arg13[%dma_start3A_396, %dma_start3A_403] : memref<16x32xf32, #tpu.memory_space<vmem>> -> memref<1x32xf32, #tpu.memory_space<vmem>>
      %dma_start3A_405 = tpu.memref_squeeze %dma_start3A_404 : memref<1x32xf32, #tpu.memory_space<vmem>> -> memref<32xf32, #tpu.memory_space<vmem>>
      %dma_start3A_406 = arith.constant 0 : i32
      %dma_start3A_407 = tpu.memref_slice %arg6[%squeeze3A_395, %dma_start3A_406] : memref<1000000x32xf32, #tpu.memory_space<hbm>> -> memref<1x32xf32, #tpu.memory_space<hbm>>
      %dma_start3A_408 = tpu.memref_squeeze %dma_start3A_407 : memref<1x32xf32, #tpu.memory_space<hbm>> -> memref<32xf32, #tpu.memory_space<hbm>>
      tpu.enqueue_dma source(%dma_start3A_408 : memref<32xf32, #tpu.memory_space<hbm>>) target(%dma_start3A_405 : memref<32xf32, #tpu.memory_space<vmem>>) target_semaphore(%arg18 : memref<!tpu.dma_semaphore, #tpu.memory_space<semaphore_mem>>)
      %slice3A_409 = vector.extract_strided_slice %get3A_66 {offsets = [7], sizes = [1], strides = [1]} : vector<16xi32> to vector<1xi32>
      %squeeze3A_410 = vector.extract %slice3A_409[0] : i32 from vector<1xi32>
      %dma_start3A_411 = arith.constant 7 : i32
      %dma_start3A_412 = arith.constant 0 : i32
      %dma_start3A_413 = tpu.memref_slice %arg14[%dma_start3A_411, %dma_start3A_412] : memref<16x32xf32, #tpu.memory_space<vmem>> -> memref<1x32xf32, #tpu.memory_space<vmem>>
      %dma_start3A_414 = tpu.memref_squeeze %dma_start3A_413 : memref<1x32xf32, #tpu.memory_space<vmem>> -> memref<32xf32, #tpu.memory_space<vmem>>
      %dma_start3A_415 = arith.constant 0 : i32
      %dma_start3A_416 = tpu.memref_slice %arg6[%squeeze3A_410, %dma_start3A_415] : memref<1000000x32xf32, #tpu.memory_space<hbm>> -> memref<1x32xf32, #tpu.memory_space<hbm>>
      %dma_start3A_417 = tpu.memref_squeeze %dma_start3A_416 : memref<1x32xf32, #tpu.memory_space<hbm>> -> memref<32xf32, #tpu.memory_space<hbm>>
      %dma_start3A_418 = arith.constant 0 : i32
      %dma_start3A_419 = tpu.memref_slice %arg14[%dma_start3A_411, %dma_start3A_418] : memref<16x32xf32, #tpu.memory_space<vmem>> -> memref<1x32xf32, #tpu.memory_space<vmem>>
      %dma_start3A_420 = tpu.memref_squeeze %dma_start3A_419 : memref<1x32xf32, #tpu.memory_space<vmem>> -> memref<32xf32, #tpu.memory_space<vmem>>
      %dma_start3A_421 = arith.constant 0 : i32
      %dma_start3A_422 = tpu.memref_slice %arg6[%squeeze3A_410, %dma_start3A_421] : memref<1000000x32xf32, #tpu.memory_space<hbm>> -> memref<1x32xf32, #tpu.memory_space<hbm>>
      %dma_start3A_423 = tpu.memref_squeeze %dma_start3A_422 : memref<1x32xf32, #tpu.memory_space<hbm>> -> memref<32xf32, #tpu.memory_space<hbm>>
      tpu.enqueue_dma source(%dma_start3A_423 : memref<32xf32, #tpu.memory_space<hbm>>) target(%dma_start3A_420 : memref<32xf32, #tpu.memory_space<vmem>>) target_semaphore(%arg18 : memref<!tpu.dma_semaphore, #tpu.memory_space<semaphore_mem>>)
      %slice3A_424 = vector.extract_strided_slice %get3A_58 {offsets = [8], sizes = [1], strides = [1]} : vector<16xi32> to vector<1xi32>
      %squeeze3A_425 = vector.extract %slice3A_424[0] : i32 from vector<1xi32>
      %dma_start3A_426 = arith.constant 8 : i32
      %dma_start3A_427 = arith.constant 0 : i32
      %dma_start3A_428 = tpu.memref_slice %arg12[%dma_start3A_426, %dma_start3A_427] : memref<16x32xf32, #tpu.memory_space<vmem>> -> memref<1x32xf32, #tpu.memory_space<vmem>>
      %dma_start3A_429 = tpu.memref_squeeze %dma_start3A_428 : memref<1x32xf32, #tpu.memory_space<vmem>> -> memref<32xf32, #tpu.memory_space<vmem>>
      %dma_start3A_430 = arith.constant 0 : i32
      %dma_start3A_431 = tpu.memref_slice %arg5[%squeeze3A_425, %dma_start3A_430] : memref<1000000x32xf32, #tpu.memory_space<hbm>> -> memref<1x32xf32, #tpu.memory_space<hbm>>
      %dma_start3A_432 = tpu.memref_squeeze %dma_start3A_431 : memref<1x32xf32, #tpu.memory_space<hbm>> -> memref<32xf32, #tpu.memory_space<hbm>>
      %dma_start3A_433 = arith.constant 0 : i32
      %dma_start3A_434 = tpu.memref_slice %arg12[%dma_start3A_426, %dma_start3A_433] : memref<16x32xf32, #tpu.memory_space<vmem>> -> memref<1x32xf32, #tpu.memory_space<vmem>>
      %dma_start3A_435 = tpu.memref_squeeze %dma_start3A_434 : memref<1x32xf32, #tpu.memory_space<vmem>> -> memref<32xf32, #tpu.memory_space<vmem>>
      %dma_start3A_436 = arith.constant 0 : i32
      %dma_start3A_437 = tpu.memref_slice %arg5[%squeeze3A_425, %dma_start3A_436] : memref<1000000x32xf32, #tpu.memory_space<hbm>> -> memref<1x32xf32, #tpu.memory_space<hbm>>
      %dma_start3A_438 = tpu.memref_squeeze %dma_start3A_437 : memref<1x32xf32, #tpu.memory_space<hbm>> -> memref<32xf32, #tpu.memory_space<hbm>>
      tpu.enqueue_dma source(%dma_start3A_438 : memref<32xf32, #tpu.memory_space<hbm>>) target(%dma_start3A_435 : memref<32xf32, #tpu.memory_space<vmem>>) target_semaphore(%arg18 : memref<!tpu.dma_semaphore, #tpu.memory_space<semaphore_mem>>)
      %slice3A_439 = vector.extract_strided_slice %get3A_62 {offsets = [8], sizes = [1], strides = [1]} : vector<16xi32> to vector<1xi32>
      %squeeze3A_440 = vector.extract %slice3A_439[0] : i32 from vector<1xi32>
      %dma_start3A_441 = arith.constant 8 : i32
      %dma_start3A_442 = arith.constant 0 : i32
      %dma_start3A_443 = tpu.memref_slice %arg13[%dma_start3A_441, %dma_start3A_442] : memref<16x32xf32, #tpu.memory_space<vmem>> -> memref<1x32xf32, #tpu.memory_space<vmem>>
      %dma_start3A_444 = tpu.memref_squeeze %dma_start3A_443 : memref<1x32xf32, #tpu.memory_space<vmem>> -> memref<32xf32, #tpu.memory_space<vmem>>
      %dma_start3A_445 = arith.constant 0 : i32
      %dma_start3A_446 = tpu.memref_slice %arg6[%squeeze3A_440, %dma_start3A_445] : memref<1000000x32xf32, #tpu.memory_space<hbm>> -> memref<1x32xf32, #tpu.memory_space<hbm>>
      %dma_start3A_447 = tpu.memref_squeeze %dma_start3A_446 : memref<1x32xf32, #tpu.memory_space<hbm>> -> memref<32xf32, #tpu.memory_space<hbm>>
      %dma_start3A_448 = arith.constant 0 : i32
      %dma_start3A_449 = tpu.memref_slice %arg13[%dma_start3A_441, %dma_start3A_448] : memref<16x32xf32, #tpu.memory_space<vmem>> -> memref<1x32xf32, #tpu.memory_space<vmem>>
      %dma_start3A_450 = tpu.memref_squeeze %dma_start3A_449 : memref<1x32xf32, #tpu.memory_space<vmem>> -> memref<32xf32, #tpu.memory_space<vmem>>
      %dma_start3A_451 = arith.constant 0 : i32
      %dma_start3A_452 = tpu.memref_slice %arg6[%squeeze3A_440, %dma_start3A_451] : memref<1000000x32xf32, #tpu.memory_space<hbm>> -> memref<1x32xf32, #tpu.memory_space<hbm>>
      %dma_start3A_453 = tpu.memref_squeeze %dma_start3A_452 : memref<1x32xf32, #tpu.memory_space<hbm>> -> memref<32xf32, #tpu.memory_space<hbm>>
      tpu.enqueue_dma source(%dma_start3A_453 : memref<32xf32, #tpu.memory_space<hbm>>) target(%dma_start3A_450 : memref<32xf32, #tpu.memory_space<vmem>>) target_semaphore(%arg18 : memref<!tpu.dma_semaphore, #tpu.memory_space<semaphore_mem>>)
      %slice3A_454 = vector.extract_strided_slice %get3A_66 {offsets = [8], sizes = [1], strides = [1]} : vector<16xi32> to vector<1xi32>
      %squeeze3A_455 = vector.extract %slice3A_454[0] : i32 from vector<1xi32>
      %dma_start3A_456 = arith.constant 8 : i32
      %dma_start3A_457 = arith.constant 0 : i32
      %dma_start3A_458 = tpu.memref_slice %arg14[%dma_start3A_456, %dma_start3A_457] : memref<16x32xf32, #tpu.memory_space<vmem>> -> memref<1x32xf32, #tpu.memory_space<vmem>>
      %dma_start3A_459 = tpu.memref_squeeze %dma_start3A_458 : memref<1x32xf32, #tpu.memory_space<vmem>> -> memref<32xf32, #tpu.memory_space<vmem>>
      %dma_start3A_460 = arith.constant 0 : i32
      %dma_start3A_461 = tpu.memref_slice %arg6[%squeeze3A_455, %dma_start3A_460] : memref<1000000x32xf32, #tpu.memory_space<hbm>> -> memref<1x32xf32, #tpu.memory_space<hbm>>
      %dma_start3A_462 = tpu.memref_squeeze %dma_start3A_461 : memref<1x32xf32, #tpu.memory_space<hbm>> -> memref<32xf32, #tpu.memory_space<hbm>>
      %dma_start3A_463 = arith.constant 0 : i32
      %dma_start3A_464 = tpu.memref_slice %arg14[%dma_start3A_456, %dma_start3A_463] : memref<16x32xf32, #tpu.memory_space<vmem>> -> memref<1x32xf32, #tpu.memory_space<vmem>>
      %dma_start3A_465 = tpu.memref_squeeze %dma_start3A_464 : memref<1x32xf32, #tpu.memory_space<vmem>> -> memref<32xf32, #tpu.memory_space<vmem>>
      %dma_start3A_466 = arith.constant 0 : i32
      %dma_start3A_467 = tpu.memref_slice %arg6[%squeeze3A_455, %dma_start3A_466] : memref<1000000x32xf32, #tpu.memory_space<hbm>> -> memref<1x32xf32, #tpu.memory_space<hbm>>
      %dma_start3A_468 = tpu.memref_squeeze %dma_start3A_467 : memref<1x32xf32, #tpu.memory_space<hbm>> -> memref<32xf32, #tpu.memory_space<hbm>>
      tpu.enqueue_dma source(%dma_start3A_468 : memref<32xf32, #tpu.memory_space<hbm>>) target(%dma_start3A_465 : memref<32xf32, #tpu.memory_space<vmem>>) target_semaphore(%arg18 : memref<!tpu.dma_semaphore, #tpu.memory_space<semaphore_mem>>)
      %slice3A_469 = vector.extract_strided_slice %get3A_58 {offsets = [9], sizes = [1], strides = [1]} : vector<16xi32> to vector<1xi32>
      %squeeze3A_470 = vector.extract %slice3A_469[0] : i32 from vector<1xi32>
      %dma_start3A_471 = arith.constant 9 : i32
      %dma_start3A_472 = arith.constant 0 : i32
      %dma_start3A_473 = tpu.memref_slice %arg12[%dma_start3A_471, %dma_start3A_472] : memref<16x32xf32, #tpu.memory_space<vmem>> -> memref<1x32xf32, #tpu.memory_space<vmem>>
      %dma_start3A_474 = tpu.memref_squeeze %dma_start3A_473 : memref<1x32xf32, #tpu.memory_space<vmem>> -> memref<32xf32, #tpu.memory_space<vmem>>
      %dma_start3A_475 = arith.constant 0 : i32
      %dma_start3A_476 = tpu.memref_slice %arg5[%squeeze3A_470, %dma_start3A_475] : memref<1000000x32xf32, #tpu.memory_space<hbm>> -> memref<1x32xf32, #tpu.memory_space<hbm>>
      %dma_start3A_477 = tpu.memref_squeeze %dma_start3A_476 : memref<1x32xf32, #tpu.memory_space<hbm>> -> memref<32xf32, #tpu.memory_space<hbm>>
      %dma_start3A_478 = arith.constant 0 : i32
      %dma_start3A_479 = tpu.memref_slice %arg12[%dma_start3A_471, %dma_start3A_478] : memref<16x32xf32, #tpu.memory_space<vmem>> -> memref<1x32xf32, #tpu.memory_space<vmem>>
      %dma_start3A_480 = tpu.memref_squeeze %dma_start3A_479 : memref<1x32xf32, #tpu.memory_space<vmem>> -> memref<32xf32, #tpu.memory_space<vmem>>
      %dma_start3A_481 = arith.constant 0 : i32
      %dma_start3A_482 = tpu.memref_slice %arg5[%squeeze3A_470, %dma_start3A_481] : memref<1000000x32xf32, #tpu.memory_space<hbm>> -> memref<1x32xf32, #tpu.memory_space<hbm>>
      %dma_start3A_483 = tpu.memref_squeeze %dma_start3A_482 : memref<1x32xf32, #tpu.memory_space<hbm>> -> memref<32xf32, #tpu.memory_space<hbm>>
      tpu.enqueue_dma source(%dma_start3A_483 : memref<32xf32, #tpu.memory_space<hbm>>) target(%dma_start3A_480 : memref<32xf32, #tpu.memory_space<vmem>>) target_semaphore(%arg18 : memref<!tpu.dma_semaphore, #tpu.memory_space<semaphore_mem>>)
      %slice3A_484 = vector.extract_strided_slice %get3A_62 {offsets = [9], sizes = [1], strides = [1]} : vector<16xi32> to vector<1xi32>
      %squeeze3A_485 = vector.extract %slice3A_484[0] : i32 from vector<1xi32>
      %dma_start3A_486 = arith.constant 9 : i32
      %dma_start3A_487 = arith.constant 0 : i32
      %dma_start3A_488 = tpu.memref_slice %arg13[%dma_start3A_486, %dma_start3A_487] : memref<16x32xf32, #tpu.memory_space<vmem>> -> memref<1x32xf32, #tpu.memory_space<vmem>>
      %dma_start3A_489 = tpu.memref_squeeze %dma_start3A_488 : memref<1x32xf32, #tpu.memory_space<vmem>> -> memref<32xf32, #tpu.memory_space<vmem>>
      %dma_start3A_490 = arith.constant 0 : i32
      %dma_start3A_491 = tpu.memref_slice %arg6[%squeeze3A_485, %dma_start3A_490] : memref<1000000x32xf32, #tpu.memory_space<hbm>> -> memref<1x32xf32, #tpu.memory_space<hbm>>
      %dma_start3A_492 = tpu.memref_squeeze %dma_start3A_491 : memref<1x32xf32, #tpu.memory_space<hbm>> -> memref<32xf32, #tpu.memory_space<hbm>>
      %dma_start3A_493 = arith.constant 0 : i32
      %dma_start3A_494 = tpu.memref_slice %arg13[%dma_start3A_486, %dma_start3A_493] : memref<16x32xf32, #tpu.memory_space<vmem>> -> memref<1x32xf32, #tpu.memory_space<vmem>>
      %dma_start3A_495 = tpu.memref_squeeze %dma_start3A_494 : memref<1x32xf32, #tpu.memory_space<vmem>> -> memref<32xf32, #tpu.memory_space<vmem>>
      %dma_start3A_496 = arith.constant 0 : i32
      %dma_start3A_497 = tpu.memref_slice %arg6[%squeeze3A_485, %dma_start3A_496] : memref<1000000x32xf32, #tpu.memory_space<hbm>> -> memref<1x32xf32, #tpu.memory_space<hbm>>
      %dma_start3A_498 = tpu.memref_squeeze %dma_start3A_497 : memref<1x32xf32, #tpu.memory_space<hbm>> -> memref<32xf32, #tpu.memory_space<hbm>>
      tpu.enqueue_dma source(%dma_start3A_498 : memref<32xf32, #tpu.memory_space<hbm>>) target(%dma_start3A_495 : memref<32xf32, #tpu.memory_space<vmem>>) target_semaphore(%arg18 : memref<!tpu.dma_semaphore, #tpu.memory_space<semaphore_mem>>)
      %slice3A_499 = vector.extract_strided_slice %get3A_66 {offsets = [9], sizes = [1], strides = [1]} : vector<16xi32> to vector<1xi32>
      %squeeze3A_500 = vector.extract %slice3A_499[0] : i32 from vector<1xi32>
      %dma_start3A_501 = arith.constant 9 : i32
      %dma_start3A_502 = arith.constant 0 : i32
      %dma_start3A_503 = tpu.memref_slice %arg14[%dma_start3A_501, %dma_start3A_502] : memref<16x32xf32, #tpu.memory_space<vmem>> -> memref<1x32xf32, #tpu.memory_space<vmem>>
      %dma_start3A_504 = tpu.memref_squeeze %dma_start3A_503 : memref<1x32xf32, #tpu.memory_space<vmem>> -> memref<32xf32, #tpu.memory_space<vmem>>
      %dma_start3A_505 = arith.constant 0 : i32
      %dma_start3A_506 = tpu.memref_slice %arg6[%squeeze3A_500, %dma_start3A_505] : memref<1000000x32xf32, #tpu.memory_space<hbm>> -> memref<1x32xf32, #tpu.memory_space<hbm>>
      %dma_start3A_507 = tpu.memref_squeeze %dma_start3A_506 : memref<1x32xf32, #tpu.memory_space<hbm>> -> memref<32xf32, #tpu.memory_space<hbm>>
      %dma_start3A_508 = arith.constant 0 : i32
      %dma_start3A_509 = tpu.memref_slice %arg14[%dma_start3A_501, %dma_start3A_508] : memref<16x32xf32, #tpu.memory_space<vmem>> -> memref<1x32xf32, #tpu.memory_space<vmem>>
      %dma_start3A_510 = tpu.memref_squeeze %dma_start3A_509 : memref<1x32xf32, #tpu.memory_space<vmem>> -> memref<32xf32, #tpu.memory_space<vmem>>
      %dma_start3A_511 = arith.constant 0 : i32
      %dma_start3A_512 = tpu.memref_slice %arg6[%squeeze3A_500, %dma_start3A_511] : memref<1000000x32xf32, #tpu.memory_space<hbm>> -> memref<1x32xf32, #tpu.memory_space<hbm>>
      %dma_start3A_513 = tpu.memref_squeeze %dma_start3A_512 : memref<1x32xf32, #tpu.memory_space<hbm>> -> memref<32xf32, #tpu.memory_space<hbm>>
      tpu.enqueue_dma source(%dma_start3A_513 : memref<32xf32, #tpu.memory_space<hbm>>) target(%dma_start3A_510 : memref<32xf32, #tpu.memory_space<vmem>>) target_semaphore(%arg18 : memref<!tpu.dma_semaphore, #tpu.memory_space<semaphore_mem>>)
      %slice3A_514 = vector.extract_strided_slice %get3A_58 {offsets = [10], sizes = [1], strides = [1]} : vector<16xi32> to vector<1xi32>
      %squeeze3A_515 = vector.extract %slice3A_514[0] : i32 from vector<1xi32>
      %dma_start3A_516 = arith.constant 10 : i32
      %dma_start3A_517 = arith.constant 0 : i32
      %dma_start3A_518 = tpu.memref_slice %arg12[%dma_start3A_516, %dma_start3A_517] : memref<16x32xf32, #tpu.memory_space<vmem>> -> memref<1x32xf32, #tpu.memory_space<vmem>>
      %dma_start3A_519 = tpu.memref_squeeze %dma_start3A_518 : memref<1x32xf32, #tpu.memory_space<vmem>> -> memref<32xf32, #tpu.memory_space<vmem>>
      %dma_start3A_520 = arith.constant 0 : i32
      %dma_start3A_521 = tpu.memref_slice %arg5[%squeeze3A_515, %dma_start3A_520] : memref<1000000x32xf32, #tpu.memory_space<hbm>> -> memref<1x32xf32, #tpu.memory_space<hbm>>
      %dma_start3A_522 = tpu.memref_squeeze %dma_start3A_521 : memref<1x32xf32, #tpu.memory_space<hbm>> -> memref<32xf32, #tpu.memory_space<hbm>>
      %dma_start3A_523 = arith.constant 0 : i32
      %dma_start3A_524 = tpu.memref_slice %arg12[%dma_start3A_516, %dma_start3A_523] : memref<16x32xf32, #tpu.memory_space<vmem>> -> memref<1x32xf32, #tpu.memory_space<vmem>>
      %dma_start3A_525 = tpu.memref_squeeze %dma_start3A_524 : memref<1x32xf32, #tpu.memory_space<vmem>> -> memref<32xf32, #tpu.memory_space<vmem>>
      %dma_start3A_526 = arith.constant 0 : i32
      %dma_start3A_527 = tpu.memref_slice %arg5[%squeeze3A_515, %dma_start3A_526] : memref<1000000x32xf32, #tpu.memory_space<hbm>> -> memref<1x32xf32, #tpu.memory_space<hbm>>
      %dma_start3A_528 = tpu.memref_squeeze %dma_start3A_527 : memref<1x32xf32, #tpu.memory_space<hbm>> -> memref<32xf32, #tpu.memory_space<hbm>>
      tpu.enqueue_dma source(%dma_start3A_528 : memref<32xf32, #tpu.memory_space<hbm>>) target(%dma_start3A_525 : memref<32xf32, #tpu.memory_space<vmem>>) target_semaphore(%arg18 : memref<!tpu.dma_semaphore, #tpu.memory_space<semaphore_mem>>)
      %slice3A_529 = vector.extract_strided_slice %get3A_62 {offsets = [10], sizes = [1], strides = [1]} : vector<16xi32> to vector<1xi32>
      %squeeze3A_530 = vector.extract %slice3A_529[0] : i32 from vector<1xi32>
      %dma_start3A_531 = arith.constant 10 : i32
      %dma_start3A_532 = arith.constant 0 : i32
      %dma_start3A_533 = tpu.memref_slice %arg13[%dma_start3A_531, %dma_start3A_532] : memref<16x32xf32, #tpu.memory_space<vmem>> -> memref<1x32xf32, #tpu.memory_space<vmem>>
      %dma_start3A_534 = tpu.memref_squeeze %dma_start3A_533 : memref<1x32xf32, #tpu.memory_space<vmem>> -> memref<32xf32, #tpu.memory_space<vmem>>
      %dma_start3A_535 = arith.constant 0 : i32
      %dma_start3A_536 = tpu.memref_slice %arg6[%squeeze3A_530, %dma_start3A_535] : memref<1000000x32xf32, #tpu.memory_space<hbm>> -> memref<1x32xf32, #tpu.memory_space<hbm>>
      %dma_start3A_537 = tpu.memref_squeeze %dma_start3A_536 : memref<1x32xf32, #tpu.memory_space<hbm>> -> memref<32xf32, #tpu.memory_space<hbm>>
      %dma_start3A_538 = arith.constant 0 : i32
      %dma_start3A_539 = tpu.memref_slice %arg13[%dma_start3A_531, %dma_start3A_538] : memref<16x32xf32, #tpu.memory_space<vmem>> -> memref<1x32xf32, #tpu.memory_space<vmem>>
      %dma_start3A_540 = tpu.memref_squeeze %dma_start3A_539 : memref<1x32xf32, #tpu.memory_space<vmem>> -> memref<32xf32, #tpu.memory_space<vmem>>
      %dma_start3A_541 = arith.constant 0 : i32
      %dma_start3A_542 = tpu.memref_slice %arg6[%squeeze3A_530, %dma_start3A_541] : memref<1000000x32xf32, #tpu.memory_space<hbm>> -> memref<1x32xf32, #tpu.memory_space<hbm>>
      %dma_start3A_543 = tpu.memref_squeeze %dma_start3A_542 : memref<1x32xf32, #tpu.memory_space<hbm>> -> memref<32xf32, #tpu.memory_space<hbm>>
      tpu.enqueue_dma source(%dma_start3A_543 : memref<32xf32, #tpu.memory_space<hbm>>) target(%dma_start3A_540 : memref<32xf32, #tpu.memory_space<vmem>>) target_semaphore(%arg18 : memref<!tpu.dma_semaphore, #tpu.memory_space<semaphore_mem>>)
      %slice3A_544 = vector.extract_strided_slice %get3A_66 {offsets = [10], sizes = [1], strides = [1]} : vector<16xi32> to vector<1xi32>
      %squeeze3A_545 = vector.extract %slice3A_544[0] : i32 from vector<1xi32>
      %dma_start3A_546 = arith.constant 10 : i32
      %dma_start3A_547 = arith.constant 0 : i32
      %dma_start3A_548 = tpu.memref_slice %arg14[%dma_start3A_546, %dma_start3A_547] : memref<16x32xf32, #tpu.memory_space<vmem>> -> memref<1x32xf32, #tpu.memory_space<vmem>>
      %dma_start3A_549 = tpu.memref_squeeze %dma_start3A_548 : memref<1x32xf32, #tpu.memory_space<vmem>> -> memref<32xf32, #tpu.memory_space<vmem>>
      %dma_start3A_550 = arith.constant 0 : i32
      %dma_start3A_551 = tpu.memref_slice %arg6[%squeeze3A_545, %dma_start3A_550] : memref<1000000x32xf32, #tpu.memory_space<hbm>> -> memref<1x32xf32, #tpu.memory_space<hbm>>
      %dma_start3A_552 = tpu.memref_squeeze %dma_start3A_551 : memref<1x32xf32, #tpu.memory_space<hbm>> -> memref<32xf32, #tpu.memory_space<hbm>>
      %dma_start3A_553 = arith.constant 0 : i32
      %dma_start3A_554 = tpu.memref_slice %arg14[%dma_start3A_546, %dma_start3A_553] : memref<16x32xf32, #tpu.memory_space<vmem>> -> memref<1x32xf32, #tpu.memory_space<vmem>>
      %dma_start3A_555 = tpu.memref_squeeze %dma_start3A_554 : memref<1x32xf32, #tpu.memory_space<vmem>> -> memref<32xf32, #tpu.memory_space<vmem>>
      %dma_start3A_556 = arith.constant 0 : i32
      %dma_start3A_557 = tpu.memref_slice %arg6[%squeeze3A_545, %dma_start3A_556] : memref<1000000x32xf32, #tpu.memory_space<hbm>> -> memref<1x32xf32, #tpu.memory_space<hbm>>
      %dma_start3A_558 = tpu.memref_squeeze %dma_start3A_557 : memref<1x32xf32, #tpu.memory_space<hbm>> -> memref<32xf32, #tpu.memory_space<hbm>>
      tpu.enqueue_dma source(%dma_start3A_558 : memref<32xf32, #tpu.memory_space<hbm>>) target(%dma_start3A_555 : memref<32xf32, #tpu.memory_space<vmem>>) target_semaphore(%arg18 : memref<!tpu.dma_semaphore, #tpu.memory_space<semaphore_mem>>)
      %slice3A_559 = vector.extract_strided_slice %get3A_58 {offsets = [11], sizes = [1], strides = [1]} : vector<16xi32> to vector<1xi32>
      %squeeze3A_560 = vector.extract %slice3A_559[0] : i32 from vector<1xi32>
      %dma_start3A_561 = arith.constant 11 : i32
      %dma_start3A_562 = arith.constant 0 : i32
      %dma_start3A_563 = tpu.memref_slice %arg12[%dma_start3A_561, %dma_start3A_562] : memref<16x32xf32, #tpu.memory_space<vmem>> -> memref<1x32xf32, #tpu.memory_space<vmem>>
      %dma_start3A_564 = tpu.memref_squeeze %dma_start3A_563 : memref<1x32xf32, #tpu.memory_space<vmem>> -> memref<32xf32, #tpu.memory_space<vmem>>
      %dma_start3A_565 = arith.constant 0 : i32
      %dma_start3A_566 = tpu.memref_slice %arg5[%squeeze3A_560, %dma_start3A_565] : memref<1000000x32xf32, #tpu.memory_space<hbm>> -> memref<1x32xf32, #tpu.memory_space<hbm>>
      %dma_start3A_567 = tpu.memref_squeeze %dma_start3A_566 : memref<1x32xf32, #tpu.memory_space<hbm>> -> memref<32xf32, #tpu.memory_space<hbm>>
      %dma_start3A_568 = arith.constant 0 : i32
      %dma_start3A_569 = tpu.memref_slice %arg12[%dma_start3A_561, %dma_start3A_568] : memref<16x32xf32, #tpu.memory_space<vmem>> -> memref<1x32xf32, #tpu.memory_space<vmem>>
      %dma_start3A_570 = tpu.memref_squeeze %dma_start3A_569 : memref<1x32xf32, #tpu.memory_space<vmem>> -> memref<32xf32, #tpu.memory_space<vmem>>
      %dma_start3A_571 = arith.constant 0 : i32
      %dma_start3A_572 = tpu.memref_slice %arg5[%squeeze3A_560, %dma_start3A_571] : memref<1000000x32xf32, #tpu.memory_space<hbm>> -> memref<1x32xf32, #tpu.memory_space<hbm>>
      %dma_start3A_573 = tpu.memref_squeeze %dma_start3A_572 : memref<1x32xf32, #tpu.memory_space<hbm>> -> memref<32xf32, #tpu.memory_space<hbm>>
      tpu.enqueue_dma source(%dma_start3A_573 : memref<32xf32, #tpu.memory_space<hbm>>) target(%dma_start3A_570 : memref<32xf32, #tpu.memory_space<vmem>>) target_semaphore(%arg18 : memref<!tpu.dma_semaphore, #tpu.memory_space<semaphore_mem>>)
      %slice3A_574 = vector.extract_strided_slice %get3A_62 {offsets = [11], sizes = [1], strides = [1]} : vector<16xi32> to vector<1xi32>
      %squeeze3A_575 = vector.extract %slice3A_574[0] : i32 from vector<1xi32>
      %dma_start3A_576 = arith.constant 11 : i32
      %dma_start3A_577 = arith.constant 0 : i32
      %dma_start3A_578 = tpu.memref_slice %arg13[%dma_start3A_576, %dma_start3A_577] : memref<16x32xf32, #tpu.memory_space<vmem>> -> memref<1x32xf32, #tpu.memory_space<vmem>>
      %dma_start3A_579 = tpu.memref_squeeze %dma_start3A_578 : memref<1x32xf32, #tpu.memory_space<vmem>> -> memref<32xf32, #tpu.memory_space<vmem>>
      %dma_start3A_580 = arith.constant 0 : i32
      %dma_start3A_581 = tpu.memref_slice %arg6[%squeeze3A_575, %dma_start3A_580] : memref<1000000x32xf32, #tpu.memory_space<hbm>> -> memref<1x32xf32, #tpu.memory_space<hbm>>
      %dma_start3A_582 = tpu.memref_squeeze %dma_start3A_581 : memref<1x32xf32, #tpu.memory_space<hbm>> -> memref<32xf32, #tpu.memory_space<hbm>>
      %dma_start3A_583 = arith.constant 0 : i32
      %dma_start3A_584 = tpu.memref_slice %arg13[%dma_start3A_576, %dma_start3A_583] : memref<16x32xf32, #tpu.memory_space<vmem>> -> memref<1x32xf32, #tpu.memory_space<vmem>>
      %dma_start3A_585 = tpu.memref_squeeze %dma_start3A_584 : memref<1x32xf32, #tpu.memory_space<vmem>> -> memref<32xf32, #tpu.memory_space<vmem>>
      %dma_start3A_586 = arith.constant 0 : i32
      %dma_start3A_587 = tpu.memref_slice %arg6[%squeeze3A_575, %dma_start3A_586] : memref<1000000x32xf32, #tpu.memory_space<hbm>> -> memref<1x32xf32, #tpu.memory_space<hbm>>
      %dma_start3A_588 = tpu.memref_squeeze %dma_start3A_587 : memref<1x32xf32, #tpu.memory_space<hbm>> -> memref<32xf32, #tpu.memory_space<hbm>>
      tpu.enqueue_dma source(%dma_start3A_588 : memref<32xf32, #tpu.memory_space<hbm>>) target(%dma_start3A_585 : memref<32xf32, #tpu.memory_space<vmem>>) target_semaphore(%arg18 : memref<!tpu.dma_semaphore, #tpu.memory_space<semaphore_mem>>)
      %slice3A_589 = vector.extract_strided_slice %get3A_66 {offsets = [11], sizes = [1], strides = [1]} : vector<16xi32> to vector<1xi32>
      %squeeze3A_590 = vector.extract %slice3A_589[0] : i32 from vector<1xi32>
      %dma_start3A_591 = arith.constant 11 : i32
      %dma_start3A_592 = arith.constant 0 : i32
      %dma_start3A_593 = tpu.memref_slice %arg14[%dma_start3A_591, %dma_start3A_592] : memref<16x32xf32, #tpu.memory_space<vmem>> -> memref<1x32xf32, #tpu.memory_space<vmem>>
      %dma_start3A_594 = tpu.memref_squeeze %dma_start3A_593 : memref<1x32xf32, #tpu.memory_space<vmem>> -> memref<32xf32, #tpu.memory_space<vmem>>
      %dma_start3A_595 = arith.constant 0 : i32
      %dma_start3A_596 = tpu.memref_slice %arg6[%squeeze3A_590, %dma_start3A_595] : memref<1000000x32xf32, #tpu.memory_space<hbm>> -> memref<1x32xf32, #tpu.memory_space<hbm>>
      %dma_start3A_597 = tpu.memref_squeeze %dma_start3A_596 : memref<1x32xf32, #tpu.memory_space<hbm>> -> memref<32xf32, #tpu.memory_space<hbm>>
      %dma_start3A_598 = arith.constant 0 : i32
      %dma_start3A_599 = tpu.memref_slice %arg14[%dma_start3A_591, %dma_start3A_598] : memref<16x32xf32, #tpu.memory_space<vmem>> -> memref<1x32xf32, #tpu.memory_space<vmem>>
      %dma_start3A_600 = tpu.memref_squeeze %dma_start3A_599 : memref<1x32xf32, #tpu.memory_space<vmem>> -> memref<32xf32, #tpu.memory_space<vmem>>
      %dma_start3A_601 = arith.constant 0 : i32
      %dma_start3A_602 = tpu.memref_slice %arg6[%squeeze3A_590, %dma_start3A_601] : memref<1000000x32xf32, #tpu.memory_space<hbm>> -> memref<1x32xf32, #tpu.memory_space<hbm>>
      %dma_start3A_603 = tpu.memref_squeeze %dma_start3A_602 : memref<1x32xf32, #tpu.memory_space<hbm>> -> memref<32xf32, #tpu.memory_space<hbm>>
      tpu.enqueue_dma source(%dma_start3A_603 : memref<32xf32, #tpu.memory_space<hbm>>) target(%dma_start3A_600 : memref<32xf32, #tpu.memory_space<vmem>>) target_semaphore(%arg18 : memref<!tpu.dma_semaphore, #tpu.memory_space<semaphore_mem>>)
      %slice3A_604 = vector.extract_strided_slice %get3A_58 {offsets = [12], sizes = [1], strides = [1]} : vector<16xi32> to vector<1xi32>
      %squeeze3A_605 = vector.extract %slice3A_604[0] : i32 from vector<1xi32>
      %dma_start3A_606 = arith.constant 12 : i32
      %dma_start3A_607 = arith.constant 0 : i32
      %dma_start3A_608 = tpu.memref_slice %arg12[%dma_start3A_606, %dma_start3A_607] : memref<16x32xf32, #tpu.memory_space<vmem>> -> memref<1x32xf32, #tpu.memory_space<vmem>>
      %dma_start3A_609 = tpu.memref_squeeze %dma_start3A_608 : memref<1x32xf32, #tpu.memory_space<vmem>> -> memref<32xf32, #tpu.memory_space<vmem>>
      %dma_start3A_610 = arith.constant 0 : i32
      %dma_start3A_611 = tpu.memref_slice %arg5[%squeeze3A_605, %dma_start3A_610] : memref<1000000x32xf32, #tpu.memory_space<hbm>> -> memref<1x32xf32, #tpu.memory_space<hbm>>
      %dma_start3A_612 = tpu.memref_squeeze %dma_start3A_611 : memref<1x32xf32, #tpu.memory_space<hbm>> -> memref<32xf32, #tpu.memory_space<hbm>>
      %dma_start3A_613 = arith.constant 0 : i32
      %dma_start3A_614 = tpu.memref_slice %arg12[%dma_start3A_606, %dma_start3A_613] : memref<16x32xf32, #tpu.memory_space<vmem>> -> memref<1x32xf32, #tpu.memory_space<vmem>>
      %dma_start3A_615 = tpu.memref_squeeze %dma_start3A_614 : memref<1x32xf32, #tpu.memory_space<vmem>> -> memref<32xf32, #tpu.memory_space<vmem>>
      %dma_start3A_616 = arith.constant 0 : i32
      %dma_start3A_617 = tpu.memref_slice %arg5[%squeeze3A_605, %dma_start3A_616] : memref<1000000x32xf32, #tpu.memory_space<hbm>> -> memref<1x32xf32, #tpu.memory_space<hbm>>
      %dma_start3A_618 = tpu.memref_squeeze %dma_start3A_617 : memref<1x32xf32, #tpu.memory_space<hbm>> -> memref<32xf32, #tpu.memory_space<hbm>>
      tpu.enqueue_dma source(%dma_start3A_618 : memref<32xf32, #tpu.memory_space<hbm>>) target(%dma_start3A_615 : memref<32xf32, #tpu.memory_space<vmem>>) target_semaphore(%arg18 : memref<!tpu.dma_semaphore, #tpu.memory_space<semaphore_mem>>)
      %slice3A_619 = vector.extract_strided_slice %get3A_62 {offsets = [12], sizes = [1], strides = [1]} : vector<16xi32> to vector<1xi32>
      %squeeze3A_620 = vector.extract %slice3A_619[0] : i32 from vector<1xi32>
      %dma_start3A_621 = arith.constant 12 : i32
      %dma_start3A_622 = arith.constant 0 : i32
      %dma_start3A_623 = tpu.memref_slice %arg13[%dma_start3A_621, %dma_start3A_622] : memref<16x32xf32, #tpu.memory_space<vmem>> -> memref<1x32xf32, #tpu.memory_space<vmem>>
      %dma_start3A_624 = tpu.memref_squeeze %dma_start3A_623 : memref<1x32xf32, #tpu.memory_space<vmem>> -> memref<32xf32, #tpu.memory_space<vmem>>
      %dma_start3A_625 = arith.constant 0 : i32
      %dma_start3A_626 = tpu.memref_slice %arg6[%squeeze3A_620, %dma_start3A_625] : memref<1000000x32xf32, #tpu.memory_space<hbm>> -> memref<1x32xf32, #tpu.memory_space<hbm>>
      %dma_start3A_627 = tpu.memref_squeeze %dma_start3A_626 : memref<1x32xf32, #tpu.memory_space<hbm>> -> memref<32xf32, #tpu.memory_space<hbm>>
      %dma_start3A_628 = arith.constant 0 : i32
      %dma_start3A_629 = tpu.memref_slice %arg13[%dma_start3A_621, %dma_start3A_628] : memref<16x32xf32, #tpu.memory_space<vmem>> -> memref<1x32xf32, #tpu.memory_space<vmem>>
      %dma_start3A_630 = tpu.memref_squeeze %dma_start3A_629 : memref<1x32xf32, #tpu.memory_space<vmem>> -> memref<32xf32, #tpu.memory_space<vmem>>
      %dma_start3A_631 = arith.constant 0 : i32
      %dma_start3A_632 = tpu.memref_slice %arg6[%squeeze3A_620, %dma_start3A_631] : memref<1000000x32xf32, #tpu.memory_space<hbm>> -> memref<1x32xf32, #tpu.memory_space<hbm>>
      %dma_start3A_633 = tpu.memref_squeeze %dma_start3A_632 : memref<1x32xf32, #tpu.memory_space<hbm>> -> memref<32xf32, #tpu.memory_space<hbm>>
      tpu.enqueue_dma source(%dma_start3A_633 : memref<32xf32, #tpu.memory_space<hbm>>) target(%dma_start3A_630 : memref<32xf32, #tpu.memory_space<vmem>>) target_semaphore(%arg18 : memref<!tpu.dma_semaphore, #tpu.memory_space<semaphore_mem>>)
      %slice3A_634 = vector.extract_strided_slice %get3A_66 {offsets = [12], sizes = [1], strides = [1]} : vector<16xi32> to vector<1xi32>
      %squeeze3A_635 = vector.extract %slice3A_634[0] : i32 from vector<1xi32>
      %dma_start3A_636 = arith.constant 12 : i32
      %dma_start3A_637 = arith.constant 0 : i32
      %dma_start3A_638 = tpu.memref_slice %arg14[%dma_start3A_636, %dma_start3A_637] : memref<16x32xf32, #tpu.memory_space<vmem>> -> memref<1x32xf32, #tpu.memory_space<vmem>>
      %dma_start3A_639 = tpu.memref_squeeze %dma_start3A_638 : memref<1x32xf32, #tpu.memory_space<vmem>> -> memref<32xf32, #tpu.memory_space<vmem>>
      %dma_start3A_640 = arith.constant 0 : i32
      %dma_start3A_641 = tpu.memref_slice %arg6[%squeeze3A_635, %dma_start3A_640] : memref<1000000x32xf32, #tpu.memory_space<hbm>> -> memref<1x32xf32, #tpu.memory_space<hbm>>
      %dma_start3A_642 = tpu.memref_squeeze %dma_start3A_641 : memref<1x32xf32, #tpu.memory_space<hbm>> -> memref<32xf32, #tpu.memory_space<hbm>>
      %dma_start3A_643 = arith.constant 0 : i32
      %dma_start3A_644 = tpu.memref_slice %arg14[%dma_start3A_636, %dma_start3A_643] : memref<16x32xf32, #tpu.memory_space<vmem>> -> memref<1x32xf32, #tpu.memory_space<vmem>>
      %dma_start3A_645 = tpu.memref_squeeze %dma_start3A_644 : memref<1x32xf32, #tpu.memory_space<vmem>> -> memref<32xf32, #tpu.memory_space<vmem>>
      %dma_start3A_646 = arith.constant 0 : i32
      %dma_start3A_647 = tpu.memref_slice %arg6[%squeeze3A_635, %dma_start3A_646] : memref<1000000x32xf32, #tpu.memory_space<hbm>> -> memref<1x32xf32, #tpu.memory_space<hbm>>
      %dma_start3A_648 = tpu.memref_squeeze %dma_start3A_647 : memref<1x32xf32, #tpu.memory_space<hbm>> -> memref<32xf32, #tpu.memory_space<hbm>>
      tpu.enqueue_dma source(%dma_start3A_648 : memref<32xf32, #tpu.memory_space<hbm>>) target(%dma_start3A_645 : memref<32xf32, #tpu.memory_space<vmem>>) target_semaphore(%arg18 : memref<!tpu.dma_semaphore, #tpu.memory_space<semaphore_mem>>)
      %slice3A_649 = vector.extract_strided_slice %get3A_58 {offsets = [13], sizes = [1], strides = [1]} : vector<16xi32> to vector<1xi32>
      %squeeze3A_650 = vector.extract %slice3A_649[0] : i32 from vector<1xi32>
      %dma_start3A_651 = arith.constant 13 : i32
      %dma_start3A_652 = arith.constant 0 : i32
      %dma_start3A_653 = tpu.memref_slice %arg12[%dma_start3A_651, %dma_start3A_652] : memref<16x32xf32, #tpu.memory_space<vmem>> -> memref<1x32xf32, #tpu.memory_space<vmem>>
      %dma_start3A_654 = tpu.memref_squeeze %dma_start3A_653 : memref<1x32xf32, #tpu.memory_space<vmem>> -> memref<32xf32, #tpu.memory_space<vmem>>
      %dma_start3A_655 = arith.constant 0 : i32
      %dma_start3A_656 = tpu.memref_slice %arg5[%squeeze3A_650, %dma_start3A_655] : memref<1000000x32xf32, #tpu.memory_space<hbm>> -> memref<1x32xf32, #tpu.memory_space<hbm>>
      %dma_start3A_657 = tpu.memref_squeeze %dma_start3A_656 : memref<1x32xf32, #tpu.memory_space<hbm>> -> memref<32xf32, #tpu.memory_space<hbm>>
      %dma_start3A_658 = arith.constant 0 : i32
      %dma_start3A_659 = tpu.memref_slice %arg12[%dma_start3A_651, %dma_start3A_658] : memref<16x32xf32, #tpu.memory_space<vmem>> -> memref<1x32xf32, #tpu.memory_space<vmem>>
      %dma_start3A_660 = tpu.memref_squeeze %dma_start3A_659 : memref<1x32xf32, #tpu.memory_space<vmem>> -> memref<32xf32, #tpu.memory_space<vmem>>
      %dma_start3A_661 = arith.constant 0 : i32
      %dma_start3A_662 = tpu.memref_slice %arg5[%squeeze3A_650, %dma_start3A_661] : memref<1000000x32xf32, #tpu.memory_space<hbm>> -> memref<1x32xf32, #tpu.memory_space<hbm>>
      %dma_start3A_663 = tpu.memref_squeeze %dma_start3A_662 : memref<1x32xf32, #tpu.memory_space<hbm>> -> memref<32xf32, #tpu.memory_space<hbm>>
      tpu.enqueue_dma source(%dma_start3A_663 : memref<32xf32, #tpu.memory_space<hbm>>) target(%dma_start3A_660 : memref<32xf32, #tpu.memory_space<vmem>>) target_semaphore(%arg18 : memref<!tpu.dma_semaphore, #tpu.memory_space<semaphore_mem>>)
      %slice3A_664 = vector.extract_strided_slice %get3A_62 {offsets = [13], sizes = [1], strides = [1]} : vector<16xi32> to vector<1xi32>
      %squeeze3A_665 = vector.extract %slice3A_664[0] : i32 from vector<1xi32>
      %dma_start3A_666 = arith.constant 13 : i32
      %dma_start3A_667 = arith.constant 0 : i32
      %dma_start3A_668 = tpu.memref_slice %arg13[%dma_start3A_666, %dma_start3A_667] : memref<16x32xf32, #tpu.memory_space<vmem>> -> memref<1x32xf32, #tpu.memory_space<vmem>>
      %dma_start3A_669 = tpu.memref_squeeze %dma_start3A_668 : memref<1x32xf32, #tpu.memory_space<vmem>> -> memref<32xf32, #tpu.memory_space<vmem>>
      %dma_start3A_670 = arith.constant 0 : i32
      %dma_start3A_671 = tpu.memref_slice %arg6[%squeeze3A_665, %dma_start3A_670] : memref<1000000x32xf32, #tpu.memory_space<hbm>> -> memref<1x32xf32, #tpu.memory_space<hbm>>
      %dma_start3A_672 = tpu.memref_squeeze %dma_start3A_671 : memref<1x32xf32, #tpu.memory_space<hbm>> -> memref<32xf32, #tpu.memory_space<hbm>>
      %dma_start3A_673 = arith.constant 0 : i32
      %dma_start3A_674 = tpu.memref_slice %arg13[%dma_start3A_666, %dma_start3A_673] : memref<16x32xf32, #tpu.memory_space<vmem>> -> memref<1x32xf32, #tpu.memory_space<vmem>>
      %dma_start3A_675 = tpu.memref_squeeze %dma_start3A_674 : memref<1x32xf32, #tpu.memory_space<vmem>> -> memref<32xf32, #tpu.memory_space<vmem>>
      %dma_start3A_676 = arith.constant 0 : i32
      %dma_start3A_677 = tpu.memref_slice %arg6[%squeeze3A_665, %dma_start3A_676] : memref<1000000x32xf32, #tpu.memory_space<hbm>> -> memref<1x32xf32, #tpu.memory_space<hbm>>
      %dma_start3A_678 = tpu.memref_squeeze %dma_start3A_677 : memref<1x32xf32, #tpu.memory_space<hbm>> -> memref<32xf32, #tpu.memory_space<hbm>>
      tpu.enqueue_dma source(%dma_start3A_678 : memref<32xf32, #tpu.memory_space<hbm>>) target(%dma_start3A_675 : memref<32xf32, #tpu.memory_space<vmem>>) target_semaphore(%arg18 : memref<!tpu.dma_semaphore, #tpu.memory_space<semaphore_mem>>)
      %slice3A_679 = vector.extract_strided_slice %get3A_66 {offsets = [13], sizes = [1], strides = [1]} : vector<16xi32> to vector<1xi32>
      %squeeze3A_680 = vector.extract %slice3A_679[0] : i32 from vector<1xi32>
      %dma_start3A_681 = arith.constant 13 : i32
      %dma_start3A_682 = arith.constant 0 : i32
      %dma_start3A_683 = tpu.memref_slice %arg14[%dma_start3A_681, %dma_start3A_682] : memref<16x32xf32, #tpu.memory_space<vmem>> -> memref<1x32xf32, #tpu.memory_space<vmem>>
      %dma_start3A_684 = tpu.memref_squeeze %dma_start3A_683 : memref<1x32xf32, #tpu.memory_space<vmem>> -> memref<32xf32, #tpu.memory_space<vmem>>
      %dma_start3A_685 = arith.constant 0 : i32
      %dma_start3A_686 = tpu.memref_slice %arg6[%squeeze3A_680, %dma_start3A_685] : memref<1000000x32xf32, #tpu.memory_space<hbm>> -> memref<1x32xf32, #tpu.memory_space<hbm>>
      %dma_start3A_687 = tpu.memref_squeeze %dma_start3A_686 : memref<1x32xf32, #tpu.memory_space<hbm>> -> memref<32xf32, #tpu.memory_space<hbm>>
      %dma_start3A_688 = arith.constant 0 : i32
      %dma_start3A_689 = tpu.memref_slice %arg14[%dma_start3A_681, %dma_start3A_688] : memref<16x32xf32, #tpu.memory_space<vmem>> -> memref<1x32xf32, #tpu.memory_space<vmem>>
      %dma_start3A_690 = tpu.memref_squeeze %dma_start3A_689 : memref<1x32xf32, #tpu.memory_space<vmem>> -> memref<32xf32, #tpu.memory_space<vmem>>
      %dma_start3A_691 = arith.constant 0 : i32
      %dma_start3A_692 = tpu.memref_slice %arg6[%squeeze3A_680, %dma_start3A_691] : memref<1000000x32xf32, #tpu.memory_space<hbm>> -> memref<1x32xf32, #tpu.memory_space<hbm>>
      %dma_start3A_693 = tpu.memref_squeeze %dma_start3A_692 : memref<1x32xf32, #tpu.memory_space<hbm>> -> memref<32xf32, #tpu.memory_space<hbm>>
      tpu.enqueue_dma source(%dma_start3A_693 : memref<32xf32, #tpu.memory_space<hbm>>) target(%dma_start3A_690 : memref<32xf32, #tpu.memory_space<vmem>>) target_semaphore(%arg18 : memref<!tpu.dma_semaphore, #tpu.memory_space<semaphore_mem>>)
      %slice3A_694 = vector.extract_strided_slice %get3A_58 {offsets = [14], sizes = [1], strides = [1]} : vector<16xi32> to vector<1xi32>
      %squeeze3A_695 = vector.extract %slice3A_694[0] : i32 from vector<1xi32>
      %dma_start3A_696 = arith.constant 14 : i32
      %dma_start3A_697 = arith.constant 0 : i32
      %dma_start3A_698 = tpu.memref_slice %arg12[%dma_start3A_696, %dma_start3A_697] : memref<16x32xf32, #tpu.memory_space<vmem>> -> memref<1x32xf32, #tpu.memory_space<vmem>>
      %dma_start3A_699 = tpu.memref_squeeze %dma_start3A_698 : memref<1x32xf32, #tpu.memory_space<vmem>> -> memref<32xf32, #tpu.memory_space<vmem>>
      %dma_start3A_700 = arith.constant 0 : i32
      %dma_start3A_701 = tpu.memref_slice %arg5[%squeeze3A_695, %dma_start3A_700] : memref<1000000x32xf32, #tpu.memory_space<hbm>> -> memref<1x32xf32, #tpu.memory_space<hbm>>
      %dma_start3A_702 = tpu.memref_squeeze %dma_start3A_701 : memref<1x32xf32, #tpu.memory_space<hbm>> -> memref<32xf32, #tpu.memory_space<hbm>>
      %dma_start3A_703 = arith.constant 0 : i32
      %dma_start3A_704 = tpu.memref_slice %arg12[%dma_start3A_696, %dma_start3A_703] : memref<16x32xf32, #tpu.memory_space<vmem>> -> memref<1x32xf32, #tpu.memory_space<vmem>>
      %dma_start3A_705 = tpu.memref_squeeze %dma_start3A_704 : memref<1x32xf32, #tpu.memory_space<vmem>> -> memref<32xf32, #tpu.memory_space<vmem>>
      %dma_start3A_706 = arith.constant 0 : i32
      %dma_start3A_707 = tpu.memref_slice %arg5[%squeeze3A_695, %dma_start3A_706] : memref<1000000x32xf32, #tpu.memory_space<hbm>> -> memref<1x32xf32, #tpu.memory_space<hbm>>
      %dma_start3A_708 = tpu.memref_squeeze %dma_start3A_707 : memref<1x32xf32, #tpu.memory_space<hbm>> -> memref<32xf32, #tpu.memory_space<hbm>>
      tpu.enqueue_dma source(%dma_start3A_708 : memref<32xf32, #tpu.memory_space<hbm>>) target(%dma_start3A_705 : memref<32xf32, #tpu.memory_space<vmem>>) target_semaphore(%arg18 : memref<!tpu.dma_semaphore, #tpu.memory_space<semaphore_mem>>)
      %slice3A_709 = vector.extract_strided_slice %get3A_62 {offsets = [14], sizes = [1], strides = [1]} : vector<16xi32> to vector<1xi32>
      %squeeze3A_710 = vector.extract %slice3A_709[0] : i32 from vector<1xi32>
      %dma_start3A_711 = arith.constant 14 : i32
      %dma_start3A_712 = arith.constant 0 : i32
      %dma_start3A_713 = tpu.memref_slice %arg13[%dma_start3A_711, %dma_start3A_712] : memref<16x32xf32, #tpu.memory_space<vmem>> -> memref<1x32xf32, #tpu.memory_space<vmem>>
      %dma_start3A_714 = tpu.memref_squeeze %dma_start3A_713 : memref<1x32xf32, #tpu.memory_space<vmem>> -> memref<32xf32, #tpu.memory_space<vmem>>
      %dma_start3A_715 = arith.constant 0 : i32
      %dma_start3A_716 = tpu.memref_slice %arg6[%squeeze3A_710, %dma_start3A_715] : memref<1000000x32xf32, #tpu.memory_space<hbm>> -> memref<1x32xf32, #tpu.memory_space<hbm>>
      %dma_start3A_717 = tpu.memref_squeeze %dma_start3A_716 : memref<1x32xf32, #tpu.memory_space<hbm>> -> memref<32xf32, #tpu.memory_space<hbm>>
      %dma_start3A_718 = arith.constant 0 : i32
      %dma_start3A_719 = tpu.memref_slice %arg13[%dma_start3A_711, %dma_start3A_718] : memref<16x32xf32, #tpu.memory_space<vmem>> -> memref<1x32xf32, #tpu.memory_space<vmem>>
      %dma_start3A_720 = tpu.memref_squeeze %dma_start3A_719 : memref<1x32xf32, #tpu.memory_space<vmem>> -> memref<32xf32, #tpu.memory_space<vmem>>
      %dma_start3A_721 = arith.constant 0 : i32
      %dma_start3A_722 = tpu.memref_slice %arg6[%squeeze3A_710, %dma_start3A_721] : memref<1000000x32xf32, #tpu.memory_space<hbm>> -> memref<1x32xf32, #tpu.memory_space<hbm>>
      %dma_start3A_723 = tpu.memref_squeeze %dma_start3A_722 : memref<1x32xf32, #tpu.memory_space<hbm>> -> memref<32xf32, #tpu.memory_space<hbm>>
      tpu.enqueue_dma source(%dma_start3A_723 : memref<32xf32, #tpu.memory_space<hbm>>) target(%dma_start3A_720 : memref<32xf32, #tpu.memory_space<vmem>>) target_semaphore(%arg18 : memref<!tpu.dma_semaphore, #tpu.memory_space<semaphore_mem>>)
      %slice3A_724 = vector.extract_strided_slice %get3A_66 {offsets = [14], sizes = [1], strides = [1]} : vector<16xi32> to vector<1xi32>
      %squeeze3A_725 = vector.extract %slice3A_724[0] : i32 from vector<1xi32>
      %dma_start3A_726 = arith.constant 14 : i32
      %dma_start3A_727 = arith.constant 0 : i32
      %dma_start3A_728 = tpu.memref_slice %arg14[%dma_start3A_726, %dma_start3A_727] : memref<16x32xf32, #tpu.memory_space<vmem>> -> memref<1x32xf32, #tpu.memory_space<vmem>>
      %dma_start3A_729 = tpu.memref_squeeze %dma_start3A_728 : memref<1x32xf32, #tpu.memory_space<vmem>> -> memref<32xf32, #tpu.memory_space<vmem>>
      %dma_start3A_730 = arith.constant 0 : i32
      %dma_start3A_731 = tpu.memref_slice %arg6[%squeeze3A_725, %dma_start3A_730] : memref<1000000x32xf32, #tpu.memory_space<hbm>> -> memref<1x32xf32, #tpu.memory_space<hbm>>
      %dma_start3A_732 = tpu.memref_squeeze %dma_start3A_731 : memref<1x32xf32, #tpu.memory_space<hbm>> -> memref<32xf32, #tpu.memory_space<hbm>>
      %dma_start3A_733 = arith.constant 0 : i32
      %dma_start3A_734 = tpu.memref_slice %arg14[%dma_start3A_726, %dma_start3A_733] : memref<16x32xf32, #tpu.memory_space<vmem>> -> memref<1x32xf32, #tpu.memory_space<vmem>>
      %dma_start3A_735 = tpu.memref_squeeze %dma_start3A_734 : memref<1x32xf32, #tpu.memory_space<vmem>> -> memref<32xf32, #tpu.memory_space<vmem>>
      %dma_start3A_736 = arith.constant 0 : i32
      %dma_start3A_737 = tpu.memref_slice %arg6[%squeeze3A_725, %dma_start3A_736] : memref<1000000x32xf32, #tpu.memory_space<hbm>> -> memref<1x32xf32, #tpu.memory_space<hbm>>
      %dma_start3A_738 = tpu.memref_squeeze %dma_start3A_737 : memref<1x32xf32, #tpu.memory_space<hbm>> -> memref<32xf32, #tpu.memory_space<hbm>>
      tpu.enqueue_dma source(%dma_start3A_738 : memref<32xf32, #tpu.memory_space<hbm>>) target(%dma_start3A_735 : memref<32xf32, #tpu.memory_space<vmem>>) target_semaphore(%arg18 : memref<!tpu.dma_semaphore, #tpu.memory_space<semaphore_mem>>)
      %slice3A_739 = vector.extract_strided_slice %get3A_58 {offsets = [15], sizes = [1], strides = [1]} : vector<16xi32> to vector<1xi32>
      %squeeze3A_740 = vector.extract %slice3A_739[0] : i32 from vector<1xi32>
      %dma_start3A_741 = arith.constant 15 : i32
      %dma_start3A_742 = arith.constant 0 : i32
      %dma_start3A_743 = tpu.memref_slice %arg12[%dma_start3A_741, %dma_start3A_742] : memref<16x32xf32, #tpu.memory_space<vmem>> -> memref<1x32xf32, #tpu.memory_space<vmem>>
      %dma_start3A_744 = tpu.memref_squeeze %dma_start3A_743 : memref<1x32xf32, #tpu.memory_space<vmem>> -> memref<32xf32, #tpu.memory_space<vmem>>
      %dma_start3A_745 = arith.constant 0 : i32
      %dma_start3A_746 = tpu.memref_slice %arg5[%squeeze3A_740, %dma_start3A_745] : memref<1000000x32xf32, #tpu.memory_space<hbm>> -> memref<1x32xf32, #tpu.memory_space<hbm>>
      %dma_start3A_747 = tpu.memref_squeeze %dma_start3A_746 : memref<1x32xf32, #tpu.memory_space<hbm>> -> memref<32xf32, #tpu.memory_space<hbm>>
      %dma_start3A_748 = arith.constant 0 : i32
      %dma_start3A_749 = tpu.memref_slice %arg12[%dma_start3A_741, %dma_start3A_748] : memref<16x32xf32, #tpu.memory_space<vmem>> -> memref<1x32xf32, #tpu.memory_space<vmem>>
      %dma_start3A_750 = tpu.memref_squeeze %dma_start3A_749 : memref<1x32xf32, #tpu.memory_space<vmem>> -> memref<32xf32, #tpu.memory_space<vmem>>
      %dma_start3A_751 = arith.constant 0 : i32
      %dma_start3A_752 = tpu.memref_slice %arg5[%squeeze3A_740, %dma_start3A_751] : memref<1000000x32xf32, #tpu.memory_space<hbm>> -> memref<1x32xf32, #tpu.memory_space<hbm>>
      %dma_start3A_753 = tpu.memref_squeeze %dma_start3A_752 : memref<1x32xf32, #tpu.memory_space<hbm>> -> memref<32xf32, #tpu.memory_space<hbm>>
      tpu.enqueue_dma source(%dma_start3A_753 : memref<32xf32, #tpu.memory_space<hbm>>) target(%dma_start3A_750 : memref<32xf32, #tpu.memory_space<vmem>>) target_semaphore(%arg18 : memref<!tpu.dma_semaphore, #tpu.memory_space<semaphore_mem>>)
      %slice3A_754 = vector.extract_strided_slice %get3A_62 {offsets = [15], sizes = [1], strides = [1]} : vector<16xi32> to vector<1xi32>
      %squeeze3A_755 = vector.extract %slice3A_754[0] : i32 from vector<1xi32>
      %dma_start3A_756 = arith.constant 15 : i32
      %dma_start3A_757 = arith.constant 0 : i32
      %dma_start3A_758 = tpu.memref_slice %arg13[%dma_start3A_756, %dma_start3A_757] : memref<16x32xf32, #tpu.memory_space<vmem>> -> memref<1x32xf32, #tpu.memory_space<vmem>>
      %dma_start3A_759 = tpu.memref_squeeze %dma_start3A_758 : memref<1x32xf32, #tpu.memory_space<vmem>> -> memref<32xf32, #tpu.memory_space<vmem>>
      %dma_start3A_760 = arith.constant 0 : i32
      %dma_start3A_761 = tpu.memref_slice %arg6[%squeeze3A_755, %dma_start3A_760] : memref<1000000x32xf32, #tpu.memory_space<hbm>> -> memref<1x32xf32, #tpu.memory_space<hbm>>
      %dma_start3A_762 = tpu.memref_squeeze %dma_start3A_761 : memref<1x32xf32, #tpu.memory_space<hbm>> -> memref<32xf32, #tpu.memory_space<hbm>>
      %dma_start3A_763 = arith.constant 0 : i32
      %dma_start3A_764 = tpu.memref_slice %arg13[%dma_start3A_756, %dma_start3A_763] : memref<16x32xf32, #tpu.memory_space<vmem>> -> memref<1x32xf32, #tpu.memory_space<vmem>>
      %dma_start3A_765 = tpu.memref_squeeze %dma_start3A_764 : memref<1x32xf32, #tpu.memory_space<vmem>> -> memref<32xf32, #tpu.memory_space<vmem>>
      %dma_start3A_766 = arith.constant 0 : i32
      %dma_start3A_767 = tpu.memref_slice %arg6[%squeeze3A_755, %dma_start3A_766] : memref<1000000x32xf32, #tpu.memory_space<hbm>> -> memref<1x32xf32, #tpu.memory_space<hbm>>
      %dma_start3A_768 = tpu.memref_squeeze %dma_start3A_767 : memref<1x32xf32, #tpu.memory_space<hbm>> -> memref<32xf32, #tpu.memory_space<hbm>>
      tpu.enqueue_dma source(%dma_start3A_768 : memref<32xf32, #tpu.memory_space<hbm>>) target(%dma_start3A_765 : memref<32xf32, #tpu.memory_space<vmem>>) target_semaphore(%arg18 : memref<!tpu.dma_semaphore, #tpu.memory_space<semaphore_mem>>)
      %slice3A_769 = vector.extract_strided_slice %get3A_66 {offsets = [15], sizes = [1], strides = [1]} : vector<16xi32> to vector<1xi32>
      %squeeze3A_770 = vector.extract %slice3A_769[0] : i32 from vector<1xi32>
      %dma_start3A_771 = arith.constant 15 : i32
      %dma_start3A_772 = arith.constant 0 : i32
      %dma_start3A_773 = tpu.memref_slice %arg14[%dma_start3A_771, %dma_start3A_772] : memref<16x32xf32, #tpu.memory_space<vmem>> -> memref<1x32xf32, #tpu.memory_space<vmem>>
      %dma_start3A_774 = tpu.memref_squeeze %dma_start3A_773 : memref<1x32xf32, #tpu.memory_space<vmem>> -> memref<32xf32, #tpu.memory_space<vmem>>
      %dma_start3A_775 = arith.constant 0 : i32
      %dma_start3A_776 = tpu.memref_slice %arg6[%squeeze3A_770, %dma_start3A_775] : memref<1000000x32xf32, #tpu.memory_space<hbm>> -> memref<1x32xf32, #tpu.memory_space<hbm>>
      %dma_start3A_777 = tpu.memref_squeeze %dma_start3A_776 : memref<1x32xf32, #tpu.memory_space<hbm>> -> memref<32xf32, #tpu.memory_space<hbm>>
      %dma_start3A_778 = arith.constant 0 : i32
      %dma_start3A_779 = tpu.memref_slice %arg14[%dma_start3A_771, %dma_start3A_778] : memref<16x32xf32, #tpu.memory_space<vmem>> -> memref<1x32xf32, #tpu.memory_space<vmem>>
      %dma_start3A_780 = tpu.memref_squeeze %dma_start3A_779 : memref<1x32xf32, #tpu.memory_space<vmem>> -> memref<32xf32, #tpu.memory_space<vmem>>
      %dma_start3A_781 = arith.constant 0 : i32
      %dma_start3A_782 = tpu.memref_slice %arg6[%squeeze3A_770, %dma_start3A_781] : memref<1000000x32xf32, #tpu.memory_space<hbm>> -> memref<1x32xf32, #tpu.memory_space<hbm>>
      %dma_start3A_783 = tpu.memref_squeeze %dma_start3A_782 : memref<1x32xf32, #tpu.memory_space<hbm>> -> memref<32xf32, #tpu.memory_space<hbm>>
      tpu.enqueue_dma source(%dma_start3A_783 : memref<32xf32, #tpu.memory_space<hbm>>) target(%dma_start3A_780 : memref<32xf32, #tpu.memory_space<vmem>>) target_semaphore(%arg18 : memref<!tpu.dma_semaphore, #tpu.memory_space<semaphore_mem>>)
      %dma_wait3A = arith.constant 0 : i32
      %dma_wait3A_784 = arith.constant 0 : i32
      %dma_wait3A_785 = tpu.memref_slice %arg5[%dma_wait3A, %dma_wait3A_784] : memref<1000000x32xf32, #tpu.memory_space<hbm>> -> memref<48x32xf32, #tpu.memory_space<hbm>>
      %dma_wait3A_786 = arith.constant 0 : i32
      %dma_wait3A_787 = arith.constant 0 : i32
      %dma_wait3A_788 = tpu.memref_slice %arg5[%dma_wait3A_786, %dma_wait3A_787] : memref<1000000x32xf32, #tpu.memory_space<hbm>> -> memref<48x32xf32, #tpu.memory_space<hbm>>
      tpu.wait_dma2 semaphore(%arg18 : memref<!tpu.dma_semaphore, #tpu.memory_space<semaphore_mem>>) src(%dma_wait3A_788 : memref<48x32xf32, #tpu.memory_space<hbm>>) dst(%arg17 : memref<48x32xf32, #tpu.memory_space<vmem>>)
      %broadcast_in_dim3A = arith.constant 0.000000e+00 : f32
      %broadcast_in_dim3A_789 = vector.broadcast %broadcast_in_dim3A : f32 to vector<16xf32>
      %broadcast_in_dim3A_790 = arith.constant 0.000000e+00 : f32
      %broadcast_in_dim3A_791 = vector.broadcast %broadcast_in_dim3A_790 : f32 to vector<16xf32>
      %get3A_792 = arith.constant 0 : i32
      %get3A_793 = arith.index_cast %get3A_792 : i32 to index
      %get3A_794 = arith.constant 0 : index
      %get3A_795 = tpu.vector_load %arg12[%get3A_793, %get3A_794] {strides = array<i32>} : memref<16x32xf32, #tpu.memory_space<vmem>>, vector<16xf32>,
      %get3A_796 = arith.constant 0 : i32
      %get3A_797 = arith.index_cast %get3A_796 : i32 to index
      %get3A_798 = arith.constant 16 : index
      %get3A_799 = tpu.vector_load %arg12[%get3A_797, %get3A_798] {strides = array<i32>} : memref<16x32xf32, #tpu.memory_space<vmem>>, vector<16xf32>,
      %get3A_800 = arith.constant 0 : i32
      %get3A_801 = arith.index_cast %get3A_800 : i32 to index
      %get3A_802 = arith.constant 0 : index
      %get3A_803 = tpu.vector_load %arg13[%get3A_801, %get3A_802] {strides = array<i32>} : memref<16x32xf32, #tpu.memory_space<vmem>>, vector<16xf32>,
      %get3A_804 = arith.constant 0 : i32
      %get3A_805 = arith.index_cast %get3A_804 : i32 to index
      %get3A_806 = arith.constant 16 : index
      %get3A_807 = tpu.vector_load %arg13[%get3A_805, %get3A_806] {strides = array<i32>} : memref<16x32xf32, #tpu.memory_space<vmem>>, vector<16xf32>,
      %get3A_808 = arith.constant 0 : i32
      %get3A_809 = arith.index_cast %get3A_808 : i32 to index
      %get3A_810 = arith.constant 0 : index
      %get3A_811 = tpu.vector_load %arg14[%get3A_809, %get3A_810] {strides = array<i32>} : memref<16x32xf32, #tpu.memory_space<vmem>>, vector<16xf32>,
      %get3A_812 = arith.constant 0 : i32
      %get3A_813 = arith.index_cast %get3A_812 : i32 to index
      %get3A_814 = arith.constant 16 : index
      %get3A_815 = tpu.vector_load %arg14[%get3A_813, %get3A_814] {strides = array<i32>} : memref<16x32xf32, #tpu.memory_space<vmem>>, vector<16xf32>,
      %mul3A_816 = arith.mulf %get3A_795, %get3A_803 : vector<16xf32>
      %mul3A_817 = arith.mulf %get3A_799, %get3A_807 : vector<16xf32>
      %add3A_818 = arith.addf %mul3A_816, %mul3A_817 : vector<16xf32>
      %reduce_sum3A = arith.constant true
      %reduce_sum3A_819 = vector.broadcast %reduce_sum3A : i1 to vector<16xi1>
      %reduce_sum3A_820 = tpu.scan <sum>, %add3A_818 masked %reduce_sum3A_819 : vector<16xf32>, vector<16xi1> -> vector<16xf32>
      %reduce_sum3A_821 = vector.extract %reduce_sum3A_820[15] : f32 from vector<16xf32>
      %mul3A_822 = arith.mulf %get3A_795, %get3A_811 : vector<16xf32>
      %mul3A_823 = arith.mulf %get3A_799, %get3A_815 : vector<16xf32>
      %add3A_824 = arith.addf %mul3A_822, %mul3A_823 : vector<16xf32>
      %reduce_sum3A_825 = arith.constant true
      %reduce_sum3A_826 = vector.broadcast %reduce_sum3A_825 : i1 to vector<16xi1>
      %reduce_sum3A_827 = tpu.scan <sum>, %add3A_824 masked %reduce_sum3A_826 : vector<16xf32>, vector<16xi1> -> vector<16xf32>
      %reduce_sum3A_828 = vector.extract %reduce_sum3A_827[15] : f32 from vector<16xf32>
      %broadcast_in_dim3A_829 = vector.broadcast %reduce_sum3A_821 : f32 to vector<16xf32>
      %select_n3A = arith.select %eq3A_4, %broadcast_in_dim3A_829, %broadcast_in_dim3A_789 : vector<16xi1>, vector<16xf32>
      %broadcast_in_dim3A_830 = vector.broadcast %reduce_sum3A_828 : f32 to vector<16xf32>
      %select_n3A_831 = arith.select %eq3A_4, %broadcast_in_dim3A_830, %broadcast_in_dim3A_791 : vector<16xi1>, vector<16xf32>
      %get3A_832 = arith.constant 1 : i32
      %get3A_833 = arith.index_cast %get3A_832 : i32 to index
      %get3A_834 = arith.constant 0 : index
      %get3A_835 = tpu.vector_load %arg12[%get3A_833, %get3A_834] {strides = array<i32>} : memref<16x32xf32, #tpu.memory_space<vmem>>, vector<16xf32>,
      %get3A_836 = arith.constant 1 : i32
      %get3A_837 = arith.index_cast %get3A_836 : i32 to index
      %get3A_838 = arith.constant 16 : index
      %get3A_839 = tpu.vector_load %arg12[%get3A_837, %get3A_838] {strides = array<i32>} : memref<16x32xf32, #tpu.memory_space<vmem>>, vector<16xf32>,
      %get3A_840 = arith.constant 1 : i32
      %get3A_841 = arith.index_cast %get3A_840 : i32 to index
      %get3A_842 = arith.constant 0 : index
      %get3A_843 = tpu.vector_load %arg13[%get3A_841, %get3A_842] {strides = array<i32>} : memref<16x32xf32, #tpu.memory_space<vmem>>, vector<16xf32>,
      %get3A_844 = arith.constant 1 : i32
      %get3A_845 = arith.index_cast %get3A_844 : i32 to index
      %get3A_846 = arith.constant 16 : index
      %get3A_847 = tpu.vector_load %arg13[%get3A_845, %get3A_846] {strides = array<i32>} : memref<16x32xf32, #tpu.memory_space<vmem>>, vector<16xf32>,
      %get3A_848 = arith.constant 1 : i32
      %get3A_849 = arith.index_cast %get3A_848 : i32 to index
      %get3A_850 = arith.constant 0 : index
      %get3A_851 = tpu.vector_load %arg14[%get3A_849, %get3A_850] {strides = array<i32>} : memref<16x32xf32, #tpu.memory_space<vmem>>, vector<16xf32>,
      %get3A_852 = arith.constant 1 : i32
      %get3A_853 = arith.index_cast %get3A_852 : i32 to index
      %get3A_854 = arith.constant 16 : index
      %get3A_855 = tpu.vector_load %arg14[%get3A_853, %get3A_854] {strides = array<i32>} : memref<16x32xf32, #tpu.memory_space<vmem>>, vector<16xf32>,
      %mul3A_856 = arith.mulf %get3A_835, %get3A_843 : vector<16xf32>
      %mul3A_857 = arith.mulf %get3A_839, %get3A_847 : vector<16xf32>
      %add3A_858 = arith.addf %mul3A_856, %mul3A_857 : vector<16xf32>
      %reduce_sum3A_859 = arith.constant true
      %reduce_sum3A_860 = vector.broadcast %reduce_sum3A_859 : i1 to vector<16xi1>
      %reduce_sum3A_861 = tpu.scan <sum>, %add3A_858 masked %reduce_sum3A_860 : vector<16xf32>, vector<16xi1> -> vector<16xf32>
      %reduce_sum3A_862 = vector.extract %reduce_sum3A_861[15] : f32 from vector<16xf32>
      %mul3A_863 = arith.mulf %get3A_835, %get3A_851 : vector<16xf32>
      %mul3A_864 = arith.mulf %get3A_839, %get3A_855 : vector<16xf32>
      %add3A_865 = arith.addf %mul3A_863, %mul3A_864 : vector<16xf32>
      %reduce_sum3A_866 = arith.constant true
      %reduce_sum3A_867 = vector.broadcast %reduce_sum3A_866 : i1 to vector<16xi1>
      %reduce_sum3A_868 = tpu.scan <sum>, %add3A_865 masked %reduce_sum3A_867 : vector<16xf32>, vector<16xi1> -> vector<16xf32>
      %reduce_sum3A_869 = vector.extract %reduce_sum3A_868[15] : f32 from vector<16xf32>
      %broadcast_in_dim3A_870 = vector.broadcast %reduce_sum3A_862 : f32 to vector<16xf32>
      %select_n3A_871 = arith.select %eq3A_7, %broadcast_in_dim3A_870, %select_n3A : vector<16xi1>, vector<16xf32>
      %broadcast_in_dim3A_872 = vector.broadcast %reduce_sum3A_869 : f32 to vector<16xf32>
      %select_n3A_873 = arith.select %eq3A_7, %broadcast_in_dim3A_872, %select_n3A_831 : vector<16xi1>, vector<16xf32>
      %get3A_874 = arith.constant 2 : i32
      %get3A_875 = arith.index_cast %get3A_874 : i32 to index
      %get3A_876 = arith.constant 0 : index
      %get3A_877 = tpu.vector_load %arg12[%get3A_875, %get3A_876] {strides = array<i32>} : memref<16x32xf32, #tpu.memory_space<vmem>>, vector<16xf32>,
      %get3A_878 = arith.constant 2 : i32
      %get3A_879 = arith.index_cast %get3A_878 : i32 to index
      %get3A_880 = arith.constant 16 : index
      %get3A_881 = tpu.vector_load %arg12[%get3A_879, %get3A_880] {strides = array<i32>} : memref<16x32xf32, #tpu.memory_space<vmem>>, vector<16xf32>,
      %get3A_882 = arith.constant 2 : i32
      %get3A_883 = arith.index_cast %get3A_882 : i32 to index
      %get3A_884 = arith.constant 0 : index
      %get3A_885 = tpu.vector_load %arg13[%get3A_883, %get3A_884] {strides = array<i32>} : memref<16x32xf32, #tpu.memory_space<vmem>>, vector<16xf32>,
      %get3A_886 = arith.constant 2 : i32
      %get3A_887 = arith.index_cast %get3A_886 : i32 to index
      %get3A_888 = arith.constant 16 : index
      %get3A_889 = tpu.vector_load %arg13[%get3A_887, %get3A_888] {strides = array<i32>} : memref<16x32xf32, #tpu.memory_space<vmem>>, vector<16xf32>,
      %get3A_890 = arith.constant 2 : i32
      %get3A_891 = arith.index_cast %get3A_890 : i32 to index
      %get3A_892 = arith.constant 0 : index
      %get3A_893 = tpu.vector_load %arg14[%get3A_891, %get3A_892] {strides = array<i32>} : memref<16x32xf32, #tpu.memory_space<vmem>>, vector<16xf32>,
      %get3A_894 = arith.constant 2 : i32
      %get3A_895 = arith.index_cast %get3A_894 : i32 to index
      %get3A_896 = arith.constant 16 : index
      %get3A_897 = tpu.vector_load %arg14[%get3A_895, %get3A_896] {strides = array<i32>} : memref<16x32xf32, #tpu.memory_space<vmem>>, vector<16xf32>,
      %mul3A_898 = arith.mulf %get3A_877, %get3A_885 : vector<16xf32>
      %mul3A_899 = arith.mulf %get3A_881, %get3A_889 : vector<16xf32>
      %add3A_900 = arith.addf %mul3A_898, %mul3A_899 : vector<16xf32>
      %reduce_sum3A_901 = arith.constant true
      %reduce_sum3A_902 = vector.broadcast %reduce_sum3A_901 : i1 to vector<16xi1>
      %reduce_sum3A_903 = tpu.scan <sum>, %add3A_900 masked %reduce_sum3A_902 : vector<16xf32>, vector<16xi1> -> vector<16xf32>
      %reduce_sum3A_904 = vector.extract %reduce_sum3A_903[15] : f32 from vector<16xf32>
      %mul3A_905 = arith.mulf %get3A_877, %get3A_893 : vector<16xf32>
      %mul3A_906 = arith.mulf %get3A_881, %get3A_897 : vector<16xf32>
      %add3A_907 = arith.addf %mul3A_905, %mul3A_906 : vector<16xf32>
      %reduce_sum3A_908 = arith.constant true
      %reduce_sum3A_909 = vector.broadcast %reduce_sum3A_908 : i1 to vector<16xi1>
      %reduce_sum3A_910 = tpu.scan <sum>, %add3A_907 masked %reduce_sum3A_909 : vector<16xf32>, vector<16xi1> -> vector<16xf32>
      %reduce_sum3A_911 = vector.extract %reduce_sum3A_910[15] : f32 from vector<16xf32>
      %broadcast_in_dim3A_912 = vector.broadcast %reduce_sum3A_904 : f32 to vector<16xf32>
      %select_n3A_913 = arith.select %eq3A_10, %broadcast_in_dim3A_912, %select_n3A_871 : vector<16xi1>, vector<16xf32>
      %broadcast_in_dim3A_914 = vector.broadcast %reduce_sum3A_911 : f32 to vector<16xf32>
      %select_n3A_915 = arith.select %eq3A_10, %broadcast_in_dim3A_914, %select_n3A_873 : vector<16xi1>, vector<16xf32>
      %get3A_916 = arith.constant 3 : i32
      %get3A_917 = arith.index_cast %get3A_916 : i32 to index
      %get3A_918 = arith.constant 0 : index
      %get3A_919 = tpu.vector_load %arg12[%get3A_917, %get3A_918] {strides = array<i32>} : memref<16x32xf32, #tpu.memory_space<vmem>>, vector<16xf32>,
      %get3A_920 = arith.constant 3 : i32
      %get3A_921 = arith.index_cast %get3A_920 : i32 to index
      %get3A_922 = arith.constant 16 : index
      %get3A_923 = tpu.vector_load %arg12[%get3A_921, %get3A_922] {strides = array<i32>} : memref<16x32xf32, #tpu.memory_space<vmem>>, vector<16xf32>,
      %get3A_924 = arith.constant 3 : i32
      %get3A_925 = arith.index_cast %get3A_924 : i32 to index
      %get3A_926 = arith.constant 0 : index
      %get3A_927 = tpu.vector_load %arg13[%get3A_925, %get3A_926] {strides = array<i32>} : memref<16x32xf32, #tpu.memory_space<vmem>>, vector<16xf32>,
      %get3A_928 = arith.constant 3 : i32
      %get3A_929 = arith.index_cast %get3A_928 : i32 to index
      %get3A_930 = arith.constant 16 : index
      %get3A_931 = tpu.vector_load %arg13[%get3A_929, %get3A_930] {strides = array<i32>} : memref<16x32xf32, #tpu.memory_space<vmem>>, vector<16xf32>,
      %get3A_932 = arith.constant 3 : i32
      %get3A_933 = arith.index_cast %get3A_932 : i32 to index
      %get3A_934 = arith.constant 0 : index
      %get3A_935 = tpu.vector_load %arg14[%get3A_933, %get3A_934] {strides = array<i32>} : memref<16x32xf32, #tpu.memory_space<vmem>>, vector<16xf32>,
      %get3A_936 = arith.constant 3 : i32
      %get3A_937 = arith.index_cast %get3A_936 : i32 to index
      %get3A_938 = arith.constant 16 : index
      %get3A_939 = tpu.vector_load %arg14[%get3A_937, %get3A_938] {strides = array<i32>} : memref<16x32xf32, #tpu.memory_space<vmem>>, vector<16xf32>,
      %mul3A_940 = arith.mulf %get3A_919, %get3A_927 : vector<16xf32>
      %mul3A_941 = arith.mulf %get3A_923, %get3A_931 : vector<16xf32>
      %add3A_942 = arith.addf %mul3A_940, %mul3A_941 : vector<16xf32>
      %reduce_sum3A_943 = arith.constant true
      %reduce_sum3A_944 = vector.broadcast %reduce_sum3A_943 : i1 to vector<16xi1>
      %reduce_sum3A_945 = tpu.scan <sum>, %add3A_942 masked %reduce_sum3A_944 : vector<16xf32>, vector<16xi1> -> vector<16xf32>
      %reduce_sum3A_946 = vector.extract %reduce_sum3A_945[15] : f32 from vector<16xf32>
      %mul3A_947 = arith.mulf %get3A_919, %get3A_935 : vector<16xf32>
      %mul3A_948 = arith.mulf %get3A_923, %get3A_939 : vector<16xf32>
      %add3A_949 = arith.addf %mul3A_947, %mul3A_948 : vector<16xf32>
      %reduce_sum3A_950 = arith.constant true
      %reduce_sum3A_951 = vector.broadcast %reduce_sum3A_950 : i1 to vector<16xi1>
      %reduce_sum3A_952 = tpu.scan <sum>, %add3A_949 masked %reduce_sum3A_951 : vector<16xf32>, vector<16xi1> -> vector<16xf32>
      %reduce_sum3A_953 = vector.extract %reduce_sum3A_952[15] : f32 from vector<16xf32>
      %broadcast_in_dim3A_954 = vector.broadcast %reduce_sum3A_946 : f32 to vector<16xf32>
      %select_n3A_955 = arith.select %eq3A_13, %broadcast_in_dim3A_954, %select_n3A_913 : vector<16xi1>, vector<16xf32>
      %broadcast_in_dim3A_956 = vector.broadcast %reduce_sum3A_953 : f32 to vector<16xf32>
      %select_n3A_957 = arith.select %eq3A_13, %broadcast_in_dim3A_956, %select_n3A_915 : vector<16xi1>, vector<16xf32>
      %get3A_958 = arith.constant 4 : i32
      %get3A_959 = arith.index_cast %get3A_958 : i32 to index
      %get3A_960 = arith.constant 0 : index
      %get3A_961 = tpu.vector_load %arg12[%get3A_959, %get3A_960] {strides = array<i32>} : memref<16x32xf32, #tpu.memory_space<vmem>>, vector<16xf32>,
      %get3A_962 = arith.constant 4 : i32
      %get3A_963 = arith.index_cast %get3A_962 : i32 to index
      %get3A_964 = arith.constant 16 : index
      %get3A_965 = tpu.vector_load %arg12[%get3A_963, %get3A_964] {strides = array<i32>} : memref<16x32xf32, #tpu.memory_space<vmem>>, vector<16xf32>,
      %get3A_966 = arith.constant 4 : i32
      %get3A_967 = arith.index_cast %get3A_966 : i32 to index
      %get3A_968 = arith.constant 0 : index
      %get3A_969 = tpu.vector_load %arg13[%get3A_967, %get3A_968] {strides = array<i32>} : memref<16x32xf32, #tpu.memory_space<vmem>>, vector<16xf32>,
      %get3A_970 = arith.constant 4 : i32
      %get3A_971 = arith.index_cast %get3A_970 : i32 to index
      %get3A_972 = arith.constant 16 : index
      %get3A_973 = tpu.vector_load %arg13[%get3A_971, %get3A_972] {strides = array<i32>} : memref<16x32xf32, #tpu.memory_space<vmem>>, vector<16xf32>,
      %get3A_974 = arith.constant 4 : i32
      %get3A_975 = arith.index_cast %get3A_974 : i32 to index
      %get3A_976 = arith.constant 0 : index
      %get3A_977 = tpu.vector_load %arg14[%get3A_975, %get3A_976] {strides = array<i32>} : memref<16x32xf32, #tpu.memory_space<vmem>>, vector<16xf32>,
      %get3A_978 = arith.constant 4 : i32
      %get3A_979 = arith.index_cast %get3A_978 : i32 to index
      %get3A_980 = arith.constant 16 : index
      %get3A_981 = tpu.vector_load %arg14[%get3A_979, %get3A_980] {strides = array<i32>} : memref<16x32xf32, #tpu.memory_space<vmem>>, vector<16xf32>,
      %mul3A_982 = arith.mulf %get3A_961, %get3A_969 : vector<16xf32>
      %mul3A_983 = arith.mulf %get3A_965, %get3A_973 : vector<16xf32>
      %add3A_984 = arith.addf %mul3A_982, %mul3A_983 : vector<16xf32>
      %reduce_sum3A_985 = arith.constant true
      %reduce_sum3A_986 = vector.broadcast %reduce_sum3A_985 : i1 to vector<16xi1>
      %reduce_sum3A_987 = tpu.scan <sum>, %add3A_984 masked %reduce_sum3A_986 : vector<16xf32>, vector<16xi1> -> vector<16xf32>
      %reduce_sum3A_988 = vector.extract %reduce_sum3A_987[15] : f32 from vector<16xf32>
      %mul3A_989 = arith.mulf %get3A_961, %get3A_977 : vector<16xf32>
      %mul3A_990 = arith.mulf %get3A_965, %get3A_981 : vector<16xf32>
      %add3A_991 = arith.addf %mul3A_989, %mul3A_990 : vector<16xf32>
      %reduce_sum3A_992 = arith.constant true
      %reduce_sum3A_993 = vector.broadcast %reduce_sum3A_992 : i1 to vector<16xi1>
      %reduce_sum3A_994 = tpu.scan <sum>, %add3A_991 masked %reduce_sum3A_993 : vector<16xf32>, vector<16xi1> -> vector<16xf32>
      %reduce_sum3A_995 = vector.extract %reduce_sum3A_994[15] : f32 from vector<16xf32>
      %broadcast_in_dim3A_996 = vector.broadcast %reduce_sum3A_988 : f32 to vector<16xf32>
      %select_n3A_997 = arith.select %eq3A_16, %broadcast_in_dim3A_996, %select_n3A_955 : vector<16xi1>, vector<16xf32>
      %broadcast_in_dim3A_998 = vector.broadcast %reduce_sum3A_995 : f32 to vector<16xf32>
      %select_n3A_999 = arith.select %eq3A_16, %broadcast_in_dim3A_998, %select_n3A_957 : vector<16xi1>, vector<16xf32>
      %get3A_1000 = arith.constant 5 : i32
      %get3A_1001 = arith.index_cast %get3A_1000 : i32 to index
      %get3A_1002 = arith.constant 0 : index
      %get3A_1003 = tpu.vector_load %arg12[%get3A_1001, %get3A_1002] {strides = array<i32>} : memref<16x32xf32, #tpu.memory_space<vmem>>, vector<16xf32>,
      %get3A_1004 = arith.constant 5 : i32
      %get3A_1005 = arith.index_cast %get3A_1004 : i32 to index
      %get3A_1006 = arith.constant 16 : index
      %get3A_1007 = tpu.vector_load %arg12[%get3A_1005, %get3A_1006] {strides = array<i32>} : memref<16x32xf32, #tpu.memory_space<vmem>>, vector<16xf32>,
      %get3A_1008 = arith.constant 5 : i32
      %get3A_1009 = arith.index_cast %get3A_1008 : i32 to index
      %get3A_1010 = arith.constant 0 : index
      %get3A_1011 = tpu.vector_load %arg13[%get3A_1009, %get3A_1010] {strides = array<i32>} : memref<16x32xf32, #tpu.memory_space<vmem>>, vector<16xf32>,
      %get3A_1012 = arith.constant 5 : i32
      %get3A_1013 = arith.index_cast %get3A_1012 : i32 to index
      %get3A_1014 = arith.constant 16 : index
      %get3A_1015 = tpu.vector_load %arg13[%get3A_1013, %get3A_1014] {strides = array<i32>} : memref<16x32xf32, #tpu.memory_space<vmem>>, vector<16xf32>,
      %get3A_1016 = arith.constant 5 : i32
      %get3A_1017 = arith.index_cast %get3A_1016 : i32 to index
      %get3A_1018 = arith.constant 0 : index
      %get3A_1019 = tpu.vector_load %arg14[%get3A_1017, %get3A_1018] {strides = array<i32>} : memref<16x32xf32, #tpu.memory_space<vmem>>, vector<16xf32>,
      %get3A_1020 = arith.constant 5 : i32
      %get3A_1021 = arith.index_cast %get3A_1020 : i32 to index
      %get3A_1022 = arith.constant 16 : index
      %get3A_1023 = tpu.vector_load %arg14[%get3A_1021, %get3A_1022] {strides = array<i32>} : memref<16x32xf32, #tpu.memory_space<vmem>>, vector<16xf32>,
      %mul3A_1024 = arith.mulf %get3A_1003, %get3A_1011 : vector<16xf32>
      %mul3A_1025 = arith.mulf %get3A_1007, %get3A_1015 : vector<16xf32>
      %add3A_1026 = arith.addf %mul3A_1024, %mul3A_1025 : vector<16xf32>
      %reduce_sum3A_1027 = arith.constant true
      %reduce_sum3A_1028 = vector.broadcast %reduce_sum3A_1027 : i1 to vector<16xi1>
      %reduce_sum3A_1029 = tpu.scan <sum>, %add3A_1026 masked %reduce_sum3A_1028 : vector<16xf32>, vector<16xi1> -> vector<16xf32>
      %reduce_sum3A_1030 = vector.extract %reduce_sum3A_1029[15] : f32 from vector<16xf32>
      %mul3A_1031 = arith.mulf %get3A_1003, %get3A_1019 : vector<16xf32>
      %mul3A_1032 = arith.mulf %get3A_1007, %get3A_1023 : vector<16xf32>
      %add3A_1033 = arith.addf %mul3A_1031, %mul3A_1032 : vector<16xf32>
      %reduce_sum3A_1034 = arith.constant true
      %reduce_sum3A_1035 = vector.broadcast %reduce_sum3A_1034 : i1 to vector<16xi1>
      %reduce_sum3A_1036 = tpu.scan <sum>, %add3A_1033 masked %reduce_sum3A_1035 : vector<16xf32>, vector<16xi1> -> vector<16xf32>
      %reduce_sum3A_1037 = vector.extract %reduce_sum3A_1036[15] : f32 from vector<16xf32>
      %broadcast_in_dim3A_1038 = vector.broadcast %reduce_sum3A_1030 : f32 to vector<16xf32>
      %select_n3A_1039 = arith.select %eq3A_19, %broadcast_in_dim3A_1038, %select_n3A_997 : vector<16xi1>, vector<16xf32>
      %broadcast_in_dim3A_1040 = vector.broadcast %reduce_sum3A_1037 : f32 to vector<16xf32>
      %select_n3A_1041 = arith.select %eq3A_19, %broadcast_in_dim3A_1040, %select_n3A_999 : vector<16xi1>, vector<16xf32>
      %get3A_1042 = arith.constant 6 : i32
      %get3A_1043 = arith.index_cast %get3A_1042 : i32 to index
      %get3A_1044 = arith.constant 0 : index
      %get3A_1045 = tpu.vector_load %arg12[%get3A_1043, %get3A_1044] {strides = array<i32>} : memref<16x32xf32, #tpu.memory_space<vmem>>, vector<16xf32>,
      %get3A_1046 = arith.constant 6 : i32
      %get3A_1047 = arith.index_cast %get3A_1046 : i32 to index
      %get3A_1048 = arith.constant 16 : index
      %get3A_1049 = tpu.vector_load %arg12[%get3A_1047, %get3A_1048] {strides = array<i32>} : memref<16x32xf32, #tpu.memory_space<vmem>>, vector<16xf32>,
      %get3A_1050 = arith.constant 6 : i32
      %get3A_1051 = arith.index_cast %get3A_1050 : i32 to index
      %get3A_1052 = arith.constant 0 : index
      %get3A_1053 = tpu.vector_load %arg13[%get3A_1051, %get3A_1052] {strides = array<i32>} : memref<16x32xf32, #tpu.memory_space<vmem>>, vector<16xf32>,
      %get3A_1054 = arith.constant 6 : i32
      %get3A_1055 = arith.index_cast %get3A_1054 : i32 to index
      %get3A_1056 = arith.constant 16 : index
      %get3A_1057 = tpu.vector_load %arg13[%get3A_1055, %get3A_1056] {strides = array<i32>} : memref<16x32xf32, #tpu.memory_space<vmem>>, vector<16xf32>,
      %get3A_1058 = arith.constant 6 : i32
      %get3A_1059 = arith.index_cast %get3A_1058 : i32 to index
      %get3A_1060 = arith.constant 0 : index
      %get3A_1061 = tpu.vector_load %arg14[%get3A_1059, %get3A_1060] {strides = array<i32>} : memref<16x32xf32, #tpu.memory_space<vmem>>, vector<16xf32>,
      %get3A_1062 = arith.constant 6 : i32
      %get3A_1063 = arith.index_cast %get3A_1062 : i32 to index
      %get3A_1064 = arith.constant 16 : index
      %get3A_1065 = tpu.vector_load %arg14[%get3A_1063, %get3A_1064] {strides = array<i32>} : memref<16x32xf32, #tpu.memory_space<vmem>>, vector<16xf32>,
      %mul3A_1066 = arith.mulf %get3A_1045, %get3A_1053 : vector<16xf32>
      %mul3A_1067 = arith.mulf %get3A_1049, %get3A_1057 : vector<16xf32>
      %add3A_1068 = arith.addf %mul3A_1066, %mul3A_1067 : vector<16xf32>
      %reduce_sum3A_1069 = arith.constant true
      %reduce_sum3A_1070 = vector.broadcast %reduce_sum3A_1069 : i1 to vector<16xi1>
      %reduce_sum3A_1071 = tpu.scan <sum>, %add3A_1068 masked %reduce_sum3A_1070 : vector<16xf32>, vector<16xi1> -> vector<16xf32>
      %reduce_sum3A_1072 = vector.extract %reduce_sum3A_1071[15] : f32 from vector<16xf32>
      %mul3A_1073 = arith.mulf %get3A_1045, %get3A_1061 : vector<16xf32>
      %mul3A_1074 = arith.mulf %get3A_1049, %get3A_1065 : vector<16xf32>
      %add3A_1075 = arith.addf %mul3A_1073, %mul3A_1074 : vector<16xf32>
      %reduce_sum3A_1076 = arith.constant true
      %reduce_sum3A_1077 = vector.broadcast %reduce_sum3A_1076 : i1 to vector<16xi1>
      %reduce_sum3A_1078 = tpu.scan <sum>, %add3A_1075 masked %reduce_sum3A_1077 : vector<16xf32>, vector<16xi1> -> vector<16xf32>
      %reduce_sum3A_1079 = vector.extract %reduce_sum3A_1078[15] : f32 from vector<16xf32>
      %broadcast_in_dim3A_1080 = vector.broadcast %reduce_sum3A_1072 : f32 to vector<16xf32>
      %select_n3A_1081 = arith.select %eq3A_22, %broadcast_in_dim3A_1080, %select_n3A_1039 : vector<16xi1>, vector<16xf32>
      %broadcast_in_dim3A_1082 = vector.broadcast %reduce_sum3A_1079 : f32 to vector<16xf32>
      %select_n3A_1083 = arith.select %eq3A_22, %broadcast_in_dim3A_1082, %select_n3A_1041 : vector<16xi1>, vector<16xf32>
      %get3A_1084 = arith.constant 7 : i32
      %get3A_1085 = arith.index_cast %get3A_1084 : i32 to index
      %get3A_1086 = arith.constant 0 : index
      %get3A_1087 = tpu.vector_load %arg12[%get3A_1085, %get3A_1086] {strides = array<i32>} : memref<16x32xf32, #tpu.memory_space<vmem>>, vector<16xf32>,
      %get3A_1088 = arith.constant 7 : i32
      %get3A_1089 = arith.index_cast %get3A_1088 : i32 to index
      %get3A_1090 = arith.constant 16 : index
      %get3A_1091 = tpu.vector_load %arg12[%get3A_1089, %get3A_1090] {strides = array<i32>} : memref<16x32xf32, #tpu.memory_space<vmem>>, vector<16xf32>,
      %get3A_1092 = arith.constant 7 : i32
      %get3A_1093 = arith.index_cast %get3A_1092 : i32 to index
      %get3A_1094 = arith.constant 0 : index
      %get3A_1095 = tpu.vector_load %arg13[%get3A_1093, %get3A_1094] {strides = array<i32>} : memref<16x32xf32, #tpu.memory_space<vmem>>, vector<16xf32>,
      %get3A_1096 = arith.constant 7 : i32
      %get3A_1097 = arith.index_cast %get3A_1096 : i32 to index
      %get3A_1098 = arith.constant 16 : index
      %get3A_1099 = tpu.vector_load %arg13[%get3A_1097, %get3A_1098] {strides = array<i32>} : memref<16x32xf32, #tpu.memory_space<vmem>>, vector<16xf32>,
      %get3A_1100 = arith.constant 7 : i32
      %get3A_1101 = arith.index_cast %get3A_1100 : i32 to index
      %get3A_1102 = arith.constant 0 : index
      %get3A_1103 = tpu.vector_load %arg14[%get3A_1101, %get3A_1102] {strides = array<i32>} : memref<16x32xf32, #tpu.memory_space<vmem>>, vector<16xf32>,
      %get3A_1104 = arith.constant 7 : i32
      %get3A_1105 = arith.index_cast %get3A_1104 : i32 to index
      %get3A_1106 = arith.constant 16 : index
      %get3A_1107 = tpu.vector_load %arg14[%get3A_1105, %get3A_1106] {strides = array<i32>} : memref<16x32xf32, #tpu.memory_space<vmem>>, vector<16xf32>,
      %mul3A_1108 = arith.mulf %get3A_1087, %get3A_1095 : vector<16xf32>
      %mul3A_1109 = arith.mulf %get3A_1091, %get3A_1099 : vector<16xf32>
      %add3A_1110 = arith.addf %mul3A_1108, %mul3A_1109 : vector<16xf32>
      %reduce_sum3A_1111 = arith.constant true
      %reduce_sum3A_1112 = vector.broadcast %reduce_sum3A_1111 : i1 to vector<16xi1>
      %reduce_sum3A_1113 = tpu.scan <sum>, %add3A_1110 masked %reduce_sum3A_1112 : vector<16xf32>, vector<16xi1> -> vector<16xf32>
      %reduce_sum3A_1114 = vector.extract %reduce_sum3A_1113[15] : f32 from vector<16xf32>
      %mul3A_1115 = arith.mulf %get3A_1087, %get3A_1103 : vector<16xf32>
      %mul3A_1116 = arith.mulf %get3A_1091, %get3A_1107 : vector<16xf32>
      %add3A_1117 = arith.addf %mul3A_1115, %mul3A_1116 : vector<16xf32>
      %reduce_sum3A_1118 = arith.constant true
      %reduce_sum3A_1119 = vector.broadcast %reduce_sum3A_1118 : i1 to vector<16xi1>
      %reduce_sum3A_1120 = tpu.scan <sum>, %add3A_1117 masked %reduce_sum3A_1119 : vector<16xf32>, vector<16xi1> -> vector<16xf32>
      %reduce_sum3A_1121 = vector.extract %reduce_sum3A_1120[15] : f32 from vector<16xf32>
      %broadcast_in_dim3A_1122 = vector.broadcast %reduce_sum3A_1114 : f32 to vector<16xf32>
      %select_n3A_1123 = arith.select %eq3A_25, %broadcast_in_dim3A_1122, %select_n3A_1081 : vector<16xi1>, vector<16xf32>
      %broadcast_in_dim3A_1124 = vector.broadcast %reduce_sum3A_1121 : f32 to vector<16xf32>
      %select_n3A_1125 = arith.select %eq3A_25, %broadcast_in_dim3A_1124, %select_n3A_1083 : vector<16xi1>, vector<16xf32>
      %get3A_1126 = arith.constant 8 : i32
      %get3A_1127 = arith.index_cast %get3A_1126 : i32 to index
      %get3A_1128 = arith.constant 0 : index
      %get3A_1129 = tpu.vector_load %arg12[%get3A_1127, %get3A_1128] {strides = array<i32>} : memref<16x32xf32, #tpu.memory_space<vmem>>, vector<16xf32>,
      %get3A_1130 = arith.constant 8 : i32
      %get3A_1131 = arith.index_cast %get3A_1130 : i32 to index
      %get3A_1132 = arith.constant 16 : index
      %get3A_1133 = tpu.vector_load %arg12[%get3A_1131, %get3A_1132] {strides = array<i32>} : memref<16x32xf32, #tpu.memory_space<vmem>>, vector<16xf32>,
      %get3A_1134 = arith.constant 8 : i32
      %get3A_1135 = arith.index_cast %get3A_1134 : i32 to index
      %get3A_1136 = arith.constant 0 : index
      %get3A_1137 = tpu.vector_load %arg13[%get3A_1135, %get3A_1136] {strides = array<i32>} : memref<16x32xf32, #tpu.memory_space<vmem>>, vector<16xf32>,
      %get3A_1138 = arith.constant 8 : i32
      %get3A_1139 = arith.index_cast %get3A_1138 : i32 to index
      %get3A_1140 = arith.constant 16 : index
      %get3A_1141 = tpu.vector_load %arg13[%get3A_1139, %get3A_1140] {strides = array<i32>} : memref<16x32xf32, #tpu.memory_space<vmem>>, vector<16xf32>,
      %get3A_1142 = arith.constant 8 : i32
      %get3A_1143 = arith.index_cast %get3A_1142 : i32 to index
      %get3A_1144 = arith.constant 0 : index
      %get3A_1145 = tpu.vector_load %arg14[%get3A_1143, %get3A_1144] {strides = array<i32>} : memref<16x32xf32, #tpu.memory_space<vmem>>, vector<16xf32>,
      %get3A_1146 = arith.constant 8 : i32
      %get3A_1147 = arith.index_cast %get3A_1146 : i32 to index
      %get3A_1148 = arith.constant 16 : index
      %get3A_1149 = tpu.vector_load %arg14[%get3A_1147, %get3A_1148] {strides = array<i32>} : memref<16x32xf32, #tpu.memory_space<vmem>>, vector<16xf32>,
      %mul3A_1150 = arith.mulf %get3A_1129, %get3A_1137 : vector<16xf32>
      %mul3A_1151 = arith.mulf %get3A_1133, %get3A_1141 : vector<16xf32>
      %add3A_1152 = arith.addf %mul3A_1150, %mul3A_1151 : vector<16xf32>
      %reduce_sum3A_1153 = arith.constant true
      %reduce_sum3A_1154 = vector.broadcast %reduce_sum3A_1153 : i1 to vector<16xi1>
      %reduce_sum3A_1155 = tpu.scan <sum>, %add3A_1152 masked %reduce_sum3A_1154 : vector<16xf32>, vector<16xi1> -> vector<16xf32>
      %reduce_sum3A_1156 = vector.extract %reduce_sum3A_1155[15] : f32 from vector<16xf32>
      %mul3A_1157 = arith.mulf %get3A_1129, %get3A_1145 : vector<16xf32>
      %mul3A_1158 = arith.mulf %get3A_1133, %get3A_1149 : vector<16xf32>
      %add3A_1159 = arith.addf %mul3A_1157, %mul3A_1158 : vector<16xf32>
      %reduce_sum3A_1160 = arith.constant true
      %reduce_sum3A_1161 = vector.broadcast %reduce_sum3A_1160 : i1 to vector<16xi1>
      %reduce_sum3A_1162 = tpu.scan <sum>, %add3A_1159 masked %reduce_sum3A_1161 : vector<16xf32>, vector<16xi1> -> vector<16xf32>
      %reduce_sum3A_1163 = vector.extract %reduce_sum3A_1162[15] : f32 from vector<16xf32>
      %broadcast_in_dim3A_1164 = vector.broadcast %reduce_sum3A_1156 : f32 to vector<16xf32>
      %select_n3A_1165 = arith.select %eq3A_28, %broadcast_in_dim3A_1164, %select_n3A_1123 : vector<16xi1>, vector<16xf32>
      %broadcast_in_dim3A_1166 = vector.broadcast %reduce_sum3A_1163 : f32 to vector<16xf32>
      %select_n3A_1167 = arith.select %eq3A_28, %broadcast_in_dim3A_1166, %select_n3A_1125 : vector<16xi1>, vector<16xf32>
      %get3A_1168 = arith.constant 9 : i32
      %get3A_1169 = arith.index_cast %get3A_1168 : i32 to index
      %get3A_1170 = arith.constant 0 : index
      %get3A_1171 = tpu.vector_load %arg12[%get3A_1169, %get3A_1170] {strides = array<i32>} : memref<16x32xf32, #tpu.memory_space<vmem>>, vector<16xf32>,
      %get3A_1172 = arith.constant 9 : i32
      %get3A_1173 = arith.index_cast %get3A_1172 : i32 to index
      %get3A_1174 = arith.constant 16 : index
      %get3A_1175 = tpu.vector_load %arg12[%get3A_1173, %get3A_1174] {strides = array<i32>} : memref<16x32xf32, #tpu.memory_space<vmem>>, vector<16xf32>,
      %get3A_1176 = arith.constant 9 : i32
      %get3A_1177 = arith.index_cast %get3A_1176 : i32 to index
      %get3A_1178 = arith.constant 0 : index
      %get3A_1179 = tpu.vector_load %arg13[%get3A_1177, %get3A_1178] {strides = array<i32>} : memref<16x32xf32, #tpu.memory_space<vmem>>, vector<16xf32>,
      %get3A_1180 = arith.constant 9 : i32
      %get3A_1181 = arith.index_cast %get3A_1180 : i32 to index
      %get3A_1182 = arith.constant 16 : index
      %get3A_1183 = tpu.vector_load %arg13[%get3A_1181, %get3A_1182] {strides = array<i32>} : memref<16x32xf32, #tpu.memory_space<vmem>>, vector<16xf32>,
      %get3A_1184 = arith.constant 9 : i32
      %get3A_1185 = arith.index_cast %get3A_1184 : i32 to index
      %get3A_1186 = arith.constant 0 : index
      %get3A_1187 = tpu.vector_load %arg14[%get3A_1185, %get3A_1186] {strides = array<i32>} : memref<16x32xf32, #tpu.memory_space<vmem>>, vector<16xf32>,
      %get3A_1188 = arith.constant 9 : i32
      %get3A_1189 = arith.index_cast %get3A_1188 : i32 to index
      %get3A_1190 = arith.constant 16 : index
      %get3A_1191 = tpu.vector_load %arg14[%get3A_1189, %get3A_1190] {strides = array<i32>} : memref<16x32xf32, #tpu.memory_space<vmem>>, vector<16xf32>,
      %mul3A_1192 = arith.mulf %get3A_1171, %get3A_1179 : vector<16xf32>
      %mul3A_1193 = arith.mulf %get3A_1175, %get3A_1183 : vector<16xf32>
      %add3A_1194 = arith.addf %mul3A_1192, %mul3A_1193 : vector<16xf32>
      %reduce_sum3A_1195 = arith.constant true
      %reduce_sum3A_1196 = vector.broadcast %reduce_sum3A_1195 : i1 to vector<16xi1>
      %reduce_sum3A_1197 = tpu.scan <sum>, %add3A_1194 masked %reduce_sum3A_1196 : vector<16xf32>, vector<16xi1> -> vector<16xf32>
      %reduce_sum3A_1198 = vector.extract %reduce_sum3A_1197[15] : f32 from vector<16xf32>
      %mul3A_1199 = arith.mulf %get3A_1171, %get3A_1187 : vector<16xf32>
      %mul3A_1200 = arith.mulf %get3A_1175, %get3A_1191 : vector<16xf32>
      %add3A_1201 = arith.addf %mul3A_1199, %mul3A_1200 : vector<16xf32>
      %reduce_sum3A_1202 = arith.constant true
      %reduce_sum3A_1203 = vector.broadcast %reduce_sum3A_1202 : i1 to vector<16xi1>
      %reduce_sum3A_1204 = tpu.scan <sum>, %add3A_1201 masked %reduce_sum3A_1203 : vector<16xf32>, vector<16xi1> -> vector<16xf32>
      %reduce_sum3A_1205 = vector.extract %reduce_sum3A_1204[15] : f32 from vector<16xf32>
      %broadcast_in_dim3A_1206 = vector.broadcast %reduce_sum3A_1198 : f32 to vector<16xf32>
      %select_n3A_1207 = arith.select %eq3A_31, %broadcast_in_dim3A_1206, %select_n3A_1165 : vector<16xi1>, vector<16xf32>
      %broadcast_in_dim3A_1208 = vector.broadcast %reduce_sum3A_1205 : f32 to vector<16xf32>
      %select_n3A_1209 = arith.select %eq3A_31, %broadcast_in_dim3A_1208, %select_n3A_1167 : vector<16xi1>, vector<16xf32>
      %get3A_1210 = arith.constant 10 : i32
      %get3A_1211 = arith.index_cast %get3A_1210 : i32 to index
      %get3A_1212 = arith.constant 0 : index
      %get3A_1213 = tpu.vector_load %arg12[%get3A_1211, %get3A_1212] {strides = array<i32>} : memref<16x32xf32, #tpu.memory_space<vmem>>, vector<16xf32>,
      %get3A_1214 = arith.constant 10 : i32
      %get3A_1215 = arith.index_cast %get3A_1214 : i32 to index
      %get3A_1216 = arith.constant 16 : index
      %get3A_1217 = tpu.vector_load %arg12[%get3A_1215, %get3A_1216] {strides = array<i32>} : memref<16x32xf32, #tpu.memory_space<vmem>>, vector<16xf32>,
      %get3A_1218 = arith.constant 10 : i32
      %get3A_1219 = arith.index_cast %get3A_1218 : i32 to index
      %get3A_1220 = arith.constant 0 : index
      %get3A_1221 = tpu.vector_load %arg13[%get3A_1219, %get3A_1220] {strides = array<i32>} : memref<16x32xf32, #tpu.memory_space<vmem>>, vector<16xf32>,
      %get3A_1222 = arith.constant 10 : i32
      %get3A_1223 = arith.index_cast %get3A_1222 : i32 to index
      %get3A_1224 = arith.constant 16 : index
      %get3A_1225 = tpu.vector_load %arg13[%get3A_1223, %get3A_1224] {strides = array<i32>} : memref<16x32xf32, #tpu.memory_space<vmem>>, vector<16xf32>,
      %get3A_1226 = arith.constant 10 : i32
      %get3A_1227 = arith.index_cast %get3A_1226 : i32 to index
      %get3A_1228 = arith.constant 0 : index
      %get3A_1229 = tpu.vector_load %arg14[%get3A_1227, %get3A_1228] {strides = array<i32>} : memref<16x32xf32, #tpu.memory_space<vmem>>, vector<16xf32>,
      %get3A_1230 = arith.constant 10 : i32
      %get3A_1231 = arith.index_cast %get3A_1230 : i32 to index
      %get3A_1232 = arith.constant 16 : index
      %get3A_1233 = tpu.vector_load %arg14[%get3A_1231, %get3A_1232] {strides = array<i32>} : memref<16x32xf32, #tpu.memory_space<vmem>>, vector<16xf32>,
      %mul3A_1234 = arith.mulf %get3A_1213, %get3A_1221 : vector<16xf32>
      %mul3A_1235 = arith.mulf %get3A_1217, %get3A_1225 : vector<16xf32>
      %add3A_1236 = arith.addf %mul3A_1234, %mul3A_1235 : vector<16xf32>
      %reduce_sum3A_1237 = arith.constant true
      %reduce_sum3A_1238 = vector.broadcast %reduce_sum3A_1237 : i1 to vector<16xi1>
      %reduce_sum3A_1239 = tpu.scan <sum>, %add3A_1236 masked %reduce_sum3A_1238 : vector<16xf32>, vector<16xi1> -> vector<16xf32>
      %reduce_sum3A_1240 = vector.extract %reduce_sum3A_1239[15] : f32 from vector<16xf32>
      %mul3A_1241 = arith.mulf %get3A_1213, %get3A_1229 : vector<16xf32>
      %mul3A_1242 = arith.mulf %get3A_1217, %get3A_1233 : vector<16xf32>
      %add3A_1243 = arith.addf %mul3A_1241, %mul3A_1242 : vector<16xf32>
      %reduce_sum3A_1244 = arith.constant true
      %reduce_sum3A_1245 = vector.broadcast %reduce_sum3A_1244 : i1 to vector<16xi1>
      %reduce_sum3A_1246 = tpu.scan <sum>, %add3A_1243 masked %reduce_sum3A_1245 : vector<16xf32>, vector<16xi1> -> vector<16xf32>
      %reduce_sum3A_1247 = vector.extract %reduce_sum3A_1246[15] : f32 from vector<16xf32>
      %broadcast_in_dim3A_1248 = vector.broadcast %reduce_sum3A_1240 : f32 to vector<16xf32>
      %select_n3A_1249 = arith.select %eq3A_34, %broadcast_in_dim3A_1248, %select_n3A_1207 : vector<16xi1>, vector<16xf32>
      %broadcast_in_dim3A_1250 = vector.broadcast %reduce_sum3A_1247 : f32 to vector<16xf32>
      %select_n3A_1251 = arith.select %eq3A_34, %broadcast_in_dim3A_1250, %select_n3A_1209 : vector<16xi1>, vector<16xf32>
      %get3A_1252 = arith.constant 11 : i32
      %get3A_1253 = arith.index_cast %get3A_1252 : i32 to index
      %get3A_1254 = arith.constant 0 : index
      %get3A_1255 = tpu.vector_load %arg12[%get3A_1253, %get3A_1254] {strides = array<i32>} : memref<16x32xf32, #tpu.memory_space<vmem>>, vector<16xf32>,
      %get3A_1256 = arith.constant 11 : i32
      %get3A_1257 = arith.index_cast %get3A_1256 : i32 to index
      %get3A_1258 = arith.constant 16 : index
      %get3A_1259 = tpu.vector_load %arg12[%get3A_1257, %get3A_1258] {strides = array<i32>} : memref<16x32xf32, #tpu.memory_space<vmem>>, vector<16xf32>,
      %get3A_1260 = arith.constant 11 : i32
      %get3A_1261 = arith.index_cast %get3A_1260 : i32 to index
      %get3A_1262 = arith.constant 0 : index
      %get3A_1263 = tpu.vector_load %arg13[%get3A_1261, %get3A_1262] {strides = array<i32>} : memref<16x32xf32, #tpu.memory_space<vmem>>, vector<16xf32>,
      %get3A_1264 = arith.constant 11 : i32
      %get3A_1265 = arith.index_cast %get3A_1264 : i32 to index
      %get3A_1266 = arith.constant 16 : index
      %get3A_1267 = tpu.vector_load %arg13[%get3A_1265, %get3A_1266] {strides = array<i32>} : memref<16x32xf32, #tpu.memory_space<vmem>>, vector<16xf32>,
      %get3A_1268 = arith.constant 11 : i32
      %get3A_1269 = arith.index_cast %get3A_1268 : i32 to index
      %get3A_1270 = arith.constant 0 : index
      %get3A_1271 = tpu.vector_load %arg14[%get3A_1269, %get3A_1270] {strides = array<i32>} : memref<16x32xf32, #tpu.memory_space<vmem>>, vector<16xf32>,
      %get3A_1272 = arith.constant 11 : i32
      %get3A_1273 = arith.index_cast %get3A_1272 : i32 to index
      %get3A_1274 = arith.constant 16 : index
      %get3A_1275 = tpu.vector_load %arg14[%get3A_1273, %get3A_1274] {strides = array<i32>} : memref<16x32xf32, #tpu.memory_space<vmem>>, vector<16xf32>,
      %mul3A_1276 = arith.mulf %get3A_1255, %get3A_1263 : vector<16xf32>
      %mul3A_1277 = arith.mulf %get3A_1259, %get3A_1267 : vector<16xf32>
      %add3A_1278 = arith.addf %mul3A_1276, %mul3A_1277 : vector<16xf32>
      %reduce_sum3A_1279 = arith.constant true
      %reduce_sum3A_1280 = vector.broadcast %reduce_sum3A_1279 : i1 to vector<16xi1>
      %reduce_sum3A_1281 = tpu.scan <sum>, %add3A_1278 masked %reduce_sum3A_1280 : vector<16xf32>, vector<16xi1> -> vector<16xf32>
      %reduce_sum3A_1282 = vector.extract %reduce_sum3A_1281[15] : f32 from vector<16xf32>
      %mul3A_1283 = arith.mulf %get3A_1255, %get3A_1271 : vector<16xf32>
      %mul3A_1284 = arith.mulf %get3A_1259, %get3A_1275 : vector<16xf32>
      %add3A_1285 = arith.addf %mul3A_1283, %mul3A_1284 : vector<16xf32>
      %reduce_sum3A_1286 = arith.constant true
      %reduce_sum3A_1287 = vector.broadcast %reduce_sum3A_1286 : i1 to vector<16xi1>
      %reduce_sum3A_1288 = tpu.scan <sum>, %add3A_1285 masked %reduce_sum3A_1287 : vector<16xf32>, vector<16xi1> -> vector<16xf32>
      %reduce_sum3A_1289 = vector.extract %reduce_sum3A_1288[15] : f32 from vector<16xf32>
      %broadcast_in_dim3A_1290 = vector.broadcast %reduce_sum3A_1282 : f32 to vector<16xf32>
      %select_n3A_1291 = arith.select %eq3A_37, %broadcast_in_dim3A_1290, %select_n3A_1249 : vector<16xi1>, vector<16xf32>
      %broadcast_in_dim3A_1292 = vector.broadcast %reduce_sum3A_1289 : f32 to vector<16xf32>
      %select_n3A_1293 = arith.select %eq3A_37, %broadcast_in_dim3A_1292, %select_n3A_1251 : vector<16xi1>, vector<16xf32>
      %get3A_1294 = arith.constant 12 : i32
      %get3A_1295 = arith.index_cast %get3A_1294 : i32 to index
      %get3A_1296 = arith.constant 0 : index
      %get3A_1297 = tpu.vector_load %arg12[%get3A_1295, %get3A_1296] {strides = array<i32>} : memref<16x32xf32, #tpu.memory_space<vmem>>, vector<16xf32>,
      %get3A_1298 = arith.constant 12 : i32
      %get3A_1299 = arith.index_cast %get3A_1298 : i32 to index
      %get3A_1300 = arith.constant 16 : index
      %get3A_1301 = tpu.vector_load %arg12[%get3A_1299, %get3A_1300] {strides = array<i32>} : memref<16x32xf32, #tpu.memory_space<vmem>>, vector<16xf32>,
      %get3A_1302 = arith.constant 12 : i32
      %get3A_1303 = arith.index_cast %get3A_1302 : i32 to index
      %get3A_1304 = arith.constant 0 : index
      %get3A_1305 = tpu.vector_load %arg13[%get3A_1303, %get3A_1304] {strides = array<i32>} : memref<16x32xf32, #tpu.memory_space<vmem>>, vector<16xf32>,
      %get3A_1306 = arith.constant 12 : i32
      %get3A_1307 = arith.index_cast %get3A_1306 : i32 to index
      %get3A_1308 = arith.constant 16 : index
      %get3A_1309 = tpu.vector_load %arg13[%get3A_1307, %get3A_1308] {strides = array<i32>} : memref<16x32xf32, #tpu.memory_space<vmem>>, vector<16xf32>,
      %get3A_1310 = arith.constant 12 : i32
      %get3A_1311 = arith.index_cast %get3A_1310 : i32 to index
      %get3A_1312 = arith.constant 0 : index
      %get3A_1313 = tpu.vector_load %arg14[%get3A_1311, %get3A_1312] {strides = array<i32>} : memref<16x32xf32, #tpu.memory_space<vmem>>, vector<16xf32>,
      %get3A_1314 = arith.constant 12 : i32
      %get3A_1315 = arith.index_cast %get3A_1314 : i32 to index
      %get3A_1316 = arith.constant 16 : index
      %get3A_1317 = tpu.vector_load %arg14[%get3A_1315, %get3A_1316] {strides = array<i32>} : memref<16x32xf32, #tpu.memory_space<vmem>>, vector<16xf32>,
      %mul3A_1318 = arith.mulf %get3A_1297, %get3A_1305 : vector<16xf32>
      %mul3A_1319 = arith.mulf %get3A_1301, %get3A_1309 : vector<16xf32>
      %add3A_1320 = arith.addf %mul3A_1318, %mul3A_1319 : vector<16xf32>
      %reduce_sum3A_1321 = arith.constant true
      %reduce_sum3A_1322 = vector.broadcast %reduce_sum3A_1321 : i1 to vector<16xi1>
      %reduce_sum3A_1323 = tpu.scan <sum>, %add3A_1320 masked %reduce_sum3A_1322 : vector<16xf32>, vector<16xi1> -> vector<16xf32>
      %reduce_sum3A_1324 = vector.extract %reduce_sum3A_1323[15] : f32 from vector<16xf32>
      %mul3A_1325 = arith.mulf %get3A_1297, %get3A_1313 : vector<16xf32>
      %mul3A_1326 = arith.mulf %get3A_1301, %get3A_1317 : vector<16xf32>
      %add3A_1327 = arith.addf %mul3A_1325, %mul3A_1326 : vector<16xf32>
      %reduce_sum3A_1328 = arith.constant true
      %reduce_sum3A_1329 = vector.broadcast %reduce_sum3A_1328 : i1 to vector<16xi1>
      %reduce_sum3A_1330 = tpu.scan <sum>, %add3A_1327 masked %reduce_sum3A_1329 : vector<16xf32>, vector<16xi1> -> vector<16xf32>
      %reduce_sum3A_1331 = vector.extract %reduce_sum3A_1330[15] : f32 from vector<16xf32>
      %broadcast_in_dim3A_1332 = vector.broadcast %reduce_sum3A_1324 : f32 to vector<16xf32>
      %select_n3A_1333 = arith.select %eq3A_40, %broadcast_in_dim3A_1332, %select_n3A_1291 : vector<16xi1>, vector<16xf32>
      %broadcast_in_dim3A_1334 = vector.broadcast %reduce_sum3A_1331 : f32 to vector<16xf32>
      %select_n3A_1335 = arith.select %eq3A_40, %broadcast_in_dim3A_1334, %select_n3A_1293 : vector<16xi1>, vector<16xf32>
      %get3A_1336 = arith.constant 13 : i32
      %get3A_1337 = arith.index_cast %get3A_1336 : i32 to index
      %get3A_1338 = arith.constant 0 : index
      %get3A_1339 = tpu.vector_load %arg12[%get3A_1337, %get3A_1338] {strides = array<i32>} : memref<16x32xf32, #tpu.memory_space<vmem>>, vector<16xf32>,
      %get3A_1340 = arith.constant 13 : i32
      %get3A_1341 = arith.index_cast %get3A_1340 : i32 to index
      %get3A_1342 = arith.constant 16 : index
      %get3A_1343 = tpu.vector_load %arg12[%get3A_1341, %get3A_1342] {strides = array<i32>} : memref<16x32xf32, #tpu.memory_space<vmem>>, vector<16xf32>,
      %get3A_1344 = arith.constant 13 : i32
      %get3A_1345 = arith.index_cast %get3A_1344 : i32 to index
      %get3A_1346 = arith.constant 0 : index
      %get3A_1347 = tpu.vector_load %arg13[%get3A_1345, %get3A_1346] {strides = array<i32>} : memref<16x32xf32, #tpu.memory_space<vmem>>, vector<16xf32>,
      %get3A_1348 = arith.constant 13 : i32
      %get3A_1349 = arith.index_cast %get3A_1348 : i32 to index
      %get3A_1350 = arith.constant 16 : index
      %get3A_1351 = tpu.vector_load %arg13[%get3A_1349, %get3A_1350] {strides = array<i32>} : memref<16x32xf32, #tpu.memory_space<vmem>>, vector<16xf32>,
      %get3A_1352 = arith.constant 13 : i32
      %get3A_1353 = arith.index_cast %get3A_1352 : i32 to index
      %get3A_1354 = arith.constant 0 : index
      %get3A_1355 = tpu.vector_load %arg14[%get3A_1353, %get3A_1354] {strides = array<i32>} : memref<16x32xf32, #tpu.memory_space<vmem>>, vector<16xf32>,
      %get3A_1356 = arith.constant 13 : i32
      %get3A_1357 = arith.index_cast %get3A_1356 : i32 to index
      %get3A_1358 = arith.constant 16 : index
      %get3A_1359 = tpu.vector_load %arg14[%get3A_1357, %get3A_1358] {strides = array<i32>} : memref<16x32xf32, #tpu.memory_space<vmem>>, vector<16xf32>,
      %mul3A_1360 = arith.mulf %get3A_1339, %get3A_1347 : vector<16xf32>
      %mul3A_1361 = arith.mulf %get3A_1343, %get3A_1351 : vector<16xf32>
      %add3A_1362 = arith.addf %mul3A_1360, %mul3A_1361 : vector<16xf32>
      %reduce_sum3A_1363 = arith.constant true
      %reduce_sum3A_1364 = vector.broadcast %reduce_sum3A_1363 : i1 to vector<16xi1>
      %reduce_sum3A_1365 = tpu.scan <sum>, %add3A_1362 masked %reduce_sum3A_1364 : vector<16xf32>, vector<16xi1> -> vector<16xf32>
      %reduce_sum3A_1366 = vector.extract %reduce_sum3A_1365[15] : f32 from vector<16xf32>
      %mul3A_1367 = arith.mulf %get3A_1339, %get3A_1355 : vector<16xf32>
      %mul3A_1368 = arith.mulf %get3A_1343, %get3A_1359 : vector<16xf32>
      %add3A_1369 = arith.addf %mul3A_1367, %mul3A_1368 : vector<16xf32>
      %reduce_sum3A_1370 = arith.constant true
      %reduce_sum3A_1371 = vector.broadcast %reduce_sum3A_1370 : i1 to vector<16xi1>
      %reduce_sum3A_1372 = tpu.scan <sum>, %add3A_1369 masked %reduce_sum3A_1371 : vector<16xf32>, vector<16xi1> -> vector<16xf32>
      %reduce_sum3A_1373 = vector.extract %reduce_sum3A_1372[15] : f32 from vector<16xf32>
      %broadcast_in_dim3A_1374 = vector.broadcast %reduce_sum3A_1366 : f32 to vector<16xf32>
      %select_n3A_1375 = arith.select %eq3A_43, %broadcast_in_dim3A_1374, %select_n3A_1333 : vector<16xi1>, vector<16xf32>
      %broadcast_in_dim3A_1376 = vector.broadcast %reduce_sum3A_1373 : f32 to vector<16xf32>
      %select_n3A_1377 = arith.select %eq3A_43, %broadcast_in_dim3A_1376, %select_n3A_1335 : vector<16xi1>, vector<16xf32>
      %get3A_1378 = arith.constant 14 : i32
      %get3A_1379 = arith.index_cast %get3A_1378 : i32 to index
      %get3A_1380 = arith.constant 0 : index
      %get3A_1381 = tpu.vector_load %arg12[%get3A_1379, %get3A_1380] {strides = array<i32>} : memref<16x32xf32, #tpu.memory_space<vmem>>, vector<16xf32>,
      %get3A_1382 = arith.constant 14 : i32
      %get3A_1383 = arith.index_cast %get3A_1382 : i32 to index
      %get3A_1384 = arith.constant 16 : index
      %get3A_1385 = tpu.vector_load %arg12[%get3A_1383, %get3A_1384] {strides = array<i32>} : memref<16x32xf32, #tpu.memory_space<vmem>>, vector<16xf32>,
      %get3A_1386 = arith.constant 14 : i32
      %get3A_1387 = arith.index_cast %get3A_1386 : i32 to index
      %get3A_1388 = arith.constant 0 : index
      %get3A_1389 = tpu.vector_load %arg13[%get3A_1387, %get3A_1388] {strides = array<i32>} : memref<16x32xf32, #tpu.memory_space<vmem>>, vector<16xf32>,
      %get3A_1390 = arith.constant 14 : i32
      %get3A_1391 = arith.index_cast %get3A_1390 : i32 to index
      %get3A_1392 = arith.constant 16 : index
      %get3A_1393 = tpu.vector_load %arg13[%get3A_1391, %get3A_1392] {strides = array<i32>} : memref<16x32xf32, #tpu.memory_space<vmem>>, vector<16xf32>,
      %get3A_1394 = arith.constant 14 : i32
      %get3A_1395 = arith.index_cast %get3A_1394 : i32 to index
      %get3A_1396 = arith.constant 0 : index
      %get3A_1397 = tpu.vector_load %arg14[%get3A_1395, %get3A_1396] {strides = array<i32>} : memref<16x32xf32, #tpu.memory_space<vmem>>, vector<16xf32>,
      %get3A_1398 = arith.constant 14 : i32
      %get3A_1399 = arith.index_cast %get3A_1398 : i32 to index
      %get3A_1400 = arith.constant 16 : index
      %get3A_1401 = tpu.vector_load %arg14[%get3A_1399, %get3A_1400] {strides = array<i32>} : memref<16x32xf32, #tpu.memory_space<vmem>>, vector<16xf32>,
      %mul3A_1402 = arith.mulf %get3A_1381, %get3A_1389 : vector<16xf32>
      %mul3A_1403 = arith.mulf %get3A_1385, %get3A_1393 : vector<16xf32>
      %add3A_1404 = arith.addf %mul3A_1402, %mul3A_1403 : vector<16xf32>
      %reduce_sum3A_1405 = arith.constant true
      %reduce_sum3A_1406 = vector.broadcast %reduce_sum3A_1405 : i1 to vector<16xi1>
      %reduce_sum3A_1407 = tpu.scan <sum>, %add3A_1404 masked %reduce_sum3A_1406 : vector<16xf32>, vector<16xi1> -> vector<16xf32>
      %reduce_sum3A_1408 = vector.extract %reduce_sum3A_1407[15] : f32 from vector<16xf32>
      %mul3A_1409 = arith.mulf %get3A_1381, %get3A_1397 : vector<16xf32>
      %mul3A_1410 = arith.mulf %get3A_1385, %get3A_1401 : vector<16xf32>
      %add3A_1411 = arith.addf %mul3A_1409, %mul3A_1410 : vector<16xf32>
      %reduce_sum3A_1412 = arith.constant true
      %reduce_sum3A_1413 = vector.broadcast %reduce_sum3A_1412 : i1 to vector<16xi1>
      %reduce_sum3A_1414 = tpu.scan <sum>, %add3A_1411 masked %reduce_sum3A_1413 : vector<16xf32>, vector<16xi1> -> vector<16xf32>
      %reduce_sum3A_1415 = vector.extract %reduce_sum3A_1414[15] : f32 from vector<16xf32>
      %broadcast_in_dim3A_1416 = vector.broadcast %reduce_sum3A_1408 : f32 to vector<16xf32>
      %select_n3A_1417 = arith.select %eq3A_46, %broadcast_in_dim3A_1416, %select_n3A_1375 : vector<16xi1>, vector<16xf32>
      %broadcast_in_dim3A_1418 = vector.broadcast %reduce_sum3A_1415 : f32 to vector<16xf32>
      %select_n3A_1419 = arith.select %eq3A_46, %broadcast_in_dim3A_1418, %select_n3A_1377 : vector<16xi1>, vector<16xf32>
      %get3A_1420 = arith.constant 15 : i32
      %get3A_1421 = arith.index_cast %get3A_1420 : i32 to index
      %get3A_1422 = arith.constant 0 : index
      %get3A_1423 = tpu.vector_load %arg12[%get3A_1421, %get3A_1422] {strides = array<i32>} : memref<16x32xf32, #tpu.memory_space<vmem>>, vector<16xf32>,
      %get3A_1424 = arith.constant 15 : i32
      %get3A_1425 = arith.index_cast %get3A_1424 : i32 to index
      %get3A_1426 = arith.constant 16 : index
      %get3A_1427 = tpu.vector_load %arg12[%get3A_1425, %get3A_1426] {strides = array<i32>} : memref<16x32xf32, #tpu.memory_space<vmem>>, vector<16xf32>,
      %get3A_1428 = arith.constant 15 : i32
      %get3A_1429 = arith.index_cast %get3A_1428 : i32 to index
      %get3A_1430 = arith.constant 0 : index
      %get3A_1431 = tpu.vector_load %arg13[%get3A_1429, %get3A_1430] {strides = array<i32>} : memref<16x32xf32, #tpu.memory_space<vmem>>, vector<16xf32>,
      %get3A_1432 = arith.constant 15 : i32
      %get3A_1433 = arith.index_cast %get3A_1432 : i32 to index
      %get3A_1434 = arith.constant 16 : index
      %get3A_1435 = tpu.vector_load %arg13[%get3A_1433, %get3A_1434] {strides = array<i32>} : memref<16x32xf32, #tpu.memory_space<vmem>>, vector<16xf32>,
      %get3A_1436 = arith.constant 15 : i32
      %get3A_1437 = arith.index_cast %get3A_1436 : i32 to index
      %get3A_1438 = arith.constant 0 : index
      %get3A_1439 = tpu.vector_load %arg14[%get3A_1437, %get3A_1438] {strides = array<i32>} : memref<16x32xf32, #tpu.memory_space<vmem>>, vector<16xf32>,
      %get3A_1440 = arith.constant 15 : i32
      %get3A_1441 = arith.index_cast %get3A_1440 : i32 to index
      %get3A_1442 = arith.constant 16 : index
      %get3A_1443 = tpu.vector_load %arg14[%get3A_1441, %get3A_1442] {strides = array<i32>} : memref<16x32xf32, #tpu.memory_space<vmem>>, vector<16xf32>,
      %mul3A_1444 = arith.mulf %get3A_1423, %get3A_1431 : vector<16xf32>
      %mul3A_1445 = arith.mulf %get3A_1427, %get3A_1435 : vector<16xf32>
      %add3A_1446 = arith.addf %mul3A_1444, %mul3A_1445 : vector<16xf32>
      %reduce_sum3A_1447 = arith.constant true
      %reduce_sum3A_1448 = vector.broadcast %reduce_sum3A_1447 : i1 to vector<16xi1>
      %reduce_sum3A_1449 = tpu.scan <sum>, %add3A_1446 masked %reduce_sum3A_1448 : vector<16xf32>, vector<16xi1> -> vector<16xf32>
      %reduce_sum3A_1450 = vector.extract %reduce_sum3A_1449[15] : f32 from vector<16xf32>
      %mul3A_1451 = arith.mulf %get3A_1423, %get3A_1439 : vector<16xf32>
      %mul3A_1452 = arith.mulf %get3A_1427, %get3A_1443 : vector<16xf32>
      %add3A_1453 = arith.addf %mul3A_1451, %mul3A_1452 : vector<16xf32>
      %reduce_sum3A_1454 = arith.constant true
      %reduce_sum3A_1455 = vector.broadcast %reduce_sum3A_1454 : i1 to vector<16xi1>
      %reduce_sum3A_1456 = tpu.scan <sum>, %add3A_1453 masked %reduce_sum3A_1455 : vector<16xf32>, vector<16xi1> -> vector<16xf32>
      %reduce_sum3A_1457 = vector.extract %reduce_sum3A_1456[15] : f32 from vector<16xf32>
      %broadcast_in_dim3A_1458 = vector.broadcast %reduce_sum3A_1450 : f32 to vector<16xf32>
      %select_n3A_1459 = arith.select %eq3A_49, %broadcast_in_dim3A_1458, %select_n3A_1417 : vector<16xi1>, vector<16xf32>
      %broadcast_in_dim3A_1460 = vector.broadcast %reduce_sum3A_1457 : f32 to vector<16xf32>
      %select_n3A_1461 = arith.select %eq3A_49, %broadcast_in_dim3A_1460, %select_n3A_1419 : vector<16xi1>, vector<16xf32>
      %mul3A_1462 = arith.constant 16 : i32
      %mul3A_1463 = arith.muli %scan3A_55, %mul3A_1462 : i32
      %swap3A = arith.index_cast %mul3A_1463 : i32 to index
      %swap3A_1464 = tpu.vector_load %arg15[%swap3A] {strides = array<i32>} : memref<512xf32, #tpu.memory_space<vmem>>, vector<16xf32>,
      tpu.vector_store %arg15[%swap3A], %select_n3A_1459 {strides = array<i32>} : memref<512xf32, #tpu.memory_space<vmem>>, vector<16xf32>,
      %mul3A_1465 = arith.constant 16 : i32
      %mul3A_1466 = arith.muli %scan3A_55, %mul3A_1465 : i32
      %swap3A_1467 = arith.index_cast %mul3A_1466 : i32 to index
      %swap3A_1468 = tpu.vector_load %arg16[%swap3A_1467] {strides = array<i32>} : memref<512xf32, #tpu.memory_space<vmem>>, vector<16xf32>,
      tpu.vector_store %arg16[%swap3A_1467], %select_n3A_1461 {strides = array<i32>} : memref<512xf32, #tpu.memory_space<vmem>>, vector<16xf32>,
    }
    %scan3A_54 = arith.constant 32 : i32
    "tpu.region"() ({
      %run_scoped3A = tpu.sem_alloc : memref<!tpu.dma_semaphore, #tpu.memory_space<semaphore_mem>>
      %dma_start3A = tpu.memref_slice %arg7[%mul3A_2] : memref<16384xf32, #tpu.memory_space<hbm>> -> memref<512xf32, #tpu.memory_space<hbm>>
      %dma_start3A_55 = tpu.memref_slice %arg7[%mul3A_2] : memref<16384xf32, #tpu.memory_space<hbm>> -> memref<512xf32, #tpu.memory_space<hbm>>
      tpu.enqueue_dma source(%arg15 : memref<512xf32, #tpu.memory_space<vmem>>) target(%dma_start3A_55 : memref<512xf32, #tpu.memory_space<hbm>>) target_semaphore(%run_scoped3A : memref<!tpu.dma_semaphore, #tpu.memory_space<semaphore_mem>>)
      %dma_wait3A = tpu.memref_slice %arg7[%mul3A_2] : memref<16384xf32, #tpu.memory_space<hbm>> -> memref<512xf32, #tpu.memory_space<hbm>>
      %dma_wait3A_56 = tpu.memref_slice %arg7[%mul3A_2] : memref<16384xf32, #tpu.memory_space<hbm>> -> memref<512xf32, #tpu.memory_space<hbm>>
      tpu.wait_dma2 semaphore(%run_scoped3A : memref<!tpu.dma_semaphore, #tpu.memory_space<semaphore_mem>>) src(%arg15 : memref<512xf32, #tpu.memory_space<vmem>>) dst(%dma_wait3A_56 : memref<512xf32, #tpu.memory_space<hbm>>)
      tpu.yield
    }) : () -> ()
    "tpu.region"() ({
      %run_scoped3A = tpu.sem_alloc : memref<!tpu.dma_semaphore, #tpu.memory_space<semaphore_mem>>
      %dma_start3A = tpu.memref_slice %arg8[%mul3A_2] : memref<16384xf32, #tpu.memory_space<hbm>> -> memref<512xf32, #tpu.memory_space<hbm>>
      %dma_start3A_55 = tpu.memref_slice %arg8[%mul3A_2] : memref<16384xf32, #tpu.memory_space<hbm>> -> memref<512xf32, #tpu.memory_space<hbm>>
      tpu.enqueue_dma source(%arg16 : memref<512xf32, #tpu.memory_space<vmem>>) target(%dma_start3A_55 : memref<512xf32, #tpu.memory_space<hbm>>) target_semaphore(%run_scoped3A : memref<!tpu.dma_semaphore, #tpu.memory_space<semaphore_mem>>)
      %dma_wait3A = tpu.memref_slice %arg8[%mul3A_2] : memref<16384xf32, #tpu.memory_space<hbm>> -> memref<512xf32, #tpu.memory_space<hbm>>
      %dma_wait3A_56 = tpu.memref_slice %arg8[%mul3A_2] : memref<16384xf32, #tpu.memory_space<hbm>> -> memref<512xf32, #tpu.memory_space<hbm>>
      tpu.wait_dma2 semaphore(%run_scoped3A : memref<!tpu.dma_semaphore, #tpu.memory_space<semaphore_mem>>) src(%arg16 : memref<512xf32, #tpu.memory_space<vmem>>) dst(%dma_wait3A_56 : memref<512xf32, #tpu.memory_space<hbm>>)
      tpu.yield
    }) : () -> ()
    return
  }
}

</mosaic_0001>

<sc_bundles>
// kernel: kernel.3.cloned.1.call-start
scs
__scs_entry_jumppad:
0x0: {  	(pc) =	sbr.rel $0x88, $3  }
0x1: {  	(tag) =	ssettag $0x0;
	lr =	simm.s32 $0x1  }
0x2: {  	[smem:$0x3F9C] =	sst lr;
	_ =	strace $0xD0000000  }
0x3: {  	_ = 	snop  }
0x4: {  	_ = 	snop  }
0x5: {  	_ = 	snop  }
0x6: {  	_ = 	snop  }
0x7: {  	_ = 	snop  }
__scs_overlays_trampoline_lowered:
0x8: {  	[smem:$0x3FAB] =	sst s0  }
0x9: {  	[smem:$0x3FAC] =	sst s1  }
0xa: {  	[smem:$0x3FAD] =	sst s2  }
0xb: {  	[smem:$0x3FAE] =	sst s3  }
0xc: {  	[smem:$0x3FAF] =	sst s4  }
0xd: {  	[smem:$0x3FB0] =	sst s5  }
0xe: {  	[smem:$0x3FB1] =	sst s6  }
0xf: {  	[smem:$0x3FB2] =	sst s7  }
0x10: {  	[smem:$0x3FB3] =	sst s8  }
0x11: {  	[smem:$0x3FB4] =	sst s9;
	s0 =	simm.s32 @!p0 $0x0  }
0x12: {  	s1 =	sld [smem:$0x3F9A];
	s0 =	simm.s32 @p0 $0x1  }
0x13: {  	[smem:$0x3FB5] =	sst s0;
	s0 =	simm.s32 @!p1 $0x0  }
0x14: {  	s2 =	sld [smem:$0x3F99];
	s0 =	simm.s32 @p1 $0x1  }
0x15: {  	[smem:$0x3FB6] =	sst s0;
	s0 =	simm.s32 @!p2 $0x0  }
0x16: {  	s3 =	sld [smem:$0x3FDB];
	s0 =	simm.s32 @p2 $0x1  }
0x17: {  	s4 =	simm.s32 $0x1BF5;
	[smem:$0x3FB8] =	sst s0  }
0x18: {  	s0 =	sld [smem:$0x3F9B];
	_ =	swait.ge [sflag:s4], $0x0  }
0x19: {  	s7 =	sld [smem:$0x3F9C]  }
0x1a: {  	s8 =	sadd.s32 $0xFFFFE003, lr  }
0x1b: {  	s9 =	sadd.s32 $0xFFFFFEF7, lr;
	s5 =	simm.s32 $0xFFFFFFFF;
	p2 =	slt.u32 s8, $0xFFFFF086  }
0x1c: {  	p1 =	slt.u32 s9, $0xF7A;
	s5 =	simm.s32 @!p2 $0x0  }
0x1d: {  	s5 =	simm.s32 @p1 $0x1;
	p0 =	seq.s32 s7, s2  }
0x1e: {  	s7 =	smul.u32 @!p0 $0xF7A, s2;
	p2 =	seq.s32 @!p0 s5, $0x0  }
0x1f: {  	s9 =	smul.u32 $0xF7A, s1;
	s8 =	simm.s32 @!p0 $0x1BF5;
	p2 =	por !p2, p0  }
0x20: {  	[sflag:s8] =	ssyncset.s32 @!p0 $0xFFFFF086;
	s6 =	sadd.s32 @!p0 s3, s7;
	s7 =	simm.s32 @!p0 $0x108  }
0x21: {  	s3 =	sadd.s32 s3, s9;
	s6 =	sadd.s32 @!p0 $0x88, s6;
	s7 =	simm.s32 @p2 $0x1082  }
0x22: {  	[simem:s7], [sflag:s8] =	dma.local @!p0 [hbm:s6], $0xF7A  }
0x23: {  	s9 =	sor.u32 $0xD0000000, s2;
	s6 =	simm.s32 $0x108;
	_ =	swait.ge @!p0 [sflag:s8], $0x0  }
0x24: {  	s3 =	sadd.s32 $0x88, s3;
	s6 =	simm.s32 @!p1 $0x1082;
	[sflag:s4] =	ssyncset.s32 $0xFFFFF086  }
0x25: {  	[simem:s6], [sflag:s4] =	dma.local [hbm:s3], $0xF7A  }
0x26: {  	[smem:$0x3F9C] =	sst s1;
	(tag) =	ssettag s2;
	_ =	strace s9  }
0x27: {  	s1 =	sld [smem:$0x3FAC]  }
0x28: {  	s2 =	sld [smem:$0x3FAD]  }
0x29: {  	s4 =	sld [smem:$0x3FAF]  }
0x2a: {  	p0 =	seq.s32 s5, $0x0;
	s5 =	sld [smem:$0x3FB0]  }
0x2b: {  	s6 =	sld [smem:$0x3FB1]  }
0x2c: {  	s7 =	sld [smem:$0x3FB2]  }
0x2d: {  	s3 =	simm.s32 $0x108;
	s8 =	sld [smem:$0x3FB3]  }
0x2e: {  	s3 =	simm.s32 @!p0 $0x1082;
	s9 =	sld [smem:$0x3FB4]  }
0x2f: {  	lr =	sadd.s32 s0, s3;
	s0 =	sld [smem:$0x3FAB]  }
0x30: {  	s3 =	sld [smem:$0x3FAE]  }
0x31: {  	[smem:$0x3FB7] =	sst s10  }
0x32: {  	s10 =	sld [smem:$0x3FB5];
	_ =	sdelay $0x3  }
0x33: {  	p0 =	seq.s32 s10, $0x1;
	s10 =	sld [smem:$0x3FB7];
	_ =	sdelay $0x3  }
0x34: {  	[smem:$0x3FB7] =	sst s10  }
0x35: {  	s10 =	sld [smem:$0x3FB6];
	_ =	sdelay $0x3  }
0x36: {  	p1 =	seq.s32 s10, $0x1;
	s10 =	sld [smem:$0x3FB7];
	_ =	sdelay $0x3  }
0x37: {  	[smem:$0x3FB7] =	sst s10  }
0x38: {  	s10 =	sld [smem:$0x3FB8]  }
0x39: {  	_ = 	snop;
	(pc) =	sbr.ind lr, $3  }
0x3a: {  	_ = 	snop  }
0x3b: {  	_ = 	snop  }
0x3c: {  	p2 =	seq.s32 s10, $0x1;
	s10 =	sld [smem:$0x3FB7]  }
0x3d: {  	_ =	shalt  }
0x3e: {  	_ =	shalt  }
0x3f: {  	_ =	shalt  }
0x40: {  	_ =	shalt  }
0x41: {  	_ =	shalt  }
0x42: {  	_ =	shalt  }
0x43: {  	_ =	shalt  }
0x44: {  	_ =	shalt  }
0x45: {  	_ =	shalt  }
0x46: {  	_ =	shalt  }
0x47: {  	_ =	shalt  }
0x48: {  	_ =	shalt  }
0x49: {  	_ =	shalt  }
0x4a: {  	_ =	shalt  }
0x4b: {  	_ =	shalt  }
0x4c: {  	_ =	shalt  }
0x4d: {  	_ =	shalt  }
0x4e: {  	_ =	shalt  }
0x4f: {  	_ =	shalt  }
0x50: {  	_ =	shalt  }
0x51: {  	_ =	shalt  }
0x52: {  	_ =	shalt  }
0x53: {  	_ =	shalt  }
0x54: {  	_ =	shalt  }
0x55: {  	_ =	shalt  }
0x56: {  	_ =	shalt  }
0x57: {  	_ =	shalt  }
0x58: {  	_ =	shalt  }
0x59: {  	_ =	shalt  }
0x5a: {  	_ =	shalt  }
0x5b: {  	_ =	shalt  }
0x5c: {  	_ =	shalt  }
0x5d: {  	_ =	shalt  }
0x5e: {  	_ =	shalt  }
0x5f: {  	_ =	shalt  }
0x60: {  	_ =	shalt  }
0x61: {  	_ =	shalt  }
0x62: {  	_ =	shalt  }
0x63: {  	_ =	shalt  }
0x64: {  	_ =	shalt  }
0x65: {  	_ =	shalt  }
0x66: {  	_ =	shalt  }
0x67: {  	_ =	shalt  }
0x68: {  	_ =	shalt  }
0x69: {  	_ =	shalt  }
0x6a: {  	_ =	shalt  }
0x6b: {  	_ =	shalt  }
0x6c: {  	_ =	shalt  }
0x6d: {  	_ =	shalt  }
0x6e: {  	_ =	shalt  }
0x6f: {  	_ =	shalt  }
0x70: {  	_ =	shalt  }
0x71: {  	_ =	shalt  }
0x72: {  	_ =	shalt  }
0x73: {  	_ =	shalt  }
0x74: {  	_ =	shalt  }
0x75: {  	_ =	shalt  }
0x76: {  	_ =	shalt  }
0x77: {  	_ =	shalt  }
0x78: {  	_ =	shalt  }
0x79: {  	_ =	shalt  }
0x7a: {  	_ =	shalt  }
0x7b: {  	_ =	shalt  }
0x7c: {  	_ =	shalt  }
0x7d: {  	_ =	shalt  }
0x7e: {  	_ =	shalt  }
0x7f: {  	_ =	shalt  }
0x80: {  	_ =	shalt  }
0x81: {  	_ =	shalt  }
0x82: {  	_ =	shalt  }
0x83: {  	_ =	shalt  }
0x84: {  	_ =	shalt  }
0x85: {  	_ =	shalt  }
0x86: {  	_ =	shalt  }
0x87: {  	_ =	shalt  }
.Lfunc_end0:
.L_simem_size_0:
called_computation_lowered:
.L_overlay_start_0:
0x88: {  	s2 =	sld [smem:$0x3FD9]  }
0x89: {  	s3 =	sld [smem:$0x3FFE];
	_ =	sdelay $0x1  }
0x8a: {  	s1 =	srdreg.scid  }
0x8b: {  	s0 =	sand.u32 $0x1, s1  }
0x8c: {  	s14 =	sshll.u32 s0, $0xA;
	s2 =	sadd.s32 s3, s2  }
0x8d: {  	s2 =	sadd.s32 s2, s14  }
0x8e: {  	[smem:$0x3FC3] =	sst s2  }
0x8f: {  	_ = 	snop  }
0x90: {  	s2 =	sld [smem:$0x3FD0]  }
0x91: {  	s15 =	sld [smem:$0x3FC9]  }
0x92: {  	s4 =	sld [smem:$0x3FC8]  }
0x93: {  	s6 =	simm.s32 $0xA;
	s7 =	simm.s32 $0x10;
	s5 =	sld [smem:$0x3FC7]  }
0x94: {  	[smem:s7], [sflag:s6] =	dma.local [hbm:s2], $0x1  }
0x95: {  	_ =	swait.eq [sflag:s6], $0x1  }
0x96: {  	[sflag:s6] =	ssyncset.done $0x0  }
0x97: {  	s16 =	sld [smem:$0x10];
	[sflag:s6] =	ssyncadd.s32 $0xFFFFFFFF  }
0x98: {  	s17 =	sld [smem:$0x11];
	(tm) =	ssettm $0x1  }
0x99: {  	s18 =	sld [smem:$0x3FFB];
	_ =	sdelay $0x3  }
0x9a: {  	_ =	strace s18  }
0x9b: {  	s7 =	sld [smem:$0x3FFC];
	_ =	sdelay $0x3  }
0x9c: {  	_ =	strace s7  }
0x9d: {  	s7 =	sld [smem:$0x3FFD];
	_ =	sdelay $0x3  }
0x9e: {  	_ =	strace s7  }
0x9f: {  	_ =	strace $0x8FFFFFFF  }
0xa0: {  	s19 =	sld [smem:$0x3FDB];
	_ =	sdelay $0x1  }
0xa1: {  	s8 =	simm.s32 $_scs_section_size  }
0xa2: {  	s9 =	simm.s32 $_size__tile_overlayer_lowered;
	s10 =	simm.s32 $_tile_overlayer_lowered  }
0xa3: {  	s22 =	simm.s32 $0x1BFF;
	s21 =	sshll.u32 s10, $0x1;
	s7 =	sadd.s32 s8, s19  }
0xa4: {  	s11 =	simm.s32 $0x0;
	s20 =	sshll.u32 s9, $0x1;
	s9 =	sadd.s32 s21, s7  }
0xa5: {  	[timem:s11], [sflag:s22] =	dma.local [hbm:s9], s20  }
0xa6: {  	_ =	swait.ge [sflag:s22], s20  }
0xa7: {  	s8 =	ssub.s32 $0x0, s20;
	[sflag:s22] =	ssyncset.done $0x0  }
0xa8: {  	[sflag:s22] =	ssyncadd.s32 s8;
	_ =	sdelay $0x1  }
0xa9: {  	s23 =	simm.s32 $0x1B8B  }
0xaa: {  	_ =	swait.ge [sflag:s23], $0x1  }
0xab: {  	[sflag:s23] =	ssyncset.done $0x0  }
0xac: {  	s25 =	simm.s32 $0x1B8E;
	s24 =	sld [smem:$0x3FFE];
	[sflag:s23] =	ssyncadd.s32 $0xFFFFFFFF  }
0xad: {  	s26 =	simm.s32 $execute0_lowered;
	[smem:$0x3FD2] =	sst s25  }
0xae: {  	s9 =	sshll.u32 s26, $0x1;
	_ =	strace $0x80000046;
	[dreg:$0x1] =	wrdreg $0xFFFFFFFF  }
0xaf: {  	s28 =	simm.s32 $_size_execute0_lowered;
	s7 =	sadd.s32 s7, s9;
	[dreg:$0x0] =	wrdreg $0x0  }
0xb0: {  	s9 =	sshll.u32 s28, $0x1;
	[dreg:$0x2] =	wrdreg s7  }
0xb1: {  	[dreg:$0x3] =	wrdreg s9  }
0xb2: {  	[dreg:$0x4] =	wrdreg $0xC0  }
0xb3: {  	_ =	task [dreg:s11], $0x5FFFF  }
0xb4: {  	[dreg:$0x1] =	wrdreg $0xFFFFFFFF  }
0xb5: {  	[dreg:$0x0] =	wrdreg $0x60  }
0xb6: {  	[dreg:$0x2] =	wrdreg s15  }
0xb7: {  	[dreg:$0x3] =	wrdreg s4  }
0xb8: {  	[dreg:$0x4] =	wrdreg s5  }
0xb9: {  	[dreg:$0x5] =	wrdreg s24  }
0xba: {  	[dreg:$0x6] =	wrdreg s16  }
0xbb: {  	[dreg:$0x7] =	wrdreg s17  }
0xbc: {  	[dreg:$0x8] =	wrdreg $0x9  }
0xbd: {  	_ =	task.clear_ibuf [dreg:s11], $0x9FFFF;
	_ =	strace $0x90000046  }
0xbe: {  	s29 =	simm.s32 $0x9;
	_ =	strace $0x80000048  }
0xbf: {  	_ =	swait.ge [sflag:s29], $0x1  }
0xc0: {  	[sflag:s29] =	ssyncadd.s32 $0xFFFFFFFF  }
0xc1: {  	_ =	strace $0x90000048  }
0xc2: {  	_ =	sfence  }
0xc3: {  	s30 =	sld [smem:$0x0];
	_ =	sdelay $0x2  }
0xc4: {  	s31 =	sshll.u32 s1, $0xD;
	s1 =	sshrl.u32 s1, $0x2  }
0xc5: {  	s3 =	sand.u32 $0x4000, s31;
	s1 =	sadd.s32 s1, s30  }
0xc6: {  	s0 =	sor.u32 s3, s0;
	s1 =	sshll.u32 s1, $0x11  }
0xc7: {  	s0 =	sor.u32 s1, s0  }
0xc8: {  	s0 =	sadd.s32 $0x8F2B, s0  }
0xc9: {  	[sflag:s0] =	ssyncadd.remote.s32 $0x1  }
0xca: {  	_ =	sfence.sel $0xFFFF  }
0xcb: {  	[dreg:$0x0] =	wrdreg $0xFFFFFFFF;
	(pc) =	sbr.abs _section_cstart, $3  }
0xcc: {  	[dreg:$0x1] =	wrdreg $0xFFFFFFFF  }
0xcd: {  	_ =	task.clear_ibuf [dreg:s11], $0x2FFFF;
	_ =	strace $0x9FFFFFFF  }
0xce: {  	(tm) =	ssettm $0x7FFFFFFF  }
0xcf: {  	_ =	shalt  }
tec
execute0_lowered:
.L_overlay_start_1:
0x0: {  	(tag) =	ssettag $0x1  }
0x1: {  	s5 =	rddreg [dreg:$0x0]  }
0x2: {  	s6 =	rddreg [dreg:$0x1]  }
0x3: {  	s7 =	rddreg [dreg:$0x2]  }
0x4: {  	s3 =	rddreg [dreg:$0x3]  }
0x5: {  	s8 =	rddreg [dreg:$0x4]  }
0x6: {  	s9 =	rddreg [dreg:$0x5]  }
0x7: {  	s0 =	rddreg [dreg:$0x6];
	s1 =	simm.s32 $0x0  }
0x8: {  	s2 =	simm.s32 $0x600;
	[smem:$0x7FF] =	sst s1  }
0x9: {  	s31 =	simm.s32 $0xE00;
	_ =	strace $0x80000047;
	[dreg:$0x7] =	wrdreg s2  }
0xa: {  	s4 =	simm.s32 $0x1600;
	[dreg:$0x8] =	wrdreg s31  }
0xb: {  	s10 =	simm.s32 $0x680;
	[dreg:$0x9] =	wrdreg s4  }
0xc: {  	s11 =	simm.s32 $0xE80;
	[dreg:$0xa] =	wrdreg s10  }
0xd: {  	s12 =	simm.s32 $0x1680;
	[dreg:$0xb] =	wrdreg s11  }
0xe: {  	s13 =	simm.s32 $0x700;
	[dreg:$0xc] =	wrdreg s12  }
0xf: {  	s14 =	simm.s32 $0xF00;
	[dreg:$0xd] =	wrdreg s13  }
0x10: {  	s15 =	simm.s32 $0x1700;
	[dreg:$0xe] =	wrdreg s14  }
0x11: {  	s16 =	simm.s32 $0x780;
	[dreg:$0xf] =	wrdreg s15  }
0x12: {  	s17 =	simm.s32 $0xF80;
	[dreg:$0x10] =	wrdreg s16  }
0x13: {  	s18 =	simm.s32 $0x1780;
	[dreg:$0x11] =	wrdreg s17  }
0x14: {  	s19 =	simm.s32 $0x800;
	[dreg:$0x12] =	wrdreg s18  }
0x15: {  	s20 =	simm.s32 $0x1000;
	[dreg:$0x13] =	wrdreg s19  }
0x16: {  	s21 =	simm.s32 $0x1800;
	[dreg:$0x14] =	wrdreg s20  }
0x17: {  	s22 =	simm.s32 $0x880;
	[dreg:$0x15] =	wrdreg s21  }
0x18: {  	s23 =	simm.s32 $0x1080;
	[dreg:$0x16] =	wrdreg s22  }
0x19: {  	s24 =	simm.s32 $0x1880;
	[dreg:$0x17] =	wrdreg s23  }
0x1a: {  	s25 =	simm.s32 $0x900;
	[dreg:$0x18] =	wrdreg s24  }
0x1b: {  	s26 =	simm.s32 $0x1100;
	[dreg:$0x19] =	wrdreg s25  }
0x1c: {  	s28 =	simm.s32 $0x1900;
	[dreg:$0x1a] =	wrdreg s26  }
0x1d: {  	s29 =	simm.s32 $0x980;
	[dreg:$0x1b] =	wrdreg s28  }
0x1e: {  	s30 =	simm.s32 $0x1180;
	[dreg:$0x1c] =	wrdreg s29  }
0x1f: {  	[dreg:$0x1d] =	wrdreg s30;
	s31 =	simm.s32 $0x1980  }
0x20: {  	s4 =	simm.s32 $0xA00;
	[dreg:$0x1e] =	wrdreg s31  }
0x21: {  	s10 =	simm.s32 $0x1200;
	[dreg:$0x1f] =	wrdreg s4  }
0x22: {  	s11 =	simm.s32 $0x1A00;
	[smem:$0x7E7] =	sst s10  }
0x23: {  	s12 =	simm.s32 $0xA80;
	[smem:$0x7E8] =	sst s11  }
0x24: {  	s13 =	simm.s32 $0x1A80;
	[smem:$0x7E9] =	sst s12  }
0x25: {  	s14 =	simm.s32 $0xB00;
	[smem:$0x7EB] =	sst s13  }
0x26: {  	s15 =	simm.s32 $0x1B00;
	[smem:$0x7EC] =	sst s14  }
0x27: {  	s16 =	simm.s32 $0xB80;
	[smem:$0x7EE] =	sst s15  }
0x28: {  	s17 =	simm.s32 $0x1380;
	[smem:$0x7EF] =	sst s16  }
0x29: {  	s18 =	simm.s32 $0x1B80;
	[smem:$0x7F0] =	sst s17  }
0x2a: {  	s19 =	simm.s32 $0xC00;
	[smem:$0x7F1] =	sst s18  }
0x2b: {  	s21 =	simm.s32 $0x1400;
	[smem:$0x7F2] =	sst s19  }
0x2c: {  	s22 =	simm.s32 $0x1C00;
	[smem:$0x7F3] =	sst s21  }
0x2d: {  	s23 =	simm.s32 $0xC80;
	[smem:$0x7F4] =	sst s22  }
0x2e: {  	s24 =	simm.s32 $0x1480;
	[smem:$0x7F5] =	sst s23  }
0x2f: {  	s25 =	simm.s32 $0x1C80;
	[smem:$0x7F6] =	sst s24  }
0x30: {  	s26 =	simm.s32 $0xD00;
	[smem:$0x7F7] =	sst s25  }
0x31: {  	s2 =	sadd.s32 $0x600, s3;
	s28 =	simm.s32 $0x1500;
	[smem:$0x7F8] =	sst s26  }
0x32: {  	s3 =	sadd.s32 $0xF42A00, s3;
	s29 =	simm.s32 $0x1D00;
	[smem:$0x7F9] =	sst s28  }
0x33: {  	s30 =	simm.s32 $0xD80;
	s4 =	simm.s32 $0x1280;
	[smem:$0x7FA] =	sst s29  }
0x34: {  	s10 =	srdreg.scid;
	s11 =	simm.s32 $0x1300;
	[smem:$0x7FB] =	sst s30  }
0x35: {  	s31 =	simm.s32 $0x1580;
	s14 =	simm.s32 $0x1D80;
	[smem:$0x7EA] =	sst s4  }
0x36: {  	s15 =	simm.s32 $0x1E00;
	s16 =	simm.s32 $0x2000;
	[smem:$0x7ED] =	sst s11  }
0x37: {  	s17 =	simm.s32 $0x0;
	s4 =	stileid.u32;
	[smem:$0x7FC] =	sst s31  }
0x38: {  	s10 =	sand.u32 $0x1, s10;
	s11 =	simm.s32 $0x2;
	[smem:$0x7FD] =	sst s14  }
0x39: {  	vm0 =	vmmov $0x1;
	vm1 =	vmmov $0x3;
	vm2 =	vmmov $0x7;
	s12 =	ssub.s32 $0x2, s10;
	s20 =	sshll.u32 s4, $0x7;
	s10 =	sshll.u32 s10, $0x6  }
0x3a: {  	vm3 =	vmmov $0xf;
	vm4 =	vmmov $0x1f;
	vm5 =	vmmov $0x3f;
	s14 =	simm.s32 $0x1;
	s13 =	sshrl.u32 s12, $0x1;
	s10 =	sor.u32 s10, s20  }
0x3b: {  	vm6 =	vmmov $0x7f;
	vm7 =	vmmov $0xff;
	vm8 =	vmmov $0x1ff;
	s12 =	ssub.s32 s12, s13;
	s5 =	sadd.s32 s5, s10;
	s6 =	sadd.s32 s6, s10  }
0x3c: {  	vm9 =	vmmov $0x3ff;
	vm10 =	vmmov $0x7ff;
	vm11 =	vmmov $0xfff;
	s7 =	sadd.s32 s7, s10;
	s8 =	sadd.s32 s8, s10;
	s9 =	sadd.s32 s9, s10  }
0x3d: {  	vm12 =	vmmov $0x1fff;
	vm13 =	vmmov $0x3fff;
	vm14 =	vmmov $0x7fff;
	s13 =	simm.s32 $0x400;
	s10 =	smax.u32 s12, $0x1;
	s12 =	simm.s32 $0x200  }
.LBB2_1:
0x3e: {  	[tilespmem:s1], [sflag:$0x2] =	stream.linear.gather [hbm4b:s5+s1], $0x200, $0x38;
	[tilespmem:$0x2200] =	vst v63  }
0x3f: {  	_ =	swait.ge [sflag:s11], $0x200  }
0x40: {  	[sflag:s11] =	ssyncset.done $0x0  }
0x41: {  	[sflag:s11] =	ssyncadd.s32 $0xFFFFFE00  }
0x42: {  	[tilespmem:s12], [sflag:$0x2] =	stream.linear.gather [hbm4b:s6+s1], $0x200, $0x38;
	[tilespmem:$0x2200] =	vst v63  }
0x43: {  	_ =	swait.ge [sflag:s11], $0x200  }
0x44: {  	[sflag:s11] =	ssyncset.done $0x0  }
0x45: {  	[sflag:s11] =	ssyncadd.s32 $0xFFFFFE00  }
0x46: {  	[tilespmem:s13], [sflag:$0x2] =	stream.linear.gather [hbm4b:s7+s1], $0x200, $0x38;
	[tilespmem:$0x2200] =	vst v63  }
0x47: {  	_ =	swait.ge [sflag:s11], $0x200  }
0x48: {  	[sflag:s11] =	ssyncset.done $0x0  }
0x49: {  	s18 =	simm.s32 $0x0;
	[sflag:s11] =	ssyncadd.s32 $0xFFFFFE00  }
.LBB2_2:
0x4a: {  	s19 =	sshra.s32 s18, $0x2  }
0x4b: {  	v0 =	vld [tilespmem:s19+$0x0];
	_ =	sdelay $0x1  }
0x4c: {  	v1 =	vld [tilespmem:s19+$0x200];
	_ =	sdelay $0x1  }
0x4d: {  	v62 =	vld [tilespmem:s19+$0x400]  }
0x4e: {  	v2 =	vshll.u32 v0, $0x4  }
0x4f: {  	(v2sf) =	vpush v2, $0x0  }
0x50: {  	v1 =	vshll.u32 v1, $0x4  }
0x51: {  	(v2sf) =	vpush v1, $0x0  }
0x52: {  	v0 =	vshll.u32 v62, $0x4  }
0x53: {  	(v2sf) =	vpush v0, $0x0;
	_ =	sdelay $0x2  }
0x54: {  	(v2sf) =	vpush v2, $0x1;
	_ =	sdelay $0x7  }
0x55: {  	s20 =	spop (v2sf);
	(v2sf) =	vpush v1, $0x1;
	_ =	sdelay $0x1  }
0x56: {  	s28 =	spop (v2sf);
	(v2sf) =	vpush v0, $0x1;
	_ =	sdelay $0x1  }
0x57: {  	s20 =	sand.u32 $0x1FFFFFF0, s20;
	s30 =	spop (v2sf);
	(v2sf) =	vpush v2, $0x2  }
0x58: {  	s21 =	rddreg [dreg:$0x7];
	s20 =	sadd.s32 s2, s20  }
0x59: {  	[tilespmem:s21], [sflag:$0x1] =	stream.linear.gather [hbm4b:s20+s1], $0x80, $0x38;
	[tilespmem:$0x2200] =	vst v63  }
0x5a: {  	s21 =	spop (v2sf);
	(v2sf) =	vpush v1, $0x2;
	_ =	sdelay $0x7  }
0x5b: {  	s23 =	spop (v2sf);
	(v2sf) =	vpush v0, $0x2;
	_ =	sdelay $0x1  }
0x5c: {  	s25 =	spop (v2sf);
	(v2sf) =	vpush v2, $0x3;
	_ =	sdelay $0x1  }
0x5d: {  	s20 =	sand.u32 $0x1FFFFFF0, s28;
	s28 =	spop (v2sf);
	(v2sf) =	vpush v1, $0x3  }
0x5e: {  	s29 =	rddreg [dreg:$0x8];
	s20 =	sadd.s32 s3, s20  }
0x5f: {  	[tilespmem:s29], [sflag:$0x1] =	stream.linear.gather [hbm4b:s20+s1], $0x80, $0x38;
	[tilespmem:$0x2200] =	vst v63  }
0x60: {  	s20 =	sand.u32 $0x1FFFFFF0, s30;
	s30 =	spop (v2sf);
	(v2sf) =	vpush v0, $0x3;
	_ =	sdelay $0x2  }
0x61: {  	s31 =	rddreg [dreg:$0x9];
	s20 =	sadd.s32 s3, s20  }
0x62: {  	[tilespmem:s31], [sflag:$0x1] =	stream.linear.gather [hbm4b:s20+s1], $0x80, $0x38;
	[tilespmem:$0x2200] =	vst v63  }
0x63: {  	s20 =	sand.u32 $0x1FFFFFF0, s21  }
0x64: {  	s22 =	rddreg [dreg:$0xa];
	s20 =	sadd.s32 s2, s20  }
0x65: {  	[tilespmem:s22], [sflag:$0x1] =	stream.linear.gather [hbm4b:s20+s1], $0x80, $0x38;
	[tilespmem:$0x2200] =	vst v63  }
0x66: {  	s21 =	spop (v2sf);
	(v2sf) =	vpush v2, $0x4  }
0x67: {  	s20 =	sand.u32 $0x1FFFFFF0, s23  }
0x68: {  	s24 =	rddreg [dreg:$0xb];
	s20 =	sadd.s32 s3, s20;
	s23 =	spop (v2sf);
	(v2sf) =	vpush v1, $0x4  }
0x69: {  	[tilespmem:s24], [sflag:$0x1] =	stream.linear.gather [hbm4b:s20+s1], $0x80, $0x38;
	[tilespmem:$0x2200] =	vst v63  }
0x6a: {  	s20 =	sand.u32 $0x1FFFFFF0, s25;
	s25 =	spop (v2sf);
	(v2sf) =	vpush v0, $0x4  }
0x6b: {  	s26 =	rddreg [dreg:$0xc];
	s20 =	sadd.s32 s3, s20  }
0x6c: {  	[tilespmem:s26], [sflag:$0x1] =	stream.linear.gather [hbm4b:s20+s1], $0x80, $0x38;
	[tilespmem:$0x2200] =	vst v63  }
0x6d: {  	s20 =	sand.u32 $0x1FFFFFF0, s28;
	s28 =	spop (v2sf);
	(v2sf) =	vpush v2, $0x5;
	_ =	sdelay $0x2  }
0x6e: {  	s29 =	rddreg [dreg:$0xd];
	s20 =	sadd.s32 s2, s20  }
0x6f: {  	[tilespmem:s29], [sflag:$0x1] =	stream.linear.gather [hbm4b:s20+s1], $0x80, $0x38;
	[tilespmem:$0x2200] =	vst v63  }
0x70: {  	s20 =	sand.u32 $0x1FFFFFF0, s30  }
0x71: {  	s31 =	rddreg [dreg:$0xe];
	s20 =	sadd.s32 s3, s20  }
0x72: {  	[tilespmem:s31], [sflag:$0x1] =	stream.linear.gather [hbm4b:s20+s1], $0x80, $0x38;
	[tilespmem:$0x2200] =	vst v63  }
0x73: {  	s30 =	spop (v2sf);
	(v2sf) =	vpush v1, $0x5  }
0x74: {  	s20 =	sand.u32 $0x1FFFFFF0, s21  }
0x75: {  	s22 =	rddreg [dreg:$0xf];
	s20 =	sadd.s32 s3, s20;
	s21 =	spop (v2sf);
	(v2sf) =	vpush v0, $0x5  }
0x76: {  	[tilespmem:s22], [sflag:$0x1] =	stream.linear.gather [hbm4b:s20+s1], $0x80, $0x38;
	[tilespmem:$0x2200] =	vst v63  }
0x77: {  	s20 =	sand.u32 $0x1FFFFFF0, s23;
	s23 =	spop (v2sf);
	(v2sf) =	vpush v2, $0x6  }
0x78: {  	s24 =	rddreg [dreg:$0x10];
	s20 =	sadd.s32 s2, s20  }
0x79: {  	[tilespmem:s24], [sflag:$0x1] =	stream.linear.gather [hbm4b:s20+s1], $0x80, $0x38;
	[tilespmem:$0x2200] =	vst v63  }
0x7a: {  	s20 =	sand.u32 $0x1FFFFFF0, s25;
	s25 =	spop (v2sf);
	(v2sf) =	vpush v1, $0x6;
	_ =	sdelay $0x1  }
0x7b: {  	s26 =	rddreg [dreg:$0x11];
	s20 =	sadd.s32 s3, s20  }
0x7c: {  	[tilespmem:s26], [sflag:$0x1] =	stream.linear.gather [hbm4b:s20+s1], $0x80, $0x38;
	[tilespmem:$0x2200] =	vst v63  }
0x7d: {  	s20 =	sand.u32 $0x1FFFFFF0, s28  }
0x7e: {  	s29 =	rddreg [dreg:$0x12];
	s20 =	sadd.s32 s3, s20  }
0x7f: {  	[tilespmem:s29], [sflag:$0x1] =	stream.linear.gather [hbm4b:s20+s1], $0x80, $0x38;
	[tilespmem:$0x2200] =	vst v63  }
0x80: {  	s20 =	sand.u32 $0x1FFFFFF0, s30  }
0x81: {  	s31 =	rddreg [dreg:$0x13];
	s20 =	sadd.s32 s2, s20;
	s28 =	spop (v2sf);
	(v2sf) =	vpush v0, $0x6  }
0x82: {  	[tilespmem:s31], [sflag:$0x1] =	stream.linear.gather [hbm4b:s20+s1], $0x80, $0x38;
	[tilespmem:$0x2200] =	vst v63  }
0x83: {  	s30 =	spop (v2sf);
	(v2sf) =	vpush v2, $0x7  }
0x84: {  	s20 =	sand.u32 $0x1FFFFFF0, s21  }
0x85: {  	s22 =	rddreg [dreg:$0x14];
	s20 =	sadd.s32 s3, s20;
	s21 =	spop (v2sf);
	(v2sf) =	vpush v1, $0x7  }
0x86: {  	[tilespmem:s22], [sflag:$0x1] =	stream.linear.gather [hbm4b:s20+s1], $0x80, $0x38;
	[tilespmem:$0x2200] =	vst v63  }
0x87: {  	s20 =	sand.u32 $0x1FFFFFF0, s23  }
0x88: {  	s24 =	rddreg [dreg:$0x15];
	s20 =	sadd.s32 s3, s20;
	s23 =	spop (v2sf);
	(v2sf) =	vpush v0, $0x7  }
0x89: {  	[tilespmem:s24], [sflag:$0x1] =	stream.linear.gather [hbm4b:s20+s1], $0x80, $0x38;
	[tilespmem:$0x2200] =	vst v63  }
0x8a: {  	s20 =	sand.u32 $0x1FFFFFF0, s25  }
0x8b: {  	s26 =	rddreg [dreg:$0x16];
	s20 =	sadd.s32 s2, s20  }
0x8c: {  	[tilespmem:s26], [sflag:$0x1] =	stream.linear.gather [hbm4b:s20+s1], $0x80, $0x38;
	[tilespmem:$0x2200] =	vst v63  }
0x8d: {  	s20 =	sand.u32 $0x1FFFFFF0, s28  }
0x8e: {  	s29 =	rddreg [dreg:$0x17];
	s20 =	sadd.s32 s3, s20  }
0x8f: {  	[tilespmem:s29], [sflag:$0x1] =	stream.linear.gather [hbm4b:s20+s1], $0x80, $0x38;
	[tilespmem:$0x2200] =	vst v63  }
0x90: {  	s25 =	spop (v2sf);
	(v2sf) =	vpush v2, $0x8  }
0x91: {  	s20 =	sand.u32 $0x1FFFFFF0, s30  }
0x92: {  	s31 =	rddreg [dreg:$0x18];
	s20 =	sadd.s32 s3, s20;
	s28 =	spop (v2sf);
	(v2sf) =	vpush v1, $0x8  }
0x93: {  	[tilespmem:s31], [sflag:$0x1] =	stream.linear.gather [hbm4b:s20+s1], $0x80, $0x38;
	[tilespmem:$0x2200] =	vst v63  }
0x94: {  	s20 =	sand.u32 $0x1FFFFFF0, s21;
	s30 =	spop (v2sf);
	(v2sf) =	vpush v0, $0x8  }
0x95: {  	s22 =	rddreg [dreg:$0x19];
	s20 =	sadd.s32 s2, s20  }
0x96: {  	[tilespmem:s22], [sflag:$0x1] =	stream.linear.gather [hbm4b:s20+s1], $0x80, $0x38;
	[tilespmem:$0x2200] =	vst v63  }
0x97: {  	s21 =	spop (v2sf);
	(v2sf) =	vpush v2, $0x9  }
0x98: {  	s20 =	sand.u32 $0x1FFFFFF0, s23  }
0x99: {  	s24 =	rddreg [dreg:$0x1a];
	s20 =	sadd.s32 s3, s20  }
0x9a: {  	[tilespmem:s24], [sflag:$0x1] =	stream.linear.gather [hbm4b:s20+s1], $0x80, $0x38;
	[tilespmem:$0x2200] =	vst v63  }
0x9b: {  	s20 =	sand.u32 $0x1FFFFFF0, s25  }
0x9c: {  	s26 =	rddreg [dreg:$0x1b];
	s20 =	sadd.s32 s3, s20  }
0x9d: {  	[tilespmem:s26], [sflag:$0x1] =	stream.linear.gather [hbm4b:s20+s1], $0x80, $0x38;
	[tilespmem:$0x2200] =	vst v63  }
0x9e: {  	s20 =	sand.u32 $0x1FFFFFF0, s28  }
0x9f: {  	s29 =	rddreg [dreg:$0x1c];
	s20 =	sadd.s32 s2, s20;
	s23 =	spop (v2sf);
	(v2sf) =	vpush v1, $0x9  }
0xa0: {  	[tilespmem:s29], [sflag:$0x1] =	stream.linear.gather [hbm4b:s20+s1], $0x80, $0x38;
	[tilespmem:$0x2200] =	vst v63  }
0xa1: {  	s25 =	spop (v2sf);
	(v2sf) =	vpush v0, $0x9  }
0xa2: {  	s20 =	sand.u32 $0x1FFFFFF0, s30  }
0xa3: {  	s31 =	rddreg [dreg:$0x1d];
	s20 =	sadd.s32 s3, s20;
	s28 =	spop (v2sf);
	(v2sf) =	vpush v2, $0xA  }
0xa4: {  	[tilespmem:s31], [sflag:$0x1] =	stream.linear.gather [hbm4b:s20+s1], $0x80, $0x38;
	[tilespmem:$0x2200] =	vst v63  }
0xa5: {  	s20 =	sand.u32 $0x1FFFFFF0, s21  }
0xa6: {  	s22 =	rddreg [dreg:$0x1e];
	s20 =	sadd.s32 s3, s20;
	s30 =	spop (v2sf);
	(v2sf) =	vpush v1, $0xA  }
0xa7: {  	[tilespmem:s22], [sflag:$0x1] =	stream.linear.gather [hbm4b:s20+s1], $0x80, $0x38;
	[tilespmem:$0x2200] =	vst v63  }
0xa8: {  	s24 =	rddreg [dreg:$0x1f];
	s20 =	sand.u32 $0x1FFFFFF0, s23  }
0xa9: {  	s26 =	sld [smem:$0x7E7];
	s20 =	sadd.s32 s2, s20  }
0xaa: {  	[tilespmem:s24], [sflag:$0x1] =	stream.linear.gather [hbm4b:s20+s1], $0x80, $0x38;
	[tilespmem:$0x2200] =	vst v63  }
0xab: {  	s20 =	sand.u32 $0x1FFFFFF0, s25  }
0xac: {  	s20 =	sadd.s32 s3, s20  }
0xad: {  	[tilespmem:s26], [sflag:$0x1] =	stream.linear.gather [hbm4b:s20+s1], $0x80, $0x38;
	[tilespmem:$0x2200] =	vst v63  }
0xae: {  	s29 =	sld [smem:$0x7E8];
	s21 =	spop (v2sf);
	(v2sf) =	vpush v0, $0xA  }
0xaf: {  	s20 =	sand.u32 $0x1FFFFFF0, s28  }
0xb0: {  	s31 =	sld [smem:$0x7E9];
	s20 =	sadd.s32 s3, s20;
	s23 =	spop (v2sf);
	(v2sf) =	vpush v2, $0xB  }
0xb1: {  	[tilespmem:s29], [sflag:$0x1] =	stream.linear.gather [hbm4b:s20+s1], $0x80, $0x38;
	[tilespmem:$0x2200] =	vst v63  }
0xb2: {  	s20 =	sand.u32 $0x1FFFFFF0, s30;
	s25 =	spop (v2sf);
	(v2sf) =	vpush v1, $0xB  }
0xb3: {  	s20 =	sadd.s32 s2, s20  }
0xb4: {  	[tilespmem:s31], [sflag:$0x1] =	stream.linear.gather [hbm4b:s20+s1], $0x80, $0x38;
	[tilespmem:$0x2200] =	vst v63  }
0xb5: {  	s22 =	sld [smem:$0x7EA];
	s28 =	spop (v2sf);
	(v2sf) =	vpush v0, $0xB  }
0xb6: {  	s20 =	sand.u32 $0x1FFFFFF0, s21  }
0xb7: {  	s24 =	sld [smem:$0x7EB];
	s20 =	sadd.s32 s3, s20  }
0xb8: {  	[tilespmem:s22], [sflag:$0x1] =	stream.linear.gather [hbm4b:s20+s1], $0x80, $0x38;
	[tilespmem:$0x2200] =	vst v63  }
0xb9: {  	s20 =	sand.u32 $0x1FFFFFF0, s23  }
0xba: {  	s26 =	sld [smem:$0x7EC];
	s20 =	sadd.s32 s3, s20  }
0xbb: {  	[tilespmem:s24], [sflag:$0x1] =	stream.linear.gather [hbm4b:s20+s1], $0x80, $0x38;
	[tilespmem:$0x2200] =	vst v63  }
0xbc: {  	s20 =	sand.u32 $0x1FFFFFF0, s25  }
0xbd: {  	s20 =	sadd.s32 s2, s20;
	s30 =	spop (v2sf);
	(v2sf) =	vpush v2, $0xC  }
0xbe: {  	[tilespmem:s26], [sflag:$0x1] =	stream.linear.gather [hbm4b:s20+s1], $0x80, $0x38;
	[tilespmem:$0x2200] =	vst v63  }
0xbf: {  	s29 =	sld [smem:$0x7ED];
	s21 =	spop (v2sf);
	(v2sf) =	vpush v1, $0xC  }
0xc0: {  	s20 =	sand.u32 $0x1FFFFFF0, s28  }
0xc1: {  	s31 =	sld [smem:$0x7EE];
	s20 =	sadd.s32 s3, s20;
	s23 =	spop (v2sf);
	(v2sf) =	vpush v0, $0xC  }
0xc2: {  	[tilespmem:s29], [sflag:$0x1] =	stream.linear.gather [hbm4b:s20+s1], $0x80, $0x38;
	[tilespmem:$0x2200] =	vst v63  }
0xc3: {  	s20 =	sand.u32 $0x1FFFFFF0, s30  }
0xc4: {  	s22 =	sld [smem:$0x7EF];
	s20 =	sadd.s32 s3, s20;
	s25 =	spop (v2sf);
	(v2sf) =	vpush v2, $0xD  }
0xc5: {  	[tilespmem:s31], [sflag:$0x1] =	stream.linear.gather [hbm4b:s20+s1], $0x80, $0x38;
	[tilespmem:$0x2200] =	vst v63  }
0xc6: {  	s20 =	sand.u32 $0x1FFFFFF0, s21  }
0xc7: {  	s24 =	sld [smem:$0x7F0];
	s20 =	sadd.s32 s2, s20  }
0xc8: {  	[tilespmem:s22], [sflag:$0x1] =	stream.linear.gather [hbm4b:s20+s1], $0x80, $0x38;
	[tilespmem:$0x2200] =	vst v63  }
0xc9: {  	s20 =	sand.u32 $0x1FFFFFF0, s23  }
0xca: {  	s20 =	sadd.s32 s3, s20  }
0xcb: {  	[tilespmem:s24], [sflag:$0x1] =	stream.linear.gather [hbm4b:s20+s1], $0x80, $0x38;
	[tilespmem:$0x2200] =	vst v63  }
0xcc: {  	s26 =	sld [smem:$0x7F1];
	s28 =	spop (v2sf);
	(v2sf) =	vpush v1, $0xD  }
0xcd: {  	s20 =	sand.u32 $0x1FFFFFF0, s25  }
0xce: {  	s29 =	sld [smem:$0x7F2];
	s20 =	sadd.s32 s3, s20;
	s30 =	spop (v2sf);
	(v2sf) =	vpush v0, $0xD  }
0xcf: {  	[tilespmem:s26], [sflag:$0x1] =	stream.linear.gather [hbm4b:s20+s1], $0x80, $0x38;
	[tilespmem:$0x2200] =	vst v63  }
0xd0: {  	s20 =	sand.u32 $0x1FFFFFF0, s28;
	s21 =	spop (v2sf);
	(v2sf) =	vpush v2, $0xE  }
0xd1: {  	s20 =	sadd.s32 s2, s20  }
0xd2: {  	[tilespmem:s29], [sflag:$0x1] =	stream.linear.gather [hbm4b:s20+s1], $0x80, $0x38;
	[tilespmem:$0x2200] =	vst v63  }
0xd3: {  	s31 =	sld [smem:$0x7F3];
	s23 =	spop (v2sf);
	(v2sf) =	vpush v1, $0xE  }
0xd4: {  	s20 =	sand.u32 $0x1FFFFFF0, s30  }
0xd5: {  	s22 =	sld [smem:$0x7F4];
	s20 =	sadd.s32 s3, s20  }
0xd6: {  	[tilespmem:s31], [sflag:$0x1] =	stream.linear.gather [hbm4b:s20+s1], $0x80, $0x38;
	[tilespmem:$0x2200] =	vst v63  }
0xd7: {  	s20 =	sand.u32 $0x1FFFFFF0, s21  }
0xd8: {  	s24 =	sld [smem:$0x7F5];
	s20 =	sadd.s32 s3, s20  }
0xd9: {  	[tilespmem:s22], [sflag:$0x1] =	stream.linear.gather [hbm4b:s20+s1], $0x80, $0x38;
	[tilespmem:$0x2200] =	vst v63  }
0xda: {  	s20 =	sand.u32 $0x1FFFFFF0, s23  }
0xdb: {  	s20 =	sadd.s32 s2, s20;
	s25 =	spop (v2sf);
	(v2sf) =	vpush v0, $0xE  }
0xdc: {  	[tilespmem:s24], [sflag:$0x1] =	stream.linear.gather [hbm4b:s20+s1], $0x80, $0x38;
	[tilespmem:$0x2200] =	vst v63  }
0xdd: {  	s26 =	sld [smem:$0x7F6];
	s28 =	spop (v2sf);
	(v2sf) =	vpush v2, $0xF  }
0xde: {  	s20 =	sand.u32 $0x1FFFFFF0, s25  }
0xdf: {  	s29 =	sld [smem:$0x7F7];
	s20 =	sadd.s32 s3, s20;
	s30 =	spop (v2sf)  }
0xe0: {  	(v2sf) =	vpush v1, $0xF;
	[tilespmem:s26], [sflag:$0x1] =	stream.linear.gather [hbm4b:s20+s1], $0x80, $0x38;
	[tilespmem:$0x2200] =	vst v63  }
0xe1: {  	s20 =	sand.u32 $0x1FFFFFF0, s28  }
0xe2: {  	s31 =	sld [smem:$0x7F8];
	s21 =	spop (v2sf);
	s20 =	sadd.s32 s3, s20  }
0xe3: {  	(v2sf) =	vpush v0, $0xF;
	[tilespmem:s29], [sflag:$0x1] =	stream.linear.gather [hbm4b:s20+s1], $0x80, $0x38;
	[tilespmem:$0x2200] =	vst v63  }
0xe4: {  	s20 =	sand.u32 $0x1FFFFFF0, s30  }
0xe5: {  	s22 =	sld [smem:$0x7F9];
	s20 =	sadd.s32 s2, s20  }
0xe6: {  	[tilespmem:s31], [sflag:$0x1] =	stream.linear.gather [hbm4b:s20+s1], $0x80, $0x38;
	[tilespmem:$0x2200] =	vst v63  }
0xe7: {  	s20 =	sand.u32 $0x1FFFFFF0, s21  }
0xe8: {  	s20 =	sadd.s32 s3, s20  }
0xe9: {  	[tilespmem:s22], [sflag:$0x1] =	stream.linear.gather [hbm4b:s20+s1], $0x80, $0x38;
	[tilespmem:$0x2200] =	vst v63  }
0xea: {  	s24 =	sld [smem:$0x7FA];
	s23 =	spop (v2sf)  }
0xeb: {  	s20 =	sand.u32 $0x1FFFFFF0, s23  }
0xec: {  	s26 =	sld [smem:$0x7FB];
	s25 =	spop (v2sf);
	s20 =	sadd.s32 s3, s20  }
0xed: {  	[tilespmem:s24], [sflag:$0x1] =	stream.linear.gather [hbm4b:s20+s1], $0x80, $0x38;
	[tilespmem:$0x2200] =	vst v63  }
0xee: {  	s20 =	sand.u32 $0x1FFFFFF0, s25  }
0xef: {  	s29 =	sld [smem:$0x7FC];
	s28 =	spop (v2sf);
	s20 =	sadd.s32 s2, s20  }
0xf0: {  	[tilespmem:s26], [sflag:$0x1] =	stream.linear.gather [hbm4b:s20+s1], $0x80, $0x38;
	[tilespmem:$0x2200] =	vst v63  }
0xf1: {  	s20 =	sand.u32 $0x1FFFFFF0, s28  }
0xf2: {  	s31 =	sld [smem:$0x7FD];
	s30 =	spop (v2sf);
	s20 =	sadd.s32 s3, s20  }
0xf3: {  	[tilespmem:s29], [sflag:$0x1] =	stream.linear.gather [hbm4b:s20+s1], $0x80, $0x38;
	[tilespmem:$0x2200] =	vst v63  }
0xf4: {  	s20 =	sand.u32 $0x1FFFFFF0, s30  }
0xf5: {  	s20 =	sadd.s32 s3, s20  }
0xf6: {  	[tilespmem:s31], [sflag:$0x1] =	stream.linear.gather [hbm4b:s20+s1], $0x80, $0x38;
	[tilespmem:$0x2200] =	vst v63  }
0xf7: {  	_ =	swait.ge [sflag:s14], $0x1800  }
0xf8: {  	[sflag:s14] =	ssyncset.done $0x0  }
0xf9: {  	[sflag:s14] =	ssyncadd.s32 $0xFFFFE800  }
0xfa: {  	v63 =	vld [tilespmem:$0x600]  }
0xfb: {  	v3 =	vld [tilespmem:$0x610]  }
0xfc: {  	v4 =	vld [tilespmem:$0xE00]  }
0xfd: {  	v5 =	vld [tilespmem:$0xE10]  }
0xfe: {  	v6 =	vld [tilespmem:$0x1600]  }
0xff: {  	v7 =	vld [tilespmem:$0x1610]  }
0x100: {  	v8 =	vld [tilespmem:$0x680]  }
0x101: {  	v9 =	vld [tilespmem:$0x690]  }
0x102: {  	v10 =	vld [tilespmem:$0xE80]  }
0x103: {  	v11 =	vld [tilespmem:$0xE90]  }
0x104: {  	v12 =	vld [tilespmem:$0x1680]  }
0x105: {  	v13 =	vld [tilespmem:$0x1690]  }
0x106: {  	v14 =	vld [tilespmem:$0x700]  }
0x107: {  	v15 =	vld [tilespmem:$0x710]  }
0x108: {  	v16 =	vld [tilespmem:$0xF00]  }
0x109: {  	v17 =	vld [tilespmem:$0xF10]  }
0x10a: {  	v18 =	vld [tilespmem:$0x1700]  }
0x10b: {  	v19 =	vld [tilespmem:$0x1710]  }
0x10c: {  	v20 =	vld [tilespmem:$0x780]  }
0x10d: {  	v21 =	vld [tilespmem:$0x790]  }
0x10e: {  	v22 =	vld [tilespmem:$0xF80]  }
0x10f: {  	v23 =	vld [tilespmem:$0xF90]  }
0x110: {  	v24 =	vld [tilespmem:$0x1780]  }
0x111: {  	v25 =	vld [tilespmem:$0x1790]  }
0x112: {  	v26 =	vld [tilespmem:$0x800]  }
0x113: {  	v27 =	vld [tilespmem:$0x810]  }
0x114: {  	v28 =	vld [tilespmem:$0x1000]  }
0x115: {  	v29 =	vld [tilespmem:$0x1010]  }
0x116: {  	v30 =	vld [tilespmem:$0x1800]  }
0x117: {  	v31 =	vld [tilespmem:$0x1810]  }
0x118: {  	v32 =	vld [tilespmem:$0x880]  }
0x119: {  	v33 =	vld [tilespmem:$0x890]  }
0x11a: {  	v34 =	vld [tilespmem:$0x1080]  }
0x11b: {  	v35 =	vld [tilespmem:$0x1090]  }
0x11c: {  	v36 =	vld [tilespmem:$0x1880]  }
0x11d: {  	v37 =	vld [tilespmem:$0x1890]  }
0x11e: {  	v38 =	vld [tilespmem:$0x900]  }
0x11f: {  	v39 =	vld [tilespmem:$0x910]  }
0x120: {  	v40 =	vld [tilespmem:$0x1100]  }
0x121: {  	v41 =	vld [tilespmem:$0x1110]  }
0x122: {  	v42 =	vld [tilespmem:$0x1900]  }
0x123: {  	v43 =	vld [tilespmem:$0x1910]  }
0x124: {  	v44 =	vld [tilespmem:$0x980]  }
0x125: {  	v45 =	vld [tilespmem:$0x990]  }
0x126: {  	v46 =	vld [tilespmem:$0x1180]  }
0x127: {  	v47 =	vld [tilespmem:$0x1190]  }
0x128: {  	v48 =	vld [tilespmem:$0x1980]  }
0x129: {  	v49 =	vld [tilespmem:$0x1990]  }
0x12a: {  	v0 =	vld [tilespmem:$0xA00]  }
0x12b: {  	v1 =	vld [tilespmem:$0xA10]  }
0x12c: {  	v50 =	vld [tilespmem:$0x1200]  }
0x12d: {  	v51 =	vld [tilespmem:$0x1210]  }
0x12e: {  	v52 =	vld [tilespmem:$0x1A00]  }
0x12f: {  	v53 =	vld [tilespmem:$0x1A10];
	v4 =	vmul.f32 v4, v63  }
0x130: {  	v2 =	vld [tilespmem:$0xA80];
	v5 =	vmul.f32 v5, v3;
	v6 =	vmul.f32 v6, v63  }
0x131: {  	v3 =	vmul.f32 v7, v3;
	v54 =	vmul.f32 v10, v8;
	v10 =	vld [tilespmem:$0xA90]  }
0x132: {  	v55 =	vmul.f32 v11, v9;
	v57 =	vmul.f32 v13, v9;
	v9 =	vld [tilespmem:$0x1280]  }
0x133: {  	v11 =	vld [tilespmem:$0x1290];
	v4 =	vadd.f32 v5, v4  }
0x134: {  	v56 =	vmul.f32 v12, v8;
	v12 =	vld [tilespmem:$0x1A80];
	v3 =	vadd.f32 v3, v6  }
0x135: {  	v59 =	vmul.f32 v16, v14;
	v60 =	vmul.f32 v17, v15;
	v13 =	vld [tilespmem:$0x1A90];
	v58 =	vadd.f32 v55, v54;
	(xrf2) =	vadd.scan.msk.f32 $0xffff, v4  }
0x136: {  	v62 =	vmul.f32 v18, v14;
	v63 =	vmul.f32 v19, v15;
	v14 =	vld [tilespmem:$0xB00];
	v61 =	vadd.f32 v57, v56;
	(xrf2) =	vadd.scan.msk.f32 $0xffff, v3  }
0x137: {  	v17 =	vmul.f32 v22, v20;
	v18 =	vmul.f32 v23, v21;
	v15 =	vld [tilespmem:$0xB10];
	v16 =	vadd.f32 v60, v59;
	(xrf2) =	vadd.scan.msk.f32 $0xffff, v58  }
0x138: {  	v20 =	vmul.f32 v24, v20;
	v21 =	vmul.f32 v25, v21;
	v8 =	vld [tilespmem:$0xB90];
	v19 =	vadd.f32 v63, v62;
	(xrf2) =	vadd.scan.msk.f32 $0xffff, v61  }
0x139: {  	v23 =	vmul.f32 v28, v26;
	v28 =	vmul.f32 v30, v26;
	v26 =	vld [tilespmem:$0xC00];
	v22 =	vadd.f32 v18, v17;
	(xrf2) =	vadd.scan.msk.f32 $0xffff, v16  }
0x13a: {  	v24 =	vmul.f32 v29, v27;
	v29 =	vmul.f32 v31, v27;
	v27 =	vld [tilespmem:$0x1C00];
	(xrf2) =	vadd.scan.msk.f32 $0xffff, v19  }
0x13b: {  	v25 =	vadd.f32 v21, v20;
	v5 =	vld [tilespmem:$0x1310];
	(xrf2) =	vadd.scan.msk.f32 $0xffff, v22  }
0x13c: {  	v30 =	vadd.f32 v24, v23;
	v6 =	vld [tilespmem:$0x1B00]  }
0x13d: {  	v31 =	vadd.f32 v29, v28;
	v18 =	vld [tilespmem:$0x1380];
	(xrf2) =	vadd.scan.msk.f32 $0xffff, v25  }
0x13e: {  	v20 =	vld [tilespmem:$0x1390];
	(xrf2) =	vadd.scan.msk.f32 $0xffff, v30  }
0x13f: {  	v24 =	vld [tilespmem:$0x1B90];
	(xrf2) =	vadd.scan.msk.f32 $0xffff, v31;
	v54, _, _ =	vpop (xrf2)  }
0x140: {  	v28 =	vld [tilespmem:$0xC10];
	v55, _, _ =	vpop (xrf2)  }
0x141: {  	v29 =	vld [tilespmem:$0x1400];
	v9 =	vmul.f32 v9, v2;
	v56, _, _ =	vpop (xrf2)  }
0x142: {  	v4 =	vld [tilespmem:$0x1B10];
	v11 =	vmul.f32 v11, v10;
	v7 =	vbroadcast v54, $0xF;
	v57, _, _ =	vpop (xrf2)  }
0x143: {  	v3 =	vld [tilespmem:$0xB80];
	v17 =	vbroadcast v55, $0xF;
	v19 =	vbroadcast v56, $0xF;
	v58, _, _ =	vpop (xrf2)  }
0x144: {  	v9 =	vadd.f32 v11, v9;
	v11 =	vld [tilespmem:$0xD80];
	v21 =	vbroadcast v57, $0xF;
	v59, _, _ =	vpop (xrf2);
	v61 =	vbroadcast v58, $0xF  }
0x145: {  	v16 =	vld [tilespmem:$0x1300];
	v7 =	vsel vm0, v7, v19;
	v58 =	vmul.f32 v34, v32;
	v60, _, _ =	vpop (xrf2);
	v62 =	vbroadcast v59, $0xF  }
0x146: {  	v22 =	vld [tilespmem:$0x1B80];
	v17 =	vsel vm0, v17, v21;
	v59 =	vmul.f32 v35, v33;
	v54 =	vbroadcast v60, $0xF  }
0x147: {  	v30 =	vld [tilespmem:$0x1410];
	v63, _, _ =	vpop (xrf2);
	v7 =	vsel vm1, v7, v61;
	v60 =	vmul.f32 v36, v32;
	v61 =	vmul.f32 v37, v33  }
0x148: {  	v31 =	vld [tilespmem:$0xC80];
	v25 =	vbroadcast v63, $0xF;
	v55, _, _ =	vpop (xrf2);
	v17 =	vsel vm1, v17, v62;
	v62 =	vmul.f32 v40, v38  }
0x149: {  	v21 =	vld [tilespmem:$0x1C10];
	v63 =	vmul.f32 v41, v39;
	v40 =	vmul.f32 v42, v38;
	v56, _, _ =	vpop (xrf2)  }
0x14a: {  	v35 =	vld [tilespmem:$0x1480];
	v23 =	vadd.f32 v59, v58;
	v41 =	vmul.f32 v43, v39;
	v19 =	vbroadcast v56, $0xF  }
0x14b: {  	v33 =	vld [tilespmem:$0xC90];
	v43 =	vmul.f32 v46, v44;
	v46 =	vmul.f32 v47, v45;
	v17 =	vsel vm2, v17, v25  }
0x14c: {  	v37 =	vld [tilespmem:$0x1490];
	v58 =	vmul.f32 v51, v1;
	v17 =	vsel vm3, v17, v19;
	v19 =	vadd.f32 v61, v60  }
0x14d: {  	v32 =	vld [tilespmem:$0xD10];
	v57 =	vbroadcast v55, $0xF;
	v7 =	vsel vm2, v7, v54;
	(xrf2) =	vadd.scan.msk.f32 $0xffff, v23;
	v42 =	vadd.f32 v63, v62  }
0x14e: {  	v36 =	vld [tilespmem:$0xD90];
	v54 =	vmul.f32 v48, v44;
	v55 =	vmul.f32 v49, v45;
	v47 =	vadd.f32 v41, v40;
	(xrf2) =	vadd.scan.msk.f32 $0xffff, v19  }
0x14f: {  	v38 =	vld [tilespmem:$0x1C80];
	v56 =	vadd.f32 v46, v43;
	v7 =	vsel vm3, v7, v57;
	v57 =	vmul.f32 v50, v0;
	(xrf2) =	vadd.scan.msk.f32 $0xffff, v42  }
0x150: {  	v39 =	vld [tilespmem:$0x1C90];
	v1 =	vmul.f32 v53, v1;
	v59 =	vadd.f32 v55, v54;
	v0 =	vmul.f32 v52, v0;
	(xrf2) =	vadd.scan.msk.f32 $0xffff, v47  }
0x151: {  	v5 =	vmul.f32 v5, v15;
	v45 =	vld [tilespmem:$0x1580];
	v60 =	vadd.f32 v58, v57;
	(xrf2) =	vadd.scan.msk.f32 $0xffff, v56  }
0x152: {  	v40 =	vld [tilespmem:$0xD00];
	v62 =	vmul.f32 v13, v10;
	v61 =	vmul.f32 v12, v2;
	v0 =	vadd.f32 v1, v0;
	(xrf2) =	vadd.scan.msk.f32 $0xffff, v59  }
0x153: {  	v18 =	vmul.f32 v18, v3;
	v25 =	vld [tilespmem:$0x1500];
	v63 =	vmul.f32 v16, v14;
	(xrf2) =	vadd.scan.msk.f32 $0xffff, v60  }
0x154: {  	v10 =	vld [tilespmem:$0x1510];
	v14 =	vmul.f32 v6, v14;
	v16 =	vmul.f32 v4, v15;
	v13 =	vadd.f32 v62, v61;
	(xrf2) =	vadd.scan.msk.f32 $0xffff, v0  }
0x155: {  	v34 =	vmul.f32 v24, v8;
	v4 =	vld [tilespmem:$0x1D10];
	v5 =	vadd.f32 v5, v63;
	v19 =	vmul.f32 v20, v8;
	(xrf2) =	vadd.scan.msk.f32 $0xffff, v9  }
0x156: {  	v44 =	vmul.f32 v30, v28;
	v23 =	vmul.f32 v22, v3;
	v50 =	vld [tilespmem:$0x1590];
	v20 =	vadd.f32 v16, v14;
	(xrf2) =	vadd.scan.msk.f32 $0xffff, v13  }
0x157: {  	v48 =	vmul.f32 v27, v26;
	v43 =	vmul.f32 v29, v26;
	v12 =	vld [tilespmem:$0x1D00];
	v42 =	vadd.f32 v19, v18;
	v41, _, _ =	vpop (xrf2);
	(xrf2) =	vadd.scan.msk.f32 $0xffff, v5  }
0x158: {  	v49 =	vmul.f32 v21, v28;
	v53 =	vmul.f32 v35, v31;
	v55 =	vld [tilespmem:$0x1D80];
	v47 =	vadd.f32 v34, v23;
	v46, _, _ =	vpop (xrf2);
	(xrf2) =	vadd.scan.msk.f32 $0xffff, v20  }
0x159: {  	v52 =	vadd.f32 v44, v43;
	v54 =	vmul.f32 v37, v33;
	v58 =	vmul.f32 v38, v31;
	v60 =	vld [tilespmem:$0x1D90];
	v51, _, _ =	vpop (xrf2);
	(xrf2) =	vadd.scan.msk.f32 $0xffff, v42  }
0x15a: {  	v57 =	vadd.f32 v49, v48;
	v63 =	vmul.f32 v25, v40;
	v59 =	vmul.f32 v39, v33;
	v56, _, _ =	vpop (xrf2);
	(xrf2) =	vadd.scan.msk.f32 $0xffff, v47  }
0x15b: {  	v62 =	vadd.f32 v54, v53;
	v22 =	vmul.f32 v10, v32;
	v26 =	vmul.f32 v4, v32;
	v61, _, _ =	vpop (xrf2);
	(xrf2) =	vadd.scan.msk.f32 $0xffff, v52  }
0x15c: {  	v32 =	vmul.f32 v45, v11;
	v25 =	vmul.f32 v12, v40;
	v24 =	vadd.f32 v59, v58;
	v23, _, _ =	vpop (xrf2);
	(xrf2) =	vadd.scan.msk.f32 $0xffff, v57  }
0x15d: {  	v35 =	vmul.f32 v55, v11;
	v6 =	vadd.f32 v22, v63;
	v33 =	vmul.f32 v50, v36;
	v27, _, _ =	vpop (xrf2);
	(xrf2) =	vadd.scan.msk.f32 $0xffff, v62  }
0x15e: {  	v31 =	vadd.f32 v26, v25;
	v28 =	vbroadcast v41, $0xF;
	v3 =	vmul.f32 v60, v36;
	v30, _, _ =	vpop (xrf2);
	(xrf2) =	vadd.scan.msk.f32 $0xffff, v24  }
0x15f: {  	v1 =	vadd.f32 v33, v32;
	v29 =	vbroadcast v46, $0xF;
	v34, _, _ =	vpop (xrf2);
	(xrf2) =	vadd.scan.msk.f32 $0xffff, v6  }
0x160: {  	v5 =	vsel vm4, v7, v28;
	v37 =	vbroadcast v51, $0xF;
	v3 =	vadd.f32 v3, v35;
	v36, _, _ =	vpop (xrf2);
	(xrf2) =	vadd.scan.msk.f32 $0xffff, v31  }
0x161: {  	v8 =	vsel vm4, v17, v29;
	v39 =	vbroadcast v56, $0xF;
	v40 =	vbroadcast v61, $0xF;
	v38, _, _ =	vpop (xrf2)  }
0x162: {  	v0 =	vsel vm5, v5, v37;
	v42 =	vbroadcast v23, $0xF;
	v4 =	vbroadcast v27, $0xF;
	(xrf2) =	vadd.scan.msk.f32 $0xffff, v1;
	v41, _, _ =	vpop (xrf2)  }
0x163: {  	v0 =	vsel vm6, v0, v40;
	v6 =	vsel vm5, v8, v39;
	v43 =	vbroadcast v30, $0xF;
	v44, _, _ =	vpop (xrf2);
	(xrf2) =	vadd.scan.msk.f32 $0xffff, v3  }
0x164: {  	v0 =	vsel vm7, v0, v4;
	v46 =	vbroadcast v34, $0xF;
	v1 =	vsel vm6, v6, v42;
	v45, _, _ =	vpop (xrf2)  }
0x165: {  	v48 =	vbroadcast v36, $0xF;
	v1 =	vsel vm7, v1, v43;
	v2 =	vbroadcast v38, $0xF;
	v47, _, _ =	vpop (xrf2)  }
0x166: {  	v0 =	vsel vm8, v0, v46;
	v50 =	vbroadcast v41, $0xF;
	v51 =	vbroadcast v44, $0xF;
	v49, _, _ =	vpop (xrf2)  }
0x167: {  	v1 =	vsel vm8, v1, v48;
	v0 =	vsel vm9, v0, v2;
	v53 =	vbroadcast v45, $0xF;
	v52, _, _ =	vpop (xrf2)  }
0x168: {  	v1 =	vsel vm9, v1, v50;
	v0 =	vsel vm10, v0, v51;
	v55 =	vbroadcast v47, $0xF;
	v54, _, _ =	vpop (xrf2)  }
0x169: {  	v1 =	vsel vm10, v1, v53;
	v57 =	vbroadcast v49, $0xF;
	v58 =	vbroadcast v52, $0xF;
	v56, _, _ =	vpop (xrf2)  }
0x16a: {  	p0 =	sne.s32 s18, $0x7C0;
	v0 =	vsel vm11, v0, v55;
	v3 =	vbroadcast v54, $0xF;
	v59, _, _ =	vpop (xrf2);
	v60 =	vbroadcast v56, $0xF  }
.Ltmp0:
0x16b: {  	v1 =	vsel vm11, v1, v57;
	v0 =	vsel vm12, v0, v58;
	v61 =	vbroadcast v59, $0xF;
	(pc) =	sbr.rel @p0 .LBB2_2-.Ltmp0, $4  }
0x16c: {  	v62, _, _ =	vpop (xrf2);
	v1 =	vsel vm12, v1, v3;
	v0 =	vsel vm13, v0, v60  }
0x16d: {  	v1 =	vsel vm13, v1, v61;
	v63, _, _ =	vpop (xrf2);
	v0 =	vsel vm14, v0, v62  }
0x16e: {  	v1 =	vsel vm14, v1, v63;
	[tilespmem:s19+$0x1E00] =	vst v0  }
0x16f: {  	s18 =	sadd.s32 $0x40, s18;
	[tilespmem:s19+$0x2000] =	vst v1  }
0x170: {  	[hbm4b:s8+s1] =	stream.linear.scatter [tilespmem:s15], [sflag:$0x2], $0x200, $0x38;
	[tilespmem:$0x2200] =	vst v63  }
0x171: {  	s17 =	sadd.s32 $0x1, s17;
	_ =	swait.ge [sflag:s11], $0x200  }
0x172: {  	p0 =	sne.s32 s17, s10;
	[sflag:s11] =	ssyncset.done $0x0  }
.Ltmp1:
0x173: {  	[sflag:s11] =	ssyncadd.s32 $0xFFFFFE00;
	(pc) =	sbr.rel @p0 .LBB2_1-.Ltmp1, $4  }
0x174: {  	[hbm4b:s9+s1] =	stream.linear.scatter [tilespmem:s16], [sflag:$0x2], $0x200, $0x38;
	[tilespmem:$0x2200] =	vst v63  }
0x175: {  	_ =	swait.ge [sflag:s11], $0x200  }
0x176: {  	[sflag:s11] =	ssyncset.done $0x0  }
0x177: {  	[sflag:s11] =	ssyncadd.s32 $0xFFFFFE00  }
0x178: {  	_ =	sfence.sel $0x180000  }
0x179: {  	[bflag:$0x0] =	sbarrier.arrive $0xFFFF  }
0x17a: {  	p0 =	sne.s32 s4, $0x0;
	_ =	strace $0x90000047  }
0x17b: {  	s0 =	sadd.s32 @!p0 $0x100000, s0;
	[bflag:$0x2] =	sbarrier.arrive $0xFFFF  }
0x17c: {  	[sflag:s0] =	ssyncadd.tile.s32 @!p0 $0x1;
	_ =	shalt  }
.Lfunc_end2:
_tile_overlayer_lowered:
.L_overlay_start_2:
0x17d: {  	(tag) =	ssettag $0x2  }
0x17e: {  	s0 =	rddreg [dreg:$0x0];
	s2 =	stileid.u32  }
0x17f: {  	s1 =	rddreg [dreg:$0x1];
	p0 =	sne.s32 s2, $0x0  }
0x180: {  	s3 =	rddreg [dreg:$0x2];
	[bflag:$0x3] =	sbarrier.arrive $0xFFFF;
	s2 =	simm.s32 @!p0 $0x1C02  }
0x181: {  	[timem:s3], [sflag:s2] =	dma.local @!p0 [hbm:s0], s1  }
0x182: {  	s0 =	simm.s32 @!p0 $0x2  }
0x183: {  	_ =	swait.ge @!p0 [sflag:s0], s1  }
0x184: {  	s1 =	ssub.s32 @!p0 $0x0, s1;
	[sflag:s0] =	ssyncset.done @!p0 $0x0  }
0x185: {  	[sflag:s0] =	ssyncadd.s32 @!p0 s1  }
0x186: {  	[bflag:$0x3] =	sbarrier.arrive $0xFFFF  }
0x187: {  	_ =	shalt  }

</sc_bundles>
